<compile_context>
chip_gen: v7x
topology: tpu7x:2x2x1
jax: 0.10.2.dev20260603
libtpu: 0.0.44.dev20260713+nightly
codegen_flags: <defaults>
</compile_context>

<pallas_src>
import functools

import jax
import jax.numpy as jnp
from jax import lax
from jax.experimental import pallas as pl
from jax.experimental.pallas import tpu as pltpu
from jax.experimental.pallas import tpu_sc as plsc

NC = 2
NS = 16
NW = NC * NS
K = 128
DEG_W = 16
DEG_LAG = 8
_SPMEM_BUDGET = 2_031_616


def _mesh():
    return plsc.VectorSubcoreMesh(core_axis_name="c", subcore_axis_name="s")


_SC_PARAMS = pltpu.CompilerParams(use_tc_tiling_on_sc=False)


def _zero_rows(buf, d):
    @pl.loop(0, K)
    def _(i):
        @pl.loop(0, d, step=16)
        def _(j):
            buf[i, pl.ds(j, 16)] = jnp.zeros((16,), jnp.float32)


@functools.lru_cache(maxsize=None)
def _make_sc_degree(e_pad, n_pad):
    epw = e_pad // NW
    nchunk = epw // K
    rpt = n_pad // NS

    @functools.partial(
        pl.kernel,
        out_type=jax.ShapeDtypeStruct((NC, n_pad, DEG_W), jnp.float32),
        mesh=_mesh(),
        scratch_types=[
            pltpu.VMEM((nchunk, K), jnp.int32),
            pltpu.VMEM((K, DEG_W), jnp.float32),
            pltpu.VMEM_SHARED((n_pad, DEG_W), jnp.float32),
            pltpu.SemaphoreType.DMA,
        ],
        compiler_params=_SC_PARAMS,
    )
    def sc_degree(dst_hbm, out_hbm, dst_v, buf_v, acc, ssem):
        c = lax.axis_index("c")
        s = lax.axis_index("s")
        wid = s * NC + c
        base_row = s * rpt
        pltpu.sync_copy(dst_hbm.at[wid], dst_v)
        _zero_rows(buf_v, DEG_W)

        @pl.loop(0, rpt, step=K)
        def _(r):
            pltpu.sync_copy(buf_v, acc.at[pl.ds(base_row + r, K)])

        plsc.subcore_barrier()

        @pl.loop(0, K)
        def _(i):
            buf_v[i, pl.ds(0, 16)] = jnp.ones((16,), jnp.float32)

        @pl.loop(0, nchunk)
        def _(j):
            pltpu.async_copy(buf_v, acc.at[dst_v.at[j]], ssem, add=True)

            @pl.when(j >= DEG_LAG)
            def _():
                pltpu.make_async_copy(buf_v, acc.at[dst_v.at[j]], ssem).wait()

        @pl.loop(0, DEG_LAG)
        def _(j):
            pltpu.make_async_copy(buf_v, acc.at[dst_v.at[j]], ssem).wait()

        plsc.subcore_barrier()
        pltpu.sync_copy(acc.at[pl.ds(base_row, rpt)],
                        out_hbm.at[c].at[pl.ds(base_row, rpt)])

    return sc_degree


@functools.lru_cache(maxsize=None)
def _make_sc_scatter(dh, e_pad, n_pad):
    epw = e_pad // NW
    nchunk = epw // K
    nring, nphase = None, None
    for nr in (8, 4, 2):
        for np_ in (1, 2, 4, 8):
            tile_words = 2 * (nchunk // np_) * K + nr * K * dh
            if 16 * tile_words + n_pad * dh <= _SPMEM_BUDGET:
                nring, nphase = nr, np_
                break
        if nring:
            break
    assert nring is not None, "no ring/phase config fits spmem"
    pdist = nring // 2
    nch_p = nchunk // nphase
    ngroup = nch_p // nring
    rpt = n_pad // NS

    @functools.partial(
        pl.kernel,
        out_type=jax.ShapeDtypeStruct((NC, n_pad, dh), jnp.float32),
        mesh=_mesh(),
        scratch_types=[
            pltpu.VMEM((nch_p, K), jnp.int32),
            pltpu.VMEM((nch_p, K), jnp.int32),
            [pltpu.VMEM((K, dh), jnp.float32) for _ in range(nring)],
            pltpu.VMEM_SHARED((n_pad, dh), jnp.float32),
            [pltpu.SemaphoreType.DMA for _ in range(nring)],
            [pltpu.SemaphoreType.DMA for _ in range(nring)],
        ],
        compiler_params=_SC_PARAMS,
    )
    def sc_scatter(h_hbm, src_hbm, dst_hbm, out_hbm,
                   src_v, dst_v, rows_v, acc, gsem, ssem):
        c = lax.axis_index("c")
        s = lax.axis_index("s")
        wid = c * NS + s
        base_row = s * rpt
        _zero_rows(rows_v[0], dh)

        @pl.loop(0, rpt, step=K)
        def _(r):
            pltpu.sync_copy(rows_v[0], acc.at[pl.ds(base_row + r, K)])

        plsc.subcore_barrier()

        def gather(j, b):
            pltpu.async_copy(h_hbm.at[src_v.at[j]], rows_v[b], gsem[b])

        def gather_wait(j, b):
            pltpu.make_async_copy(h_hbm.at[src_v.at[j]], rows_v[b],
                                  gsem[b]).wait()

        def scatter(j, b):
            pltpu.async_copy(rows_v[b], acc.at[dst_v.at[j]], ssem[b],
                             add=True)

        def scatter_wait(j, b):
            pltpu.make_async_copy(rows_v[b], acc.at[dst_v.at[j]],
                                  ssem[b]).wait()

        for phase in range(nphase):
            pltpu.sync_copy(
                src_hbm.at[wid].at[pl.ds(phase * nch_p, nch_p)], src_v)
            pltpu.sync_copy(
                dst_hbm.at[wid].at[pl.ds(phase * nch_p, nch_p)], dst_v)

            for b in range(pdist):
                gather(b, b)

            @pl.loop(0, ngroup)
            def _(g):
                for b in range(nring):
                    j = g * nring + b
                    gather_wait(j, b)
                    scatter(j, b)
                    bp = (b + pdist) % nring

                    @pl.when(j >= pdist)
                    def _():
                        scatter_wait(j, bp)

                    @pl.when(j + pdist < nch_p)
                    def _():
                        gather(j + pdist, bp)

            for i in range(pdist):
                scatter_wait(0, (nch_p - pdist + i) % nring)

        plsc.subcore_barrier()
        pltpu.sync_copy(acc.at[pl.ds(base_row, rpt)],
                        out_hbm.at[c].at[pl.ds(base_row, rpt)])

    return sc_scatter


def _dinv_col(dp_ref, rows):
    d0 = dp_ref[0, :rows, 0:1]
    d1 = dp_ref[1, :rows, 0:1]
    return lax.rsqrt(jnp.maximum(d0 + d1, 1.0))


def _tc_layer1(x, w1, deg_p):
    n, d_hid = x.shape[0], w1.shape[1]

    def body(x_ref, w_ref, dp_ref, o_ref):
        dinv = _dinv_col(dp_ref, n)
        o_ref[...] = jnp.dot(x_ref[...], w_ref[...],
                             preferred_element_type=jnp.float32) * dinv

    return pl.pallas_call(
        body, out_shape=jax.ShapeDtypeStruct((n, d_hid), jnp.float32),
    )(x, w1, deg_p)


def _tc_layer2(agg1_p, deg_p, b1, w2):
    n_pad = agg1_p.shape[1]
    d_out = w2.shape[1]

    def body(ap_ref, dp_ref, b_ref, w_ref, o_ref):
        dinv = _dinv_col(dp_ref, n_pad)
        h1 = jnp.maximum((ap_ref[0] + ap_ref[1]) * dinv + b_ref[...], 0.0)
        o_ref[...] = jnp.dot(h1, w_ref[...],
                             preferred_element_type=jnp.float32) * dinv

    return pl.pallas_call(
        body, out_shape=jax.ShapeDtypeStruct((n_pad, d_out), jnp.float32),
    )(agg1_p, deg_p, b1, w2)


def _tc_final(agg2_p, deg_p, b2):
    n_pad, d_out = agg2_p.shape[1], agg2_p.shape[2]

    def body(ap_ref, dp_ref, b_ref, o_ref):
        dinv = _dinv_col(dp_ref, n_pad)
        o_ref[...] = (ap_ref[0] + ap_ref[1]) * dinv + b_ref[...]

    return pl.pallas_call(
        body, out_shape=jax.ShapeDtypeStruct((n_pad, d_out), jnp.float32),
    )(agg2_p, deg_p, b2)


def kernel(x, edge_index, W1, b1, W2, b2):
    n = x.shape[0]
    e = edge_index.shape[1]
    chunk_total = NW * K * 8
    e_pad = ((e + chunk_total - 1) // chunk_total) * chunk_total
    n_pad = ((n + (NS * K) - 1) // (NS * K)) * (NS * K)

    src = edge_index[0]
    dst = edge_index[1]
    pad = e_pad - e
    if pad:
        src = jnp.concatenate([src, jnp.zeros((pad,), jnp.int32)])
        dst = jnp.concatenate([dst, jnp.full((pad,), n, jnp.int32)])

    nchunk = e_pad // NW // K
    src_w = src.reshape(NW, nchunk, K)
    dst_w = dst.reshape(NW, nchunk, K)

    deg_p = _make_sc_degree(e_pad, n_pad)(dst_w)
    hs = _tc_layer1(x, W1, deg_p)
    agg1_p = _make_sc_scatter(W1.shape[1], e_pad, n_pad)(hs, src_w, dst_w)
    hs2 = _tc_layer2(agg1_p, deg_p, b1, W2)
    agg2_p = _make_sc_scatter(W2.shape[1], e_pad, n_pad)(hs2, src_w, dst_w)
    out_pad = _tc_final(agg2_p, deg_p, b2)
    return out_pad[:n]

# --- scband reference (transcript-rebuilt; emitter-appended) ---
"""Pipeline reference for scband-gcn-25709674234023 (READ-ONLY COPY).

The authoritative reference and input builder live on the scoring server;
editing this copy changes nothing except your own understanding.
"""

import jax, jax.numpy as jnp
import numpy as np

N = 10000
E = 320000
D_IN = 128
D_HID = 128
D_OUT = 64


def setup_inputs(seed: int = 0) -> dict:
    key = jax.random.key(seed)
    k1, k2, k3, k4 = jax.random.split(key, 4)
    x = jax.random.normal(k1, (N, D_IN), dtype=jnp.float32)
    edge_index = jax.random.randint(k2, (2, E), 0, N, dtype=jnp.int32)
    W1 = jax.random.normal(k3, (D_IN, D_HID), dtype=jnp.float32) * (1.0 / np.sqrt(D_IN))
    b1 = jnp.zeros((D_HID,), dtype=jnp.float32)
    W2 = jax.random.normal(k4, (D_HID, D_OUT), dtype=jnp.float32) * (1.0 / np.sqrt(D_HID))
    b2 = jnp.zeros((D_OUT,), dtype=jnp.float32)
    return {"x": x, "edge_index": edge_index, "W1": W1, "b1": b1, "W2": W2, "b2": b2}


def _gcn_layer(x, src, dst, dinv, W, b):
    # GraphConvolution: support @ (x @ W) + b, with symmetric D^-1/2 A D^-1/2 norm
    h = x @ W
    norm = (dinv[src] * dinv[dst])[:, None]
    msgs = jnp.take(h, src, axis=0) * norm
    agg = jax.ops.segment_sum(msgs, dst, num_segments=N)
    return agg + b


def reference(x, edge_index, W1, b1, W2, b2):
    src = edge_index[0]
    dst = edge_index[1]
    deg = jax.ops.segment_sum(jnp.ones((E,), dtype=jnp.float32), dst, num_segments=N)
    deg = jnp.maximum(deg, 1.0)
    dinv = jax.lax.rsqrt(deg)
    h = jax.nn.relu(_gcn_layer(x, src, dst, dinv, W1, b1))
    out = _gcn_layer(h, src, dst, dinv, W2, b2)  # final layer: no activation (logits)
    return out

if __name__ == "__main__":
    import jax
    _d = setup_inputs()
    print(jax.jit(kernel)(*tuple(_d.values())))

</pallas_src>

<mosaic_0001>
#map = affine_map<(d0, d1) -> (0, 0)>
#map1 = affine_map<(d0, d1) -> (0, 0, 0)>
module attributes {stable_mosaic.version = 14 : i64} {
  func.func @sc_scatter(%arg0: i32, %arg1: i32, %arg2: memref<10000x128xf32, #tpu.memory_space<hbm>>, %arg3: memref<32x80x128xi32, #tpu.memory_space<hbm>>, %arg4: memref<32x80x128xi32, #tpu.memory_space<hbm>>, %arg5: memref<2x10240x128xf32, #tpu.memory_space<hbm>>, %arg6: memref<40x128xi32, #tpu.memory_space<vmem>>, %arg7: memref<40x128xi32, #tpu.memory_space<vmem>>, %arg8: memref<128x128xf32, #tpu.memory_space<vmem>>, %arg9: memref<128x128xf32, #tpu.memory_space<vmem>>, %arg10: memref<10240x128xf32, #tpu.memory_space<vmem_shared>>, %arg11: memref<!tpu.dma_semaphore, #tpu.memory_space<semaphore_mem>>, %arg12: memref<!tpu.dma_semaphore, #tpu.memory_space<semaphore_mem>>, %arg13: memref<!tpu.dma_semaphore, #tpu.memory_space<semaphore_mem>>, %arg14: memref<!tpu.dma_semaphore, #tpu.memory_space<semaphore_mem>>) attributes {dimension_semantics = [#tpu.dimension_semantics<core_parallel>, #tpu.dimension_semantics<subcore_parallel>], iteration_bounds = array<i64: 2, 16>, scalar_prefetch = 0 : i64, scratch_operands = 9 : i64, tpu.core_type = #tpu.core_type<sc_vector_subcore>, window_params = [{transform_indices = #map}, {transform_indices = #map1}, {transform_indices = #map1}, {transform_indices = #map1}]} {
    %mul3A = arith.constant 16 : i32
    %mul3A_0 = arith.muli %arg0, %mul3A : i32
    %add3A = arith.addi %mul3A_0, %arg1 : i32
    %mul3A_1 = arith.constant 640 : i32
    %mul3A_2 = arith.muli %arg1, %mul3A_1 : i32
    %scan3A = arith.constant 0 : i32
    %scan3A_3 = arith.constant 128 : i32
    %scan3A_4 = arith.addi %scan3A, %scan3A_3 : i32
    %scan3A_5 = arith.constant 1 : i32
    scf.for %scan3A_49 = %scan3A to %scan3A_4 step %scan3A_5  : i32 {
      %mul3A_50 = arith.constant 1 : i32
      %mul3A_51 = arith.muli %scan3A_49, %mul3A_50 : i32
      %add3A_52 = arith.constant 0 : i32
      %add3A_53 = arith.addi %add3A_52, %mul3A_51 : i32
      %scan3A_54 = arith.constant 0 : i32
      %scan3A_55 = arith.constant 8 : i32
      %scan3A_56 = arith.addi %scan3A_54, %scan3A_55 : i32
      %scan3A_57 = arith.constant 1 : i32
      scf.for %scan3A_59 = %scan3A_54 to %scan3A_56 step %scan3A_57  : i32 {
        %mul3A_60 = arith.constant 16 : i32
        %mul3A_61 = arith.muli %scan3A_59, %mul3A_60 : i32
        %add3A_62 = arith.constant 0 : i32
        %add3A_63 = arith.addi %add3A_62, %mul3A_61 : i32
        %broadcast_in_dim3A = arith.constant 0.000000e+00 : f32
        %broadcast_in_dim3A_64 = vector.broadcast %broadcast_in_dim3A : f32 to vector<16xf32>
        %swap3A = arith.index_cast %add3A_53 : i32 to index
        %swap3A_65 = arith.index_cast %add3A_63 : i32 to index
        %swap3A_66 = tpu.vector_load %arg8[%swap3A, %swap3A_65] {strides = array<i32>} : memref<128x128xf32, #tpu.memory_space<vmem>>, vector<1x16xf32>,
        %swap3A_67 = vector.shape_cast %swap3A_66 : vector<1x16xf32> to vector<16xf32>
        %swap3A_68 = vector.shape_cast %broadcast_in_dim3A_64 : vector<16xf32> to vector<1x16xf32>
        tpu.vector_store %arg8[%swap3A, %swap3A_65], %swap3A_68 {strides = array<i32>} : memref<128x128xf32, #tpu.memory_space<vmem>>, vector<1x16xf32>,
      }
      %scan3A_58 = arith.constant 8 : i32
    }
    %scan3A_6 = arith.constant 128 : i32
    %scan3A_7 = arith.constant 0 : i32
    %scan3A_8 = arith.constant 5 : i32
    %scan3A_9 = arith.addi %scan3A_7, %scan3A_8 : i32
    %scan3A_10 = arith.constant 1 : i32
    scf.for %scan3A_49 = %scan3A_7 to %scan3A_9 step %scan3A_10  : i32 {
      %mul3A_50 = arith.constant 128 : i32
      %mul3A_51 = arith.muli %scan3A_49, %mul3A_50 : i32
      %add3A_52 = arith.constant 0 : i32
      %add3A_53 = arith.addi %add3A_52, %mul3A_51 : i32
      %add3A_54 = arith.addi %mul3A_2, %add3A_53 : i32
      "tpu.region"() ({
        %run_scoped3A = tpu.sem_alloc : memref<!tpu.dma_semaphore, #tpu.memory_space<semaphore_mem>>
        %dma_start3A_55 = arith.constant 0 : i32
        %dma_start3A_56 = tpu.memref_slice %arg10[%add3A_54, %dma_start3A_55] : memref<10240x128xf32, #tpu.memory_space<vmem_shared>> -> memref<128x128xf32, #tpu.memory_space<vmem_shared>>
        %dma_start3A_57 = arith.constant 0 : i32
        %dma_start3A_58 = tpu.memref_slice %arg10[%add3A_54, %dma_start3A_57] : memref<10240x128xf32, #tpu.memory_space<vmem_shared>> -> memref<128x128xf32, #tpu.memory_space<vmem_shared>>
        tpu.enqueue_dma source(%arg8 : memref<128x128xf32, #tpu.memory_space<vmem>>) target(%dma_start3A_58 : memref<128x128xf32, #tpu.memory_space<vmem_shared>>) target_semaphore(%run_scoped3A : memref<!tpu.dma_semaphore, #tpu.memory_space<semaphore_mem>>)
        %dma_wait3A_59 = arith.constant 0 : i32
        %dma_wait3A_60 = tpu.memref_slice %arg10[%add3A_54, %dma_wait3A_59] : memref<10240x128xf32, #tpu.memory_space<vmem_shared>> -> memref<128x128xf32, #tpu.memory_space<vmem_shared>>
        %dma_wait3A_61 = arith.constant 0 : i32
        %dma_wait3A_62 = tpu.memref_slice %arg10[%add3A_54, %dma_wait3A_61] : memref<10240x128xf32, #tpu.memory_space<vmem_shared>> -> memref<128x128xf32, #tpu.memory_space<vmem_shared>>
        tpu.wait_dma2 semaphore(%run_scoped3A : memref<!tpu.dma_semaphore, #tpu.memory_space<semaphore_mem>>) src(%arg8 : memref<128x128xf32, #tpu.memory_space<vmem>>) dst(%dma_wait3A_62 : memref<128x128xf32, #tpu.memory_space<vmem_shared>>)
        tpu.yield
      }) : () -> ()
    }
    %scan3A_11 = arith.constant 5 : i32
    %barrier3A = arith.constant 0 : index
    tpu.barrier barrier_id(%barrier3A)
    "tpu.region"() ({
      %run_scoped3A = tpu.sem_alloc : memref<!tpu.dma_semaphore, #tpu.memory_space<semaphore_mem>>
      %dma_start3A_49 = arith.constant 0 : i32
      %dma_start3A_50 = arith.constant 0 : i32
      %dma_start3A_51 = tpu.memref_slice %arg3[%add3A, %dma_start3A_49, %dma_start3A_50] : memref<32x80x128xi32, #tpu.memory_space<hbm>> -> memref<1x80x128xi32, #tpu.memory_space<hbm>>
      %dma_start3A_52 = tpu.memref_squeeze %dma_start3A_51 : memref<1x80x128xi32, #tpu.memory_space<hbm>> -> memref<80x128xi32, #tpu.memory_space<hbm>>
      %dma_start3A_53 = arith.constant 0 : i32
      %dma_start3A_54 = arith.constant 0 : i32
      %dma_start3A_55 = tpu.memref_slice %dma_start3A_52[%dma_start3A_53, %dma_start3A_54] : memref<80x128xi32, #tpu.memory_space<hbm>> -> memref<40x128xi32, #tpu.memory_space<hbm>>
      %dma_start3A_56 = arith.constant 0 : i32
      %dma_start3A_57 = arith.constant 0 : i32
      %dma_start3A_58 = tpu.memref_slice %arg3[%add3A, %dma_start3A_56, %dma_start3A_57] : memref<32x80x128xi32, #tpu.memory_space<hbm>> -> memref<1x80x128xi32, #tpu.memory_space<hbm>>
      %dma_start3A_59 = tpu.memref_squeeze %dma_start3A_58 : memref<1x80x128xi32, #tpu.memory_space<hbm>> -> memref<80x128xi32, #tpu.memory_space<hbm>>
      %dma_start3A_60 = arith.constant 0 : i32
      %dma_start3A_61 = arith.constant 0 : i32
      %dma_start3A_62 = tpu.memref_slice %dma_start3A_59[%dma_start3A_60, %dma_start3A_61] : memref<80x128xi32, #tpu.memory_space<hbm>> -> memref<40x128xi32, #tpu.memory_space<hbm>>
      tpu.enqueue_dma source(%dma_start3A_62 : memref<40x128xi32, #tpu.memory_space<hbm>>) target(%arg6 : memref<40x128xi32, #tpu.memory_space<vmem>>) target_semaphore(%run_scoped3A : memref<!tpu.dma_semaphore, #tpu.memory_space<semaphore_mem>>)
      %dma_wait3A_63 = arith.constant 0 : i32
      %dma_wait3A_64 = arith.constant 0 : i32
      %dma_wait3A_65 = tpu.memref_slice %arg3[%add3A, %dma_wait3A_63, %dma_wait3A_64] : memref<32x80x128xi32, #tpu.memory_space<hbm>> -> memref<1x80x128xi32, #tpu.memory_space<hbm>>
      %dma_wait3A_66 = tpu.memref_squeeze %dma_wait3A_65 : memref<1x80x128xi32, #tpu.memory_space<hbm>> -> memref<80x128xi32, #tpu.memory_space<hbm>>
      %dma_wait3A_67 = arith.constant 0 : i32
      %dma_wait3A_68 = arith.constant 0 : i32
      %dma_wait3A_69 = tpu.memref_slice %dma_wait3A_66[%dma_wait3A_67, %dma_wait3A_68] : memref<80x128xi32, #tpu.memory_space<hbm>> -> memref<40x128xi32, #tpu.memory_space<hbm>>
      %dma_wait3A_70 = arith.constant 0 : i32
      %dma_wait3A_71 = arith.constant 0 : i32
      %dma_wait3A_72 = tpu.memref_slice %arg3[%add3A, %dma_wait3A_70, %dma_wait3A_71] : memref<32x80x128xi32, #tpu.memory_space<hbm>> -> memref<1x80x128xi32, #tpu.memory_space<hbm>>
      %dma_wait3A_73 = tpu.memref_squeeze %dma_wait3A_72 : memref<1x80x128xi32, #tpu.memory_space<hbm>> -> memref<80x128xi32, #tpu.memory_space<hbm>>
      %dma_wait3A_74 = arith.constant 0 : i32
      %dma_wait3A_75 = arith.constant 0 : i32
      %dma_wait3A_76 = tpu.memref_slice %dma_wait3A_73[%dma_wait3A_74, %dma_wait3A_75] : memref<80x128xi32, #tpu.memory_space<hbm>> -> memref<40x128xi32, #tpu.memory_space<hbm>>
      tpu.wait_dma2 semaphore(%run_scoped3A : memref<!tpu.dma_semaphore, #tpu.memory_space<semaphore_mem>>) src(%dma_wait3A_76 : memref<40x128xi32, #tpu.memory_space<hbm>>) dst(%arg6 : memref<40x128xi32, #tpu.memory_space<vmem>>)
      tpu.yield
    }) : () -> ()
    "tpu.region"() ({
      %run_scoped3A = tpu.sem_alloc : memref<!tpu.dma_semaphore, #tpu.memory_space<semaphore_mem>>
      %dma_start3A_49 = arith.constant 0 : i32
      %dma_start3A_50 = arith.constant 0 : i32
      %dma_start3A_51 = tpu.memref_slice %arg4[%add3A, %dma_start3A_49, %dma_start3A_50] : memref<32x80x128xi32, #tpu.memory_space<hbm>> -> memref<1x80x128xi32, #tpu.memory_space<hbm>>
      %dma_start3A_52 = tpu.memref_squeeze %dma_start3A_51 : memref<1x80x128xi32, #tpu.memory_space<hbm>> -> memref<80x128xi32, #tpu.memory_space<hbm>>
      %dma_start3A_53 = arith.constant 0 : i32
      %dma_start3A_54 = arith.constant 0 : i32
      %dma_start3A_55 = tpu.memref_slice %dma_start3A_52[%dma_start3A_53, %dma_start3A_54] : memref<80x128xi32, #tpu.memory_space<hbm>> -> memref<40x128xi32, #tpu.memory_space<hbm>>
      %dma_start3A_56 = arith.constant 0 : i32
      %dma_start3A_57 = arith.constant 0 : i32
      %dma_start3A_58 = tpu.memref_slice %arg4[%add3A, %dma_start3A_56, %dma_start3A_57] : memref<32x80x128xi32, #tpu.memory_space<hbm>> -> memref<1x80x128xi32, #tpu.memory_space<hbm>>
      %dma_start3A_59 = tpu.memref_squeeze %dma_start3A_58 : memref<1x80x128xi32, #tpu.memory_space<hbm>> -> memref<80x128xi32, #tpu.memory_space<hbm>>
      %dma_start3A_60 = arith.constant 0 : i32
      %dma_start3A_61 = arith.constant 0 : i32
      %dma_start3A_62 = tpu.memref_slice %dma_start3A_59[%dma_start3A_60, %dma_start3A_61] : memref<80x128xi32, #tpu.memory_space<hbm>> -> memref<40x128xi32, #tpu.memory_space<hbm>>
      tpu.enqueue_dma source(%dma_start3A_62 : memref<40x128xi32, #tpu.memory_space<hbm>>) target(%arg7 : memref<40x128xi32, #tpu.memory_space<vmem>>) target_semaphore(%run_scoped3A : memref<!tpu.dma_semaphore, #tpu.memory_space<semaphore_mem>>)
      %dma_wait3A_63 = arith.constant 0 : i32
      %dma_wait3A_64 = arith.constant 0 : i32
      %dma_wait3A_65 = tpu.memref_slice %arg4[%add3A, %dma_wait3A_63, %dma_wait3A_64] : memref<32x80x128xi32, #tpu.memory_space<hbm>> -> memref<1x80x128xi32, #tpu.memory_space<hbm>>
      %dma_wait3A_66 = tpu.memref_squeeze %dma_wait3A_65 : memref<1x80x128xi32, #tpu.memory_space<hbm>> -> memref<80x128xi32, #tpu.memory_space<hbm>>
      %dma_wait3A_67 = arith.constant 0 : i32
      %dma_wait3A_68 = arith.constant 0 : i32
      %dma_wait3A_69 = tpu.memref_slice %dma_wait3A_66[%dma_wait3A_67, %dma_wait3A_68] : memref<80x128xi32, #tpu.memory_space<hbm>> -> memref<40x128xi32, #tpu.memory_space<hbm>>
      %dma_wait3A_70 = arith.constant 0 : i32
      %dma_wait3A_71 = arith.constant 0 : i32
      %dma_wait3A_72 = tpu.memref_slice %arg4[%add3A, %dma_wait3A_70, %dma_wait3A_71] : memref<32x80x128xi32, #tpu.memory_space<hbm>> -> memref<1x80x128xi32, #tpu.memory_space<hbm>>
      %dma_wait3A_73 = tpu.memref_squeeze %dma_wait3A_72 : memref<1x80x128xi32, #tpu.memory_space<hbm>> -> memref<80x128xi32, #tpu.memory_space<hbm>>
      %dma_wait3A_74 = arith.constant 0 : i32
      %dma_wait3A_75 = arith.constant 0 : i32
      %dma_wait3A_76 = tpu.memref_slice %dma_wait3A_73[%dma_wait3A_74, %dma_wait3A_75] : memref<80x128xi32, #tpu.memory_space<hbm>> -> memref<40x128xi32, #tpu.memory_space<hbm>>
      tpu.wait_dma2 semaphore(%run_scoped3A : memref<!tpu.dma_semaphore, #tpu.memory_space<semaphore_mem>>) src(%dma_wait3A_76 : memref<40x128xi32, #tpu.memory_space<hbm>>) dst(%arg7 : memref<40x128xi32, #tpu.memory_space<vmem>>)
      tpu.yield
    }) : () -> ()
    %dma_start3A = arith.constant 0 : i32
    %dma_start3A_12 = arith.constant 0 : i32
    %dma_start3A_13 = tpu.memref_slice %arg6[%dma_start3A, %dma_start3A_12] : memref<40x128xi32, #tpu.memory_space<vmem>> -> memref<1x128xi32, #tpu.memory_space<vmem>>
    %dma_start3A_14 = tpu.memref_squeeze %dma_start3A_13 : memref<1x128xi32, #tpu.memory_space<vmem>> -> memref<128xi32, #tpu.memory_space<vmem>>
    %dma_start3A_15 = arith.constant 0 : i32
    %dma_start3A_16 = arith.constant 0 : i32
    %dma_start3A_17 = tpu.memref_slice %arg2[%dma_start3A_15, %dma_start3A_16] : memref<10000x128xf32, #tpu.memory_space<hbm>> -> memref<10000x128xf32, #tpu.memory_space<hbm>>
    tpu.enqueue_indirect_dma source(%dma_start3A_17 : memref<10000x128xf32, #tpu.memory_space<hbm>>) target(%arg8 : memref<128x128xf32, #tpu.memory_space<vmem>>) offsets(%dma_start3A_14 : memref<128xi32, #tpu.memory_space<vmem>>) semaphore(%arg11 : memref<!tpu.dma_semaphore, #tpu.memory_space<semaphore_mem>>)
    %scan3A_18 = arith.constant 0 : i32
    %scan3A_19 = arith.constant 20 : i32
    %scan3A_20 = arith.addi %scan3A_18, %scan3A_19 : i32
    %scan3A_21 = arith.constant 1 : i32
    scf.for %scan3A_49 = %scan3A_18 to %scan3A_20 step %scan3A_21  : i32 {
      %mul3A_50 = arith.constant 1 : i32
      %mul3A_51 = arith.muli %scan3A_49, %mul3A_50 : i32
      %add3A_52 = arith.constant 0 : i32
      %add3A_53 = arith.addi %add3A_52, %mul3A_51 : i32
      %mul3A_54 = arith.constant 2 : i32
      %mul3A_55 = arith.muli %add3A_53, %mul3A_54 : i32
      %add3A_56 = arith.constant 0 : i32
      %add3A_57 = arith.addi %mul3A_55, %add3A_56 : i32
      %dma_wait3A_58 = arith.constant 0 : i32
      %dma_wait3A_59 = tpu.memref_slice %arg6[%add3A_57, %dma_wait3A_58] : memref<40x128xi32, #tpu.memory_space<vmem>> -> memref<1x128xi32, #tpu.memory_space<vmem>>
      %dma_wait3A_60 = tpu.memref_squeeze %dma_wait3A_59 : memref<1x128xi32, #tpu.memory_space<vmem>> -> memref<128xi32, #tpu.memory_space<vmem>>
      %dma_wait3A_61 = arith.constant 0 : i32
      %dma_wait3A_62 = arith.constant 0 : i32
      %dma_wait3A_63 = tpu.memref_slice %arg2[%dma_wait3A_61, %dma_wait3A_62] : memref<10000x128xf32, #tpu.memory_space<hbm>> -> memref<10000x128xf32, #tpu.memory_space<hbm>>
      tpu.wait_indirect_dma semaphore(%arg11 : memref<!tpu.dma_semaphore, #tpu.memory_space<semaphore_mem>>) src(%dma_wait3A_63 : memref<10000x128xf32, #tpu.memory_space<hbm>>) dst(%arg8 : memref<128x128xf32, #tpu.memory_space<vmem>>)
      %dma_start3A_64 = arith.constant 0 : i32
      %dma_start3A_65 = tpu.memref_slice %arg7[%add3A_57, %dma_start3A_64] : memref<40x128xi32, #tpu.memory_space<vmem>> -> memref<1x128xi32, #tpu.memory_space<vmem>>
      %dma_start3A_66 = tpu.memref_squeeze %dma_start3A_65 : memref<1x128xi32, #tpu.memory_space<vmem>> -> memref<128xi32, #tpu.memory_space<vmem>>
      %dma_start3A_67 = arith.constant 0 : i32
      %dma_start3A_68 = arith.constant 0 : i32
      %dma_start3A_69 = tpu.memref_slice %arg10[%dma_start3A_67, %dma_start3A_68] : memref<10240x128xf32, #tpu.memory_space<vmem_shared>> -> memref<10240x128xf32, #tpu.memory_space<vmem_shared>>
      tpu.enqueue_indirect_dma source(%arg8 : memref<128x128xf32, #tpu.memory_space<vmem>>) target(%dma_start3A_69 : memref<10240x128xf32, #tpu.memory_space<vmem_shared>>) offsets(%dma_start3A_66 : memref<128xi32, #tpu.memory_space<vmem>>) semaphore(%arg13 : memref<!tpu.dma_semaphore, #tpu.memory_space<semaphore_mem>>) {add = true}
      %ge3A = arith.constant 1 : i32
      %ge3A_70 = arith.cmpi sge, %add3A_57, %ge3A : i32
      %convert_element_type3A = arith.extui %ge3A_70 : i1 to i32
      %cond3A = arith.constant 0 : i32
      %cond3A_71 = arith.cmpi ne, %convert_element_type3A, %cond3A : i32
      scf.if %cond3A_71 {
        %dma_wait3A_106 = arith.constant 0 : i32
        %dma_wait3A_107 = tpu.memref_slice %arg7[%add3A_57, %dma_wait3A_106] : memref<40x128xi32, #tpu.memory_space<vmem>> -> memref<1x128xi32, #tpu.memory_space<vmem>>
        %dma_wait3A_108 = tpu.memref_squeeze %dma_wait3A_107 : memref<1x128xi32, #tpu.memory_space<vmem>> -> memref<128xi32, #tpu.memory_space<vmem>>
        %dma_wait3A_109 = arith.constant 0 : i32
        %dma_wait3A_110 = arith.constant 0 : i32
        %dma_wait3A_111 = tpu.memref_slice %arg10[%dma_wait3A_109, %dma_wait3A_110] : memref<10240x128xf32, #tpu.memory_space<vmem_shared>> -> memref<10240x128xf32, #tpu.memory_space<vmem_shared>>
        tpu.wait_indirect_dma semaphore(%arg14 : memref<!tpu.dma_semaphore, #tpu.memory_space<semaphore_mem>>) src(%arg9 : memref<128x128xf32, #tpu.memory_space<vmem>>) dst(%dma_wait3A_111 : memref<10240x128xf32, #tpu.memory_space<vmem_shared>>)
      } else {
      }
      %add3A_72 = arith.constant 1 : i32
      %add3A_73 = arith.addi %add3A_57, %add3A_72 : i32
      %lt3A = arith.constant 40 : i32
      %lt3A_74 = arith.cmpi slt, %add3A_73, %lt3A : i32
      %convert_element_type3A_75 = arith.extui %lt3A_74 : i1 to i32
      %cond3A_76 = arith.constant 0 : i32
      %cond3A_77 = arith.cmpi ne, %convert_element_type3A_75, %cond3A_76 : i32
      scf.if %cond3A_77 {
        %add3A_106 = arith.constant 1 : i32
        %add3A_107 = arith.addi %add3A_57, %add3A_106 : i32
        %dma_start3A_108 = arith.constant 0 : i32
        %dma_start3A_109 = tpu.memref_slice %arg6[%add3A_107, %dma_start3A_108] : memref<40x128xi32, #tpu.memory_space<vmem>> -> memref<1x128xi32, #tpu.memory_space<vmem>>
        %dma_start3A_110 = tpu.memref_squeeze %dma_start3A_109 : memref<1x128xi32, #tpu.memory_space<vmem>> -> memref<128xi32, #tpu.memory_space<vmem>>
        %dma_start3A_111 = arith.constant 0 : i32
        %dma_start3A_112 = arith.constant 0 : i32
        %dma_start3A_113 = tpu.memref_slice %arg2[%dma_start3A_111, %dma_start3A_112] : memref<10000x128xf32, #tpu.memory_space<hbm>> -> memref<10000x128xf32, #tpu.memory_space<hbm>>
        tpu.enqueue_indirect_dma source(%dma_start3A_113 : memref<10000x128xf32, #tpu.memory_space<hbm>>) target(%arg9 : memref<128x128xf32, #tpu.memory_space<vmem>>) offsets(%dma_start3A_110 : memref<128xi32, #tpu.memory_space<vmem>>) semaphore(%arg12 : memref<!tpu.dma_semaphore, #tpu.memory_space<semaphore_mem>>)
      } else {
      }
      %mul3A_78 = arith.constant 2 : i32
      %mul3A_79 = arith.muli %add3A_53, %mul3A_78 : i32
      %add3A_80 = arith.constant 1 : i32
      %add3A_81 = arith.addi %mul3A_79, %add3A_80 : i32
      %dma_wait3A_82 = arith.constant 0 : i32
      %dma_wait3A_83 = tpu.memref_slice %arg6[%add3A_81, %dma_wait3A_82] : memref<40x128xi32, #tpu.memory_space<vmem>> -> memref<1x128xi32, #tpu.memory_space<vmem>>
      %dma_wait3A_84 = tpu.memref_squeeze %dma_wait3A_83 : memref<1x128xi32, #tpu.memory_space<vmem>> -> memref<128xi32, #tpu.memory_space<vmem>>
      %dma_wait3A_85 = arith.constant 0 : i32
      %dma_wait3A_86 = arith.constant 0 : i32
      %dma_wait3A_87 = tpu.memref_slice %arg2[%dma_wait3A_85, %dma_wait3A_86] : memref<10000x128xf32, #tpu.memory_space<hbm>> -> memref<10000x128xf32, #tpu.memory_space<hbm>>
      tpu.wait_indirect_dma semaphore(%arg12 : memref<!tpu.dma_semaphore, #tpu.memory_space<semaphore_mem>>) src(%dma_wait3A_87 : memref<10000x128xf32, #tpu.memory_space<hbm>>) dst(%arg9 : memref<128x128xf32, #tpu.memory_space<vmem>>)
      %dma_start3A_88 = arith.constant 0 : i32
      %dma_start3A_89 = tpu.memref_slice %arg7[%add3A_81, %dma_start3A_88] : memref<40x128xi32, #tpu.memory_space<vmem>> -> memref<1x128xi32, #tpu.memory_space<vmem>>
      %dma_start3A_90 = tpu.memref_squeeze %dma_start3A_89 : memref<1x128xi32, #tpu.memory_space<vmem>> -> memref<128xi32, #tpu.memory_space<vmem>>
      %dma_start3A_91 = arith.constant 0 : i32
      %dma_start3A_92 = arith.constant 0 : i32
      %dma_start3A_93 = tpu.memref_slice %arg10[%dma_start3A_91, %dma_start3A_92] : memref<10240x128xf32, #tpu.memory_space<vmem_shared>> -> memref<10240x128xf32, #tpu.memory_space<vmem_shared>>
      tpu.enqueue_indirect_dma source(%arg9 : memref<128x128xf32, #tpu.memory_space<vmem>>) target(%dma_start3A_93 : memref<10240x128xf32, #tpu.memory_space<vmem_shared>>) offsets(%dma_start3A_90 : memref<128xi32, #tpu.memory_space<vmem>>) semaphore(%arg14 : memref<!tpu.dma_semaphore, #tpu.memory_space<semaphore_mem>>) {add = true}
      %ge3A_94 = arith.constant 1 : i32
      %ge3A_95 = arith.cmpi sge, %add3A_81, %ge3A_94 : i32
      %convert_element_type3A_96 = arith.extui %ge3A_95 : i1 to i32
      %cond3A_97 = arith.constant 0 : i32
      %cond3A_98 = arith.cmpi ne, %convert_element_type3A_96, %cond3A_97 : i32
      scf.if %cond3A_98 {
        %dma_wait3A_106 = arith.constant 0 : i32
        %dma_wait3A_107 = tpu.memref_slice %arg7[%add3A_81, %dma_wait3A_106] : memref<40x128xi32, #tpu.memory_space<vmem>> -> memref<1x128xi32, #tpu.memory_space<vmem>>
        %dma_wait3A_108 = tpu.memref_squeeze %dma_wait3A_107 : memref<1x128xi32, #tpu.memory_space<vmem>> -> memref<128xi32, #tpu.memory_space<vmem>>
        %dma_wait3A_109 = arith.constant 0 : i32
        %dma_wait3A_110 = arith.constant 0 : i32
        %dma_wait3A_111 = tpu.memref_slice %arg10[%dma_wait3A_109, %dma_wait3A_110] : memref<10240x128xf32, #tpu.memory_space<vmem_shared>> -> memref<10240x128xf32, #tpu.memory_space<vmem_shared>>
        tpu.wait_indirect_dma semaphore(%arg13 : memref<!tpu.dma_semaphore, #tpu.memory_space<semaphore_mem>>) src(%arg8 : memref<128x128xf32, #tpu.memory_space<vmem>>) dst(%dma_wait3A_111 : memref<10240x128xf32, #tpu.memory_space<vmem_shared>>)
      } else {
      }
      %add3A_99 = arith.constant 1 : i32
      %add3A_100 = arith.addi %add3A_81, %add3A_99 : i32
      %lt3A_101 = arith.constant 40 : i32
      %lt3A_102 = arith.cmpi slt, %add3A_100, %lt3A_101 : i32
      %convert_element_type3A_103 = arith.extui %lt3A_102 : i1 to i32
      %cond3A_104 = arith.constant 0 : i32
      %cond3A_105 = arith.cmpi ne, %convert_element_type3A_103, %cond3A_104 : i32
      scf.if %cond3A_105 {
        %add3A_106 = arith.constant 1 : i32
        %add3A_107 = arith.addi %add3A_81, %add3A_106 : i32
        %dma_start3A_108 = arith.constant 0 : i32
        %dma_start3A_109 = tpu.memref_slice %arg6[%add3A_107, %dma_start3A_108] : memref<40x128xi32, #tpu.memory_space<vmem>> -> memref<1x128xi32, #tpu.memory_space<vmem>>
        %dma_start3A_110 = tpu.memref_squeeze %dma_start3A_109 : memref<1x128xi32, #tpu.memory_space<vmem>> -> memref<128xi32, #tpu.memory_space<vmem>>
        %dma_start3A_111 = arith.constant 0 : i32
        %dma_start3A_112 = arith.constant 0 : i32
        %dma_start3A_113 = tpu.memref_slice %arg2[%dma_start3A_111, %dma_start3A_112] : memref<10000x128xf32, #tpu.memory_space<hbm>> -> memref<10000x128xf32, #tpu.memory_space<hbm>>
        tpu.enqueue_indirect_dma source(%dma_start3A_113 : memref<10000x128xf32, #tpu.memory_space<hbm>>) target(%arg8 : memref<128x128xf32, #tpu.memory_space<vmem>>) offsets(%dma_start3A_110 : memref<128xi32, #tpu.memory_space<vmem>>) semaphore(%arg11 : memref<!tpu.dma_semaphore, #tpu.memory_space<semaphore_mem>>)
      } else {
      }
    }
    %scan3A_22 = arith.constant 20 : i32
    %dma_wait3A = arith.constant 0 : i32
    %dma_wait3A_23 = arith.constant 0 : i32
    %dma_wait3A_24 = tpu.memref_slice %arg7[%dma_wait3A, %dma_wait3A_23] : memref<40x128xi32, #tpu.memory_space<vmem>> -> memref<1x128xi32, #tpu.memory_space<vmem>>
    %dma_wait3A_25 = tpu.memref_squeeze %dma_wait3A_24 : memref<1x128xi32, #tpu.memory_space<vmem>> -> memref<128xi32, #tpu.memory_space<vmem>>
    %dma_wait3A_26 = arith.constant 0 : i32
    %dma_wait3A_27 = arith.constant 0 : i32
    %dma_wait3A_28 = tpu.memref_slice %arg10[%dma_wait3A_26, %dma_wait3A_27] : memref<10240x128xf32, #tpu.memory_space<vmem_shared>> -> memref<10240x128xf32, #tpu.memory_space<vmem_shared>>
    tpu.wait_indirect_dma semaphore(%arg14 : memref<!tpu.dma_semaphore, #tpu.memory_space<semaphore_mem>>) src(%arg9 : memref<128x128xf32, #tpu.memory_space<vmem>>) dst(%dma_wait3A_28 : memref<10240x128xf32, #tpu.memory_space<vmem_shared>>)
    "tpu.region"() ({
      %run_scoped3A = tpu.sem_alloc : memref<!tpu.dma_semaphore, #tpu.memory_space<semaphore_mem>>
      %dma_start3A_49 = arith.constant 0 : i32
      %dma_start3A_50 = arith.constant 0 : i32
      %dma_start3A_51 = tpu.memref_slice %arg3[%add3A, %dma_start3A_49, %dma_start3A_50] : memref<32x80x128xi32, #tpu.memory_space<hbm>> -> memref<1x80x128xi32, #tpu.memory_space<hbm>>
      %dma_start3A_52 = tpu.memref_squeeze %dma_start3A_51 : memref<1x80x128xi32, #tpu.memory_space<hbm>> -> memref<80x128xi32, #tpu.memory_space<hbm>>
      %dma_start3A_53 = arith.constant 40 : i32
      %dma_start3A_54 = arith.constant 0 : i32
      %dma_start3A_55 = tpu.memref_slice %dma_start3A_52[%dma_start3A_53, %dma_start3A_54] : memref<80x128xi32, #tpu.memory_space<hbm>> -> memref<40x128xi32, #tpu.memory_space<hbm>>
      %dma_start3A_56 = arith.constant 0 : i32
      %dma_start3A_57 = arith.constant 0 : i32
      %dma_start3A_58 = tpu.memref_slice %arg3[%add3A, %dma_start3A_56, %dma_start3A_57] : memref<32x80x128xi32, #tpu.memory_space<hbm>> -> memref<1x80x128xi32, #tpu.memory_space<hbm>>
      %dma_start3A_59 = tpu.memref_squeeze %dma_start3A_58 : memref<1x80x128xi32, #tpu.memory_space<hbm>> -> memref<80x128xi32, #tpu.memory_space<hbm>>
      %dma_start3A_60 = arith.constant 40 : i32
      %dma_start3A_61 = arith.constant 0 : i32
      %dma_start3A_62 = tpu.memref_slice %dma_start3A_59[%dma_start3A_60, %dma_start3A_61] : memref<80x128xi32, #tpu.memory_space<hbm>> -> memref<40x128xi32, #tpu.memory_space<hbm>>
      tpu.enqueue_dma source(%dma_start3A_62 : memref<40x128xi32, #tpu.memory_space<hbm>>) target(%arg6 : memref<40x128xi32, #tpu.memory_space<vmem>>) target_semaphore(%run_scoped3A : memref<!tpu.dma_semaphore, #tpu.memory_space<semaphore_mem>>)
      %dma_wait3A_63 = arith.constant 0 : i32
      %dma_wait3A_64 = arith.constant 0 : i32
      %dma_wait3A_65 = tpu.memref_slice %arg3[%add3A, %dma_wait3A_63, %dma_wait3A_64] : memref<32x80x128xi32, #tpu.memory_space<hbm>> -> memref<1x80x128xi32, #tpu.memory_space<hbm>>
      %dma_wait3A_66 = tpu.memref_squeeze %dma_wait3A_65 : memref<1x80x128xi32, #tpu.memory_space<hbm>> -> memref<80x128xi32, #tpu.memory_space<hbm>>
      %dma_wait3A_67 = arith.constant 40 : i32
      %dma_wait3A_68 = arith.constant 0 : i32
      %dma_wait3A_69 = tpu.memref_slice %dma_wait3A_66[%dma_wait3A_67, %dma_wait3A_68] : memref<80x128xi32, #tpu.memory_space<hbm>> -> memref<40x128xi32, #tpu.memory_space<hbm>>
      %dma_wait3A_70 = arith.constant 0 : i32
      %dma_wait3A_71 = arith.constant 0 : i32
      %dma_wait3A_72 = tpu.memref_slice %arg3[%add3A, %dma_wait3A_70, %dma_wait3A_71] : memref<32x80x128xi32, #tpu.memory_space<hbm>> -> memref<1x80x128xi32, #tpu.memory_space<hbm>>
      %dma_wait3A_73 = tpu.memref_squeeze %dma_wait3A_72 : memref<1x80x128xi32, #tpu.memory_space<hbm>> -> memref<80x128xi32, #tpu.memory_space<hbm>>
      %dma_wait3A_74 = arith.constant 40 : i32
      %dma_wait3A_75 = arith.constant 0 : i32
      %dma_wait3A_76 = tpu.memref_slice %dma_wait3A_73[%dma_wait3A_74, %dma_wait3A_75] : memref<80x128xi32, #tpu.memory_space<hbm>> -> memref<40x128xi32, #tpu.memory_space<hbm>>
      tpu.wait_dma2 semaphore(%run_scoped3A : memref<!tpu.dma_semaphore, #tpu.memory_space<semaphore_mem>>) src(%dma_wait3A_76 : memref<40x128xi32, #tpu.memory_space<hbm>>) dst(%arg6 : memref<40x128xi32, #tpu.memory_space<vmem>>)
      tpu.yield
    }) : () -> ()
    "tpu.region"() ({
      %run_scoped3A = tpu.sem_alloc : memref<!tpu.dma_semaphore, #tpu.memory_space<semaphore_mem>>
      %dma_start3A_49 = arith.constant 0 : i32
      %dma_start3A_50 = arith.constant 0 : i32
      %dma_start3A_51 = tpu.memref_slice %arg4[%add3A, %dma_start3A_49, %dma_start3A_50] : memref<32x80x128xi32, #tpu.memory_space<hbm>> -> memref<1x80x128xi32, #tpu.memory_space<hbm>>
      %dma_start3A_52 = tpu.memref_squeeze %dma_start3A_51 : memref<1x80x128xi32, #tpu.memory_space<hbm>> -> memref<80x128xi32, #tpu.memory_space<hbm>>
      %dma_start3A_53 = arith.constant 40 : i32
      %dma_start3A_54 = arith.constant 0 : i32
      %dma_start3A_55 = tpu.memref_slice %dma_start3A_52[%dma_start3A_53, %dma_start3A_54] : memref<80x128xi32, #tpu.memory_space<hbm>> -> memref<40x128xi32, #tpu.memory_space<hbm>>
      %dma_start3A_56 = arith.constant 0 : i32
      %dma_start3A_57 = arith.constant 0 : i32
      %dma_start3A_58 = tpu.memref_slice %arg4[%add3A, %dma_start3A_56, %dma_start3A_57] : memref<32x80x128xi32, #tpu.memory_space<hbm>> -> memref<1x80x128xi32, #tpu.memory_space<hbm>>
      %dma_start3A_59 = tpu.memref_squeeze %dma_start3A_58 : memref<1x80x128xi32, #tpu.memory_space<hbm>> -> memref<80x128xi32, #tpu.memory_space<hbm>>
      %dma_start3A_60 = arith.constant 40 : i32
      %dma_start3A_61 = arith.constant 0 : i32
      %dma_start3A_62 = tpu.memref_slice %dma_start3A_59[%dma_start3A_60, %dma_start3A_61] : memref<80x128xi32, #tpu.memory_space<hbm>> -> memref<40x128xi32, #tpu.memory_space<hbm>>
      tpu.enqueue_dma source(%dma_start3A_62 : memref<40x128xi32, #tpu.memory_space<hbm>>) target(%arg7 : memref<40x128xi32, #tpu.memory_space<vmem>>) target_semaphore(%run_scoped3A : memref<!tpu.dma_semaphore, #tpu.memory_space<semaphore_mem>>)
      %dma_wait3A_63 = arith.constant 0 : i32
      %dma_wait3A_64 = arith.constant 0 : i32
      %dma_wait3A_65 = tpu.memref_slice %arg4[%add3A, %dma_wait3A_63, %dma_wait3A_64] : memref<32x80x128xi32, #tpu.memory_space<hbm>> -> memref<1x80x128xi32, #tpu.memory_space<hbm>>
      %dma_wait3A_66 = tpu.memref_squeeze %dma_wait3A_65 : memref<1x80x128xi32, #tpu.memory_space<hbm>> -> memref<80x128xi32, #tpu.memory_space<hbm>>
      %dma_wait3A_67 = arith.constant 40 : i32
      %dma_wait3A_68 = arith.constant 0 : i32
      %dma_wait3A_69 = tpu.memref_slice %dma_wait3A_66[%dma_wait3A_67, %dma_wait3A_68] : memref<80x128xi32, #tpu.memory_space<hbm>> -> memref<40x128xi32, #tpu.memory_space<hbm>>
      %dma_wait3A_70 = arith.constant 0 : i32
      %dma_wait3A_71 = arith.constant 0 : i32
      %dma_wait3A_72 = tpu.memref_slice %arg4[%add3A, %dma_wait3A_70, %dma_wait3A_71] : memref<32x80x128xi32, #tpu.memory_space<hbm>> -> memref<1x80x128xi32, #tpu.memory_space<hbm>>
      %dma_wait3A_73 = tpu.memref_squeeze %dma_wait3A_72 : memref<1x80x128xi32, #tpu.memory_space<hbm>> -> memref<80x128xi32, #tpu.memory_space<hbm>>
      %dma_wait3A_74 = arith.constant 40 : i32
      %dma_wait3A_75 = arith.constant 0 : i32
      %dma_wait3A_76 = tpu.memref_slice %dma_wait3A_73[%dma_wait3A_74, %dma_wait3A_75] : memref<80x128xi32, #tpu.memory_space<hbm>> -> memref<40x128xi32, #tpu.memory_space<hbm>>
      tpu.wait_dma2 semaphore(%run_scoped3A : memref<!tpu.dma_semaphore, #tpu.memory_space<semaphore_mem>>) src(%dma_wait3A_76 : memref<40x128xi32, #tpu.memory_space<hbm>>) dst(%arg7 : memref<40x128xi32, #tpu.memory_space<vmem>>)
      tpu.yield
    }) : () -> ()
    %dma_start3A_29 = arith.constant 0 : i32
    %dma_start3A_30 = arith.constant 0 : i32
    %dma_start3A_31 = tpu.memref_slice %arg6[%dma_start3A_29, %dma_start3A_30] : memref<40x128xi32, #tpu.memory_space<vmem>> -> memref<1x128xi32, #tpu.memory_space<vmem>>
    %dma_start3A_32 = tpu.memref_squeeze %dma_start3A_31 : memref<1x128xi32, #tpu.memory_space<vmem>> -> memref<128xi32, #tpu.memory_space<vmem>>
    %dma_start3A_33 = arith.constant 0 : i32
    %dma_start3A_34 = arith.constant 0 : i32
    %dma_start3A_35 = tpu.memref_slice %arg2[%dma_start3A_33, %dma_start3A_34] : memref<10000x128xf32, #tpu.memory_space<hbm>> -> memref<10000x128xf32, #tpu.memory_space<hbm>>
    tpu.enqueue_indirect_dma source(%dma_start3A_35 : memref<10000x128xf32, #tpu.memory_space<hbm>>) target(%arg8 : memref<128x128xf32, #tpu.memory_space<vmem>>) offsets(%dma_start3A_32 : memref<128xi32, #tpu.memory_space<vmem>>) semaphore(%arg11 : memref<!tpu.dma_semaphore, #tpu.memory_space<semaphore_mem>>)
    %scan3A_36 = arith.constant 0 : i32
    %scan3A_37 = arith.constant 20 : i32
    %scan3A_38 = arith.addi %scan3A_36, %scan3A_37 : i32
    %scan3A_39 = arith.constant 1 : i32
    scf.for %scan3A_49 = %scan3A_36 to %scan3A_38 step %scan3A_39  : i32 {
      %mul3A_50 = arith.constant 1 : i32
      %mul3A_51 = arith.muli %scan3A_49, %mul3A_50 : i32
      %add3A_52 = arith.constant 0 : i32
      %add3A_53 = arith.addi %add3A_52, %mul3A_51 : i32
      %mul3A_54 = arith.constant 2 : i32
      %mul3A_55 = arith.muli %add3A_53, %mul3A_54 : i32
      %add3A_56 = arith.constant 0 : i32
      %add3A_57 = arith.addi %mul3A_55, %add3A_56 : i32
      %dma_wait3A_58 = arith.constant 0 : i32
      %dma_wait3A_59 = tpu.memref_slice %arg6[%add3A_57, %dma_wait3A_58] : memref<40x128xi32, #tpu.memory_space<vmem>> -> memref<1x128xi32, #tpu.memory_space<vmem>>
      %dma_wait3A_60 = tpu.memref_squeeze %dma_wait3A_59 : memref<1x128xi32, #tpu.memory_space<vmem>> -> memref<128xi32, #tpu.memory_space<vmem>>
      %dma_wait3A_61 = arith.constant 0 : i32
      %dma_wait3A_62 = arith.constant 0 : i32
      %dma_wait3A_63 = tpu.memref_slice %arg2[%dma_wait3A_61, %dma_wait3A_62] : memref<10000x128xf32, #tpu.memory_space<hbm>> -> memref<10000x128xf32, #tpu.memory_space<hbm>>
      tpu.wait_indirect_dma semaphore(%arg11 : memref<!tpu.dma_semaphore, #tpu.memory_space<semaphore_mem>>) src(%dma_wait3A_63 : memref<10000x128xf32, #tpu.memory_space<hbm>>) dst(%arg8 : memref<128x128xf32, #tpu.memory_space<vmem>>)
      %dma_start3A_64 = arith.constant 0 : i32
      %dma_start3A_65 = tpu.memref_slice %arg7[%add3A_57, %dma_start3A_64] : memref<40x128xi32, #tpu.memory_space<vmem>> -> memref<1x128xi32, #tpu.memory_space<vmem>>
      %dma_start3A_66 = tpu.memref_squeeze %dma_start3A_65 : memref<1x128xi32, #tpu.memory_space<vmem>> -> memref<128xi32, #tpu.memory_space<vmem>>
      %dma_start3A_67 = arith.constant 0 : i32
      %dma_start3A_68 = arith.constant 0 : i32
      %dma_start3A_69 = tpu.memref_slice %arg10[%dma_start3A_67, %dma_start3A_68] : memref<10240x128xf32, #tpu.memory_space<vmem_shared>> -> memref<10240x128xf32, #tpu.memory_space<vmem_shared>>
      tpu.enqueue_indirect_dma source(%arg8 : memref<128x128xf32, #tpu.memory_space<vmem>>) target(%dma_start3A_69 : memref<10240x128xf32, #tpu.memory_space<vmem_shared>>) offsets(%dma_start3A_66 : memref<128xi32, #tpu.memory_space<vmem>>) semaphore(%arg13 : memref<!tpu.dma_semaphore, #tpu.memory_space<semaphore_mem>>) {add = true}
      %ge3A = arith.constant 1 : i32
      %ge3A_70 = arith.cmpi sge, %add3A_57, %ge3A : i32
      %convert_element_type3A = arith.extui %ge3A_70 : i1 to i32
      %cond3A = arith.constant 0 : i32
      %cond3A_71 = arith.cmpi ne, %convert_element_type3A, %cond3A : i32
      scf.if %cond3A_71 {
        %dma_wait3A_106 = arith.constant 0 : i32
        %dma_wait3A_107 = tpu.memref_slice %arg7[%add3A_57, %dma_wait3A_106] : memref<40x128xi32, #tpu.memory_space<vmem>> -> memref<1x128xi32, #tpu.memory_space<vmem>>
        %dma_wait3A_108 = tpu.memref_squeeze %dma_wait3A_107 : memref<1x128xi32, #tpu.memory_space<vmem>> -> memref<128xi32, #tpu.memory_space<vmem>>
        %dma_wait3A_109 = arith.constant 0 : i32
        %dma_wait3A_110 = arith.constant 0 : i32
        %dma_wait3A_111 = tpu.memref_slice %arg10[%dma_wait3A_109, %dma_wait3A_110] : memref<10240x128xf32, #tpu.memory_space<vmem_shared>> -> memref<10240x128xf32, #tpu.memory_space<vmem_shared>>
        tpu.wait_indirect_dma semaphore(%arg14 : memref<!tpu.dma_semaphore, #tpu.memory_space<semaphore_mem>>) src(%arg9 : memref<128x128xf32, #tpu.memory_space<vmem>>) dst(%dma_wait3A_111 : memref<10240x128xf32, #tpu.memory_space<vmem_shared>>)
      } else {
      }
      %add3A_72 = arith.constant 1 : i32
      %add3A_73 = arith.addi %add3A_57, %add3A_72 : i32
      %lt3A = arith.constant 40 : i32
      %lt3A_74 = arith.cmpi slt, %add3A_73, %lt3A : i32
      %convert_element_type3A_75 = arith.extui %lt3A_74 : i1 to i32
      %cond3A_76 = arith.constant 0 : i32
      %cond3A_77 = arith.cmpi ne, %convert_element_type3A_75, %cond3A_76 : i32
      scf.if %cond3A_77 {
        %add3A_106 = arith.constant 1 : i32
        %add3A_107 = arith.addi %add3A_57, %add3A_106 : i32
        %dma_start3A_108 = arith.constant 0 : i32
        %dma_start3A_109 = tpu.memref_slice %arg6[%add3A_107, %dma_start3A_108] : memref<40x128xi32, #tpu.memory_space<vmem>> -> memref<1x128xi32, #tpu.memory_space<vmem>>
        %dma_start3A_110 = tpu.memref_squeeze %dma_start3A_109 : memref<1x128xi32, #tpu.memory_space<vmem>> -> memref<128xi32, #tpu.memory_space<vmem>>
        %dma_start3A_111 = arith.constant 0 : i32
        %dma_start3A_112 = arith.constant 0 : i32
        %dma_start3A_113 = tpu.memref_slice %arg2[%dma_start3A_111, %dma_start3A_112] : memref<10000x128xf32, #tpu.memory_space<hbm>> -> memref<10000x128xf32, #tpu.memory_space<hbm>>
        tpu.enqueue_indirect_dma source(%dma_start3A_113 : memref<10000x128xf32, #tpu.memory_space<hbm>>) target(%arg9 : memref<128x128xf32, #tpu.memory_space<vmem>>) offsets(%dma_start3A_110 : memref<128xi32, #tpu.memory_space<vmem>>) semaphore(%arg12 : memref<!tpu.dma_semaphore, #tpu.memory_space<semaphore_mem>>)
      } else {
      }
      %mul3A_78 = arith.constant 2 : i32
      %mul3A_79 = arith.muli %add3A_53, %mul3A_78 : i32
      %add3A_80 = arith.constant 1 : i32
      %add3A_81 = arith.addi %mul3A_79, %add3A_80 : i32
      %dma_wait3A_82 = arith.constant 0 : i32
      %dma_wait3A_83 = tpu.memref_slice %arg6[%add3A_81, %dma_wait3A_82] : memref<40x128xi32, #tpu.memory_space<vmem>> -> memref<1x128xi32, #tpu.memory_space<vmem>>
      %dma_wait3A_84 = tpu.memref_squeeze %dma_wait3A_83 : memref<1x128xi32, #tpu.memory_space<vmem>> -> memref<128xi32, #tpu.memory_space<vmem>>
      %dma_wait3A_85 = arith.constant 0 : i32
      %dma_wait3A_86 = arith.constant 0 : i32
      %dma_wait3A_87 = tpu.memref_slice %arg2[%dma_wait3A_85, %dma_wait3A_86] : memref<10000x128xf32, #tpu.memory_space<hbm>> -> memref<10000x128xf32, #tpu.memory_space<hbm>>
      tpu.wait_indirect_dma semaphore(%arg12 : memref<!tpu.dma_semaphore, #tpu.memory_space<semaphore_mem>>) src(%dma_wait3A_87 : memref<10000x128xf32, #tpu.memory_space<hbm>>) dst(%arg9 : memref<128x128xf32, #tpu.memory_space<vmem>>)
      %dma_start3A_88 = arith.constant 0 : i32
      %dma_start3A_89 = tpu.memref_slice %arg7[%add3A_81, %dma_start3A_88] : memref<40x128xi32, #tpu.memory_space<vmem>> -> memref<1x128xi32, #tpu.memory_space<vmem>>
      %dma_start3A_90 = tpu.memref_squeeze %dma_start3A_89 : memref<1x128xi32, #tpu.memory_space<vmem>> -> memref<128xi32, #tpu.memory_space<vmem>>
      %dma_start3A_91 = arith.constant 0 : i32
      %dma_start3A_92 = arith.constant 0 : i32
      %dma_start3A_93 = tpu.memref_slice %arg10[%dma_start3A_91, %dma_start3A_92] : memref<10240x128xf32, #tpu.memory_space<vmem_shared>> -> memref<10240x128xf32, #tpu.memory_space<vmem_shared>>
      tpu.enqueue_indirect_dma source(%arg9 : memref<128x128xf32, #tpu.memory_space<vmem>>) target(%dma_start3A_93 : memref<10240x128xf32, #tpu.memory_space<vmem_shared>>) offsets(%dma_start3A_90 : memref<128xi32, #tpu.memory_space<vmem>>) semaphore(%arg14 : memref<!tpu.dma_semaphore, #tpu.memory_space<semaphore_mem>>) {add = true}
      %ge3A_94 = arith.constant 1 : i32
      %ge3A_95 = arith.cmpi sge, %add3A_81, %ge3A_94 : i32
      %convert_element_type3A_96 = arith.extui %ge3A_95 : i1 to i32
      %cond3A_97 = arith.constant 0 : i32
      %cond3A_98 = arith.cmpi ne, %convert_element_type3A_96, %cond3A_97 : i32
      scf.if %cond3A_98 {
        %dma_wait3A_106 = arith.constant 0 : i32
        %dma_wait3A_107 = tpu.memref_slice %arg7[%add3A_81, %dma_wait3A_106] : memref<40x128xi32, #tpu.memory_space<vmem>> -> memref<1x128xi32, #tpu.memory_space<vmem>>
        %dma_wait3A_108 = tpu.memref_squeeze %dma_wait3A_107 : memref<1x128xi32, #tpu.memory_space<vmem>> -> memref<128xi32, #tpu.memory_space<vmem>>
        %dma_wait3A_109 = arith.constant 0 : i32
        %dma_wait3A_110 = arith.constant 0 : i32
        %dma_wait3A_111 = tpu.memref_slice %arg10[%dma_wait3A_109, %dma_wait3A_110] : memref<10240x128xf32, #tpu.memory_space<vmem_shared>> -> memref<10240x128xf32, #tpu.memory_space<vmem_shared>>
        tpu.wait_indirect_dma semaphore(%arg13 : memref<!tpu.dma_semaphore, #tpu.memory_space<semaphore_mem>>) src(%arg8 : memref<128x128xf32, #tpu.memory_space<vmem>>) dst(%dma_wait3A_111 : memref<10240x128xf32, #tpu.memory_space<vmem_shared>>)
      } else {
      }
      %add3A_99 = arith.constant 1 : i32
      %add3A_100 = arith.addi %add3A_81, %add3A_99 : i32
      %lt3A_101 = arith.constant 40 : i32
      %lt3A_102 = arith.cmpi slt, %add3A_100, %lt3A_101 : i32
      %convert_element_type3A_103 = arith.extui %lt3A_102 : i1 to i32
      %cond3A_104 = arith.constant 0 : i32
      %cond3A_105 = arith.cmpi ne, %convert_element_type3A_103, %cond3A_104 : i32
      scf.if %cond3A_105 {
        %add3A_106 = arith.constant 1 : i32
        %add3A_107 = arith.addi %add3A_81, %add3A_106 : i32
        %dma_start3A_108 = arith.constant 0 : i32
        %dma_start3A_109 = tpu.memref_slice %arg6[%add3A_107, %dma_start3A_108] : memref<40x128xi32, #tpu.memory_space<vmem>> -> memref<1x128xi32, #tpu.memory_space<vmem>>
        %dma_start3A_110 = tpu.memref_squeeze %dma_start3A_109 : memref<1x128xi32, #tpu.memory_space<vmem>> -> memref<128xi32, #tpu.memory_space<vmem>>
        %dma_start3A_111 = arith.constant 0 : i32
        %dma_start3A_112 = arith.constant 0 : i32
        %dma_start3A_113 = tpu.memref_slice %arg2[%dma_start3A_111, %dma_start3A_112] : memref<10000x128xf32, #tpu.memory_space<hbm>> -> memref<10000x128xf32, #tpu.memory_space<hbm>>
        tpu.enqueue_indirect_dma source(%dma_start3A_113 : memref<10000x128xf32, #tpu.memory_space<hbm>>) target(%arg8 : memref<128x128xf32, #tpu.memory_space<vmem>>) offsets(%dma_start3A_110 : memref<128xi32, #tpu.memory_space<vmem>>) semaphore(%arg11 : memref<!tpu.dma_semaphore, #tpu.memory_space<semaphore_mem>>)
      } else {
      }
    }
    %scan3A_40 = arith.constant 20 : i32
    %dma_wait3A_41 = arith.constant 0 : i32
    %dma_wait3A_42 = arith.constant 0 : i32
    %dma_wait3A_43 = tpu.memref_slice %arg7[%dma_wait3A_41, %dma_wait3A_42] : memref<40x128xi32, #tpu.memory_space<vmem>> -> memref<1x128xi32, #tpu.memory_space<vmem>>
    %dma_wait3A_44 = tpu.memref_squeeze %dma_wait3A_43 : memref<1x128xi32, #tpu.memory_space<vmem>> -> memref<128xi32, #tpu.memory_space<vmem>>
    %dma_wait3A_45 = arith.constant 0 : i32
    %dma_wait3A_46 = arith.constant 0 : i32
    %dma_wait3A_47 = tpu.memref_slice %arg10[%dma_wait3A_45, %dma_wait3A_46] : memref<10240x128xf32, #tpu.memory_space<vmem_shared>> -> memref<10240x128xf32, #tpu.memory_space<vmem_shared>>
    tpu.wait_indirect_dma semaphore(%arg14 : memref<!tpu.dma_semaphore, #tpu.memory_space<semaphore_mem>>) src(%arg9 : memref<128x128xf32, #tpu.memory_space<vmem>>) dst(%dma_wait3A_47 : memref<10240x128xf32, #tpu.memory_space<vmem_shared>>)
    %barrier3A_48 = arith.constant 0 : index
    tpu.barrier barrier_id(%barrier3A_48)
    "tpu.region"() ({
      %run_scoped3A = tpu.sem_alloc : memref<!tpu.dma_semaphore, #tpu.memory_space<semaphore_mem>>
      %dma_start3A_49 = arith.constant 0 : i32
      %dma_start3A_50 = arith.constant 0 : i32
      %dma_start3A_51 = tpu.memref_slice %arg5[%arg0, %dma_start3A_49, %dma_start3A_50] : memref<2x10240x128xf32, #tpu.memory_space<hbm>> -> memref<1x10240x128xf32, #tpu.memory_space<hbm>>
      %dma_start3A_52 = tpu.memref_squeeze %dma_start3A_51 : memref<1x10240x128xf32, #tpu.memory_space<hbm>> -> memref<10240x128xf32, #tpu.memory_space<hbm>>
      %dma_start3A_53 = arith.constant 0 : i32
      %dma_start3A_54 = tpu.memref_slice %dma_start3A_52[%mul3A_2, %dma_start3A_53] : memref<10240x128xf32, #tpu.memory_space<hbm>> -> memref<640x128xf32, #tpu.memory_space<hbm>>
      %dma_start3A_55 = arith.constant 0 : i32
      %dma_start3A_56 = tpu.memref_slice %arg10[%mul3A_2, %dma_start3A_55] : memref<10240x128xf32, #tpu.memory_space<vmem_shared>> -> memref<640x128xf32, #tpu.memory_space<vmem_shared>>
      tpu.enqueue_dma source(%dma_start3A_56 : memref<640x128xf32, #tpu.memory_space<vmem_shared>>) target(%dma_start3A_54 : memref<640x128xf32, #tpu.memory_space<hbm>>) target_semaphore(%run_scoped3A : memref<!tpu.dma_semaphore, #tpu.memory_space<semaphore_mem>>)
      %dma_wait3A_57 = arith.constant 0 : i32
      %dma_wait3A_58 = arith.constant 0 : i32
      %dma_wait3A_59 = tpu.memref_slice %arg5[%arg0, %dma_wait3A_57, %dma_wait3A_58] : memref<2x10240x128xf32, #tpu.memory_space<hbm>> -> memref<1x10240x128xf32, #tpu.memory_space<hbm>>
      %dma_wait3A_60 = tpu.memref_squeeze %dma_wait3A_59 : memref<1x10240x128xf32, #tpu.memory_space<hbm>> -> memref<10240x128xf32, #tpu.memory_space<hbm>>
      %dma_wait3A_61 = arith.constant 0 : i32
      %dma_wait3A_62 = tpu.memref_slice %dma_wait3A_60[%mul3A_2, %dma_wait3A_61] : memref<10240x128xf32, #tpu.memory_space<hbm>> -> memref<640x128xf32, #tpu.memory_space<hbm>>
      %dma_wait3A_63 = arith.constant 0 : i32
      %dma_wait3A_64 = tpu.memref_slice %arg10[%mul3A_2, %dma_wait3A_63] : memref<10240x128xf32, #tpu.memory_space<vmem_shared>> -> memref<640x128xf32, #tpu.memory_space<vmem_shared>>
      tpu.wait_dma2 semaphore(%run_scoped3A : memref<!tpu.dma_semaphore, #tpu.memory_space<semaphore_mem>>) src(%dma_wait3A_64 : memref<640x128xf32, #tpu.memory_space<vmem_shared>>) dst(%dma_wait3A_62 : memref<640x128xf32, #tpu.memory_space<hbm>>)
      tpu.yield
    }) : () -> ()
    return
  }
}

#map = affine_map<(d0, d1) -> (0, 0)>
#map1 = affine_map<(d0, d1) -> (0, 0, 0)>
module attributes {stable_mosaic.version = 14 : i64} {
  func.func @sc_scatter(%arg0: i32, %arg1: i32, %arg2: memref<10240x64xf32, #tpu.memory_space<hbm>>, %arg3: memref<32x80x128xi32, #tpu.memory_space<hbm>>, %arg4: memref<32x80x128xi32, #tpu.memory_space<hbm>>, %arg5: memref<2x10240x64xf32, #tpu.memory_space<hbm>>, %arg6: memref<80x128xi32, #tpu.memory_space<vmem>>, %arg7: memref<80x128xi32, #tpu.memory_space<vmem>>, %arg8: memref<128x64xf32, #tpu.memory_space<vmem>>, %arg9: memref<128x64xf32, #tpu.memory_space<vmem>>, %arg10: memref<128x64xf32, #tpu.memory_space<vmem>>, %arg11: memref<128x64xf32, #tpu.memory_space<vmem>>, %arg12: memref<128x64xf32, #tpu.memory_space<vmem>>, %arg13: memref<128x64xf32, #tpu.memory_space<vmem>>, %arg14: memref<128x64xf32, #tpu.memory_space<vmem>>, %arg15: memref<128x64xf32, #tpu.memory_space<vmem>>, %arg16: memref<10240x64xf32, #tpu.memory_space<vmem_shared>>, %arg17: memref<!tpu.dma_semaphore, #tpu.memory_space<semaphore_mem>>, %arg18: memref<!tpu.dma_semaphore, #tpu.memory_space<semaphore_mem>>, %arg19: memref<!tpu.dma_semaphore, #tpu.memory_space<semaphore_mem>>, %arg20: memref<!tpu.dma_semaphore, #tpu.memory_space<semaphore_mem>>, %arg21: memref<!tpu.dma_semaphore, #tpu.memory_space<semaphore_mem>>, %arg22: memref<!tpu.dma_semaphore, #tpu.memory_space<semaphore_mem>>, %arg23: memref<!tpu.dma_semaphore, #tpu.memory_space<semaphore_mem>>, %arg24: memref<!tpu.dma_semaphore, #tpu.memory_space<semaphore_mem>>, %arg25: memref<!tpu.dma_semaphore, #tpu.memory_space<semaphore_mem>>, %arg26: memref<!tpu.dma_semaphore, #tpu.memory_space<semaphore_mem>>, %arg27: memref<!tpu.dma_semaphore, #tpu.memory_space<semaphore_mem>>, %arg28: memref<!tpu.dma_semaphore, #tpu.memory_space<semaphore_mem>>, %arg29: memref<!tpu.dma_semaphore, #tpu.memory_space<semaphore_mem>>, %arg30: memref<!tpu.dma_semaphore, #tpu.memory_space<semaphore_mem>>, %arg31: memref<!tpu.dma_semaphore, #tpu.memory_space<semaphore_mem>>, %arg32: memref<!tpu.dma_semaphore, #tpu.memory_space<semaphore_mem>>) attributes {dimension_semantics = [#tpu.dimension_semantics<core_parallel>, #tpu.dimension_semantics<subcore_parallel>], iteration_bounds = array<i64: 2, 16>, scalar_prefetch = 0 : i64, scratch_operands = 27 : i64, tpu.core_type = #tpu.core_type<sc_vector_subcore>, window_params = [{transform_indices = #map}, {transform_indices = #map1}, {transform_indices = #map1}, {transform_indices = #map1}]} {
    %mul3A = arith.constant 16 : i32
    %mul3A_0 = arith.muli %arg0, %mul3A : i32
    %add3A = arith.addi %mul3A_0, %arg1 : i32
    %mul3A_1 = arith.constant 640 : i32
    %mul3A_2 = arith.muli %arg1, %mul3A_1 : i32
    %scan3A = arith.constant 0 : i32
    %scan3A_3 = arith.constant 128 : i32
    %scan3A_4 = arith.addi %scan3A, %scan3A_3 : i32
    %scan3A_5 = arith.constant 1 : i32
    scf.for %scan3A_72 = %scan3A to %scan3A_4 step %scan3A_5  : i32 {
      %mul3A_73 = arith.constant 1 : i32
      %mul3A_74 = arith.muli %scan3A_72, %mul3A_73 : i32
      %add3A_75 = arith.constant 0 : i32
      %add3A_76 = arith.addi %add3A_75, %mul3A_74 : i32
      %scan3A_77 = arith.constant 0 : i32
      %scan3A_78 = arith.constant 4 : i32
      %scan3A_79 = arith.addi %scan3A_77, %scan3A_78 : i32
      %scan3A_80 = arith.constant 1 : i32
      scf.for %scan3A_82 = %scan3A_77 to %scan3A_79 step %scan3A_80  : i32 {
        %mul3A_83 = arith.constant 16 : i32
        %mul3A_84 = arith.muli %scan3A_82, %mul3A_83 : i32
        %add3A_85 = arith.constant 0 : i32
        %add3A_86 = arith.addi %add3A_85, %mul3A_84 : i32
        %broadcast_in_dim3A = arith.constant 0.000000e+00 : f32
        %broadcast_in_dim3A_87 = vector.broadcast %broadcast_in_dim3A : f32 to vector<16xf32>
        %swap3A = arith.index_cast %add3A_76 : i32 to index
        %swap3A_88 = arith.index_cast %add3A_86 : i32 to index
        %swap3A_89 = tpu.vector_load %arg8[%swap3A, %swap3A_88] {strides = array<i32>} : memref<128x64xf32, #tpu.memory_space<vmem>>, vector<1x16xf32>,
        %swap3A_90 = vector.shape_cast %swap3A_89 : vector<1x16xf32> to vector<16xf32>
        %swap3A_91 = vector.shape_cast %broadcast_in_dim3A_87 : vector<16xf32> to vector<1x16xf32>
        tpu.vector_store %arg8[%swap3A, %swap3A_88], %swap3A_91 {strides = array<i32>} : memref<128x64xf32, #tpu.memory_space<vmem>>, vector<1x16xf32>,
      }
      %scan3A_81 = arith.constant 4 : i32
    }
    %scan3A_6 = arith.constant 128 : i32
    %scan3A_7 = arith.constant 0 : i32
    %scan3A_8 = arith.constant 5 : i32
    %scan3A_9 = arith.addi %scan3A_7, %scan3A_8 : i32
    %scan3A_10 = arith.constant 1 : i32
    scf.for %scan3A_72 = %scan3A_7 to %scan3A_9 step %scan3A_10  : i32 {
      %mul3A_73 = arith.constant 128 : i32
      %mul3A_74 = arith.muli %scan3A_72, %mul3A_73 : i32
      %add3A_75 = arith.constant 0 : i32
      %add3A_76 = arith.addi %add3A_75, %mul3A_74 : i32
      %add3A_77 = arith.addi %mul3A_2, %add3A_76 : i32
      "tpu.region"() ({
        %run_scoped3A = tpu.sem_alloc : memref<!tpu.dma_semaphore, #tpu.memory_space<semaphore_mem>>
        %dma_start3A_78 = arith.constant 0 : i32
        %dma_start3A_79 = tpu.memref_slice %arg16[%add3A_77, %dma_start3A_78] : memref<10240x64xf32, #tpu.memory_space<vmem_shared>> -> memref<128x64xf32, #tpu.memory_space<vmem_shared>>
        %dma_start3A_80 = arith.constant 0 : i32
        %dma_start3A_81 = tpu.memref_slice %arg16[%add3A_77, %dma_start3A_80] : memref<10240x64xf32, #tpu.memory_space<vmem_shared>> -> memref<128x64xf32, #tpu.memory_space<vmem_shared>>
        tpu.enqueue_dma source(%arg8 : memref<128x64xf32, #tpu.memory_space<vmem>>) target(%dma_start3A_81 : memref<128x64xf32, #tpu.memory_space<vmem_shared>>) target_semaphore(%run_scoped3A : memref<!tpu.dma_semaphore, #tpu.memory_space<semaphore_mem>>)
        %dma_wait3A_82 = arith.constant 0 : i32
        %dma_wait3A_83 = tpu.memref_slice %arg16[%add3A_77, %dma_wait3A_82] : memref<10240x64xf32, #tpu.memory_space<vmem_shared>> -> memref<128x64xf32, #tpu.memory_space<vmem_shared>>
        %dma_wait3A_84 = arith.constant 0 : i32
        %dma_wait3A_85 = tpu.memref_slice %arg16[%add3A_77, %dma_wait3A_84] : memref<10240x64xf32, #tpu.memory_space<vmem_shared>> -> memref<128x64xf32, #tpu.memory_space<vmem_shared>>
        tpu.wait_dma2 semaphore(%run_scoped3A : memref<!tpu.dma_semaphore, #tpu.memory_space<semaphore_mem>>) src(%arg8 : memref<128x64xf32, #tpu.memory_space<vmem>>) dst(%dma_wait3A_85 : memref<128x64xf32, #tpu.memory_space<vmem_shared>>)
        tpu.yield
      }) : () -> ()
    }
    %scan3A_11 = arith.constant 5 : i32
    %barrier3A = arith.constant 0 : index
    tpu.barrier barrier_id(%barrier3A)
    "tpu.region"() ({
      %run_scoped3A = tpu.sem_alloc : memref<!tpu.dma_semaphore, #tpu.memory_space<semaphore_mem>>
      %dma_start3A_72 = arith.constant 0 : i32
      %dma_start3A_73 = arith.constant 0 : i32
      %dma_start3A_74 = tpu.memref_slice %arg3[%add3A, %dma_start3A_72, %dma_start3A_73] : memref<32x80x128xi32, #tpu.memory_space<hbm>> -> memref<1x80x128xi32, #tpu.memory_space<hbm>>
      %dma_start3A_75 = tpu.memref_squeeze %dma_start3A_74 : memref<1x80x128xi32, #tpu.memory_space<hbm>> -> memref<80x128xi32, #tpu.memory_space<hbm>>
      %dma_start3A_76 = arith.constant 0 : i32
      %dma_start3A_77 = arith.constant 0 : i32
      %dma_start3A_78 = tpu.memref_slice %dma_start3A_75[%dma_start3A_76, %dma_start3A_77] : memref<80x128xi32, #tpu.memory_space<hbm>> -> memref<80x128xi32, #tpu.memory_space<hbm>>
      %dma_start3A_79 = arith.constant 0 : i32
      %dma_start3A_80 = arith.constant 0 : i32
      %dma_start3A_81 = tpu.memref_slice %arg3[%add3A, %dma_start3A_79, %dma_start3A_80] : memref<32x80x128xi32, #tpu.memory_space<hbm>> -> memref<1x80x128xi32, #tpu.memory_space<hbm>>
      %dma_start3A_82 = tpu.memref_squeeze %dma_start3A_81 : memref<1x80x128xi32, #tpu.memory_space<hbm>> -> memref<80x128xi32, #tpu.memory_space<hbm>>
      %dma_start3A_83 = arith.constant 0 : i32
      %dma_start3A_84 = arith.constant 0 : i32
      %dma_start3A_85 = tpu.memref_slice %dma_start3A_82[%dma_start3A_83, %dma_start3A_84] : memref<80x128xi32, #tpu.memory_space<hbm>> -> memref<80x128xi32, #tpu.memory_space<hbm>>
      tpu.enqueue_dma source(%dma_start3A_85 : memref<80x128xi32, #tpu.memory_space<hbm>>) target(%arg6 : memref<80x128xi32, #tpu.memory_space<vmem>>) target_semaphore(%run_scoped3A : memref<!tpu.dma_semaphore, #tpu.memory_space<semaphore_mem>>)
      %dma_wait3A_86 = arith.constant 0 : i32
      %dma_wait3A_87 = arith.constant 0 : i32
      %dma_wait3A_88 = tpu.memref_slice %arg3[%add3A, %dma_wait3A_86, %dma_wait3A_87] : memref<32x80x128xi32, #tpu.memory_space<hbm>> -> memref<1x80x128xi32, #tpu.memory_space<hbm>>
      %dma_wait3A_89 = tpu.memref_squeeze %dma_wait3A_88 : memref<1x80x128xi32, #tpu.memory_space<hbm>> -> memref<80x128xi32, #tpu.memory_space<hbm>>
      %dma_wait3A_90 = arith.constant 0 : i32
      %dma_wait3A_91 = arith.constant 0 : i32
      %dma_wait3A_92 = tpu.memref_slice %dma_wait3A_89[%dma_wait3A_90, %dma_wait3A_91] : memref<80x128xi32, #tpu.memory_space<hbm>> -> memref<80x128xi32, #tpu.memory_space<hbm>>
      %dma_wait3A_93 = arith.constant 0 : i32
      %dma_wait3A_94 = arith.constant 0 : i32
      %dma_wait3A_95 = tpu.memref_slice %arg3[%add3A, %dma_wait3A_93, %dma_wait3A_94] : memref<32x80x128xi32, #tpu.memory_space<hbm>> -> memref<1x80x128xi32, #tpu.memory_space<hbm>>
      %dma_wait3A_96 = tpu.memref_squeeze %dma_wait3A_95 : memref<1x80x128xi32, #tpu.memory_space<hbm>> -> memref<80x128xi32, #tpu.memory_space<hbm>>
      %dma_wait3A_97 = arith.constant 0 : i32
      %dma_wait3A_98 = arith.constant 0 : i32
      %dma_wait3A_99 = tpu.memref_slice %dma_wait3A_96[%dma_wait3A_97, %dma_wait3A_98] : memref<80x128xi32, #tpu.memory_space<hbm>> -> memref<80x128xi32, #tpu.memory_space<hbm>>
      tpu.wait_dma2 semaphore(%run_scoped3A : memref<!tpu.dma_semaphore, #tpu.memory_space<semaphore_mem>>) src(%dma_wait3A_99 : memref<80x128xi32, #tpu.memory_space<hbm>>) dst(%arg6 : memref<80x128xi32, #tpu.memory_space<vmem>>)
      tpu.yield
    }) : () -> ()
    "tpu.region"() ({
      %run_scoped3A = tpu.sem_alloc : memref<!tpu.dma_semaphore, #tpu.memory_space<semaphore_mem>>
      %dma_start3A_72 = arith.constant 0 : i32
      %dma_start3A_73 = arith.constant 0 : i32
      %dma_start3A_74 = tpu.memref_slice %arg4[%add3A, %dma_start3A_72, %dma_start3A_73] : memref<32x80x128xi32, #tpu.memory_space<hbm>> -> memref<1x80x128xi32, #tpu.memory_space<hbm>>
      %dma_start3A_75 = tpu.memref_squeeze %dma_start3A_74 : memref<1x80x128xi32, #tpu.memory_space<hbm>> -> memref<80x128xi32, #tpu.memory_space<hbm>>
      %dma_start3A_76 = arith.constant 0 : i32
      %dma_start3A_77 = arith.constant 0 : i32
      %dma_start3A_78 = tpu.memref_slice %dma_start3A_75[%dma_start3A_76, %dma_start3A_77] : memref<80x128xi32, #tpu.memory_space<hbm>> -> memref<80x128xi32, #tpu.memory_space<hbm>>
      %dma_start3A_79 = arith.constant 0 : i32
      %dma_start3A_80 = arith.constant 0 : i32
      %dma_start3A_81 = tpu.memref_slice %arg4[%add3A, %dma_start3A_79, %dma_start3A_80] : memref<32x80x128xi32, #tpu.memory_space<hbm>> -> memref<1x80x128xi32, #tpu.memory_space<hbm>>
      %dma_start3A_82 = tpu.memref_squeeze %dma_start3A_81 : memref<1x80x128xi32, #tpu.memory_space<hbm>> -> memref<80x128xi32, #tpu.memory_space<hbm>>
      %dma_start3A_83 = arith.constant 0 : i32
      %dma_start3A_84 = arith.constant 0 : i32
      %dma_start3A_85 = tpu.memref_slice %dma_start3A_82[%dma_start3A_83, %dma_start3A_84] : memref<80x128xi32, #tpu.memory_space<hbm>> -> memref<80x128xi32, #tpu.memory_space<hbm>>
      tpu.enqueue_dma source(%dma_start3A_85 : memref<80x128xi32, #tpu.memory_space<hbm>>) target(%arg7 : memref<80x128xi32, #tpu.memory_space<vmem>>) target_semaphore(%run_scoped3A : memref<!tpu.dma_semaphore, #tpu.memory_space<semaphore_mem>>)
      %dma_wait3A_86 = arith.constant 0 : i32
      %dma_wait3A_87 = arith.constant 0 : i32
      %dma_wait3A_88 = tpu.memref_slice %arg4[%add3A, %dma_wait3A_86, %dma_wait3A_87] : memref<32x80x128xi32, #tpu.memory_space<hbm>> -> memref<1x80x128xi32, #tpu.memory_space<hbm>>
      %dma_wait3A_89 = tpu.memref_squeeze %dma_wait3A_88 : memref<1x80x128xi32, #tpu.memory_space<hbm>> -> memref<80x128xi32, #tpu.memory_space<hbm>>
      %dma_wait3A_90 = arith.constant 0 : i32
      %dma_wait3A_91 = arith.constant 0 : i32
      %dma_wait3A_92 = tpu.memref_slice %dma_wait3A_89[%dma_wait3A_90, %dma_wait3A_91] : memref<80x128xi32, #tpu.memory_space<hbm>> -> memref<80x128xi32, #tpu.memory_space<hbm>>
      %dma_wait3A_93 = arith.constant 0 : i32
      %dma_wait3A_94 = arith.constant 0 : i32
      %dma_wait3A_95 = tpu.memref_slice %arg4[%add3A, %dma_wait3A_93, %dma_wait3A_94] : memref<32x80x128xi32, #tpu.memory_space<hbm>> -> memref<1x80x128xi32, #tpu.memory_space<hbm>>
      %dma_wait3A_96 = tpu.memref_squeeze %dma_wait3A_95 : memref<1x80x128xi32, #tpu.memory_space<hbm>> -> memref<80x128xi32, #tpu.memory_space<hbm>>
      %dma_wait3A_97 = arith.constant 0 : i32
      %dma_wait3A_98 = arith.constant 0 : i32
      %dma_wait3A_99 = tpu.memref_slice %dma_wait3A_96[%dma_wait3A_97, %dma_wait3A_98] : memref<80x128xi32, #tpu.memory_space<hbm>> -> memref<80x128xi32, #tpu.memory_space<hbm>>
      tpu.wait_dma2 semaphore(%run_scoped3A : memref<!tpu.dma_semaphore, #tpu.memory_space<semaphore_mem>>) src(%dma_wait3A_99 : memref<80x128xi32, #tpu.memory_space<hbm>>) dst(%arg7 : memref<80x128xi32, #tpu.memory_space<vmem>>)
      tpu.yield
    }) : () -> ()
    %dma_start3A = arith.constant 0 : i32
    %dma_start3A_12 = arith.constant 0 : i32
    %dma_start3A_13 = tpu.memref_slice %arg6[%dma_start3A, %dma_start3A_12] : memref<80x128xi32, #tpu.memory_space<vmem>> -> memref<1x128xi32, #tpu.memory_space<vmem>>
    %dma_start3A_14 = tpu.memref_squeeze %dma_start3A_13 : memref<1x128xi32, #tpu.memory_space<vmem>> -> memref<128xi32, #tpu.memory_space<vmem>>
    %dma_start3A_15 = arith.constant 0 : i32
    %dma_start3A_16 = arith.constant 0 : i32
    %dma_start3A_17 = tpu.memref_slice %arg2[%dma_start3A_15, %dma_start3A_16] : memref<10240x64xf32, #tpu.memory_space<hbm>> -> memref<10240x64xf32, #tpu.memory_space<hbm>>
    tpu.enqueue_indirect_dma source(%dma_start3A_17 : memref<10240x64xf32, #tpu.memory_space<hbm>>) target(%arg8 : memref<128x64xf32, #tpu.memory_space<vmem>>) offsets(%dma_start3A_14 : memref<128xi32, #tpu.memory_space<vmem>>) semaphore(%arg17 : memref<!tpu.dma_semaphore, #tpu.memory_space<semaphore_mem>>)
    %dma_start3A_18 = arith.constant 1 : i32
    %dma_start3A_19 = arith.constant 0 : i32
    %dma_start3A_20 = tpu.memref_slice %arg6[%dma_start3A_18, %dma_start3A_19] : memref<80x128xi32, #tpu.memory_space<vmem>> -> memref<1x128xi32, #tpu.memory_space<vmem>>
    %dma_start3A_21 = tpu.memref_squeeze %dma_start3A_20 : memref<1x128xi32, #tpu.memory_space<vmem>> -> memref<128xi32, #tpu.memory_space<vmem>>
    %dma_start3A_22 = arith.constant 0 : i32
    %dma_start3A_23 = arith.constant 0 : i32
    %dma_start3A_24 = tpu.memref_slice %arg2[%dma_start3A_22, %dma_start3A_23] : memref<10240x64xf32, #tpu.memory_space<hbm>> -> memref<10240x64xf32, #tpu.memory_space<hbm>>
    tpu.enqueue_indirect_dma source(%dma_start3A_24 : memref<10240x64xf32, #tpu.memory_space<hbm>>) target(%arg9 : memref<128x64xf32, #tpu.memory_space<vmem>>) offsets(%dma_start3A_21 : memref<128xi32, #tpu.memory_space<vmem>>) semaphore(%arg18 : memref<!tpu.dma_semaphore, #tpu.memory_space<semaphore_mem>>)
    %dma_start3A_25 = arith.constant 2 : i32
    %dma_start3A_26 = arith.constant 0 : i32
    %dma_start3A_27 = tpu.memref_slice %arg6[%dma_start3A_25, %dma_start3A_26] : memref<80x128xi32, #tpu.memory_space<vmem>> -> memref<1x128xi32, #tpu.memory_space<vmem>>
    %dma_start3A_28 = tpu.memref_squeeze %dma_start3A_27 : memref<1x128xi32, #tpu.memory_space<vmem>> -> memref<128xi32, #tpu.memory_space<vmem>>
    %dma_start3A_29 = arith.constant 0 : i32
    %dma_start3A_30 = arith.constant 0 : i32
    %dma_start3A_31 = tpu.memref_slice %arg2[%dma_start3A_29, %dma_start3A_30] : memref<10240x64xf32, #tpu.memory_space<hbm>> -> memref<10240x64xf32, #tpu.memory_space<hbm>>
    tpu.enqueue_indirect_dma source(%dma_start3A_31 : memref<10240x64xf32, #tpu.memory_space<hbm>>) target(%arg10 : memref<128x64xf32, #tpu.memory_space<vmem>>) offsets(%dma_start3A_28 : memref<128xi32, #tpu.memory_space<vmem>>) semaphore(%arg19 : memref<!tpu.dma_semaphore, #tpu.memory_space<semaphore_mem>>)
    %dma_start3A_32 = arith.constant 3 : i32
    %dma_start3A_33 = arith.constant 0 : i32
    %dma_start3A_34 = tpu.memref_slice %arg6[%dma_start3A_32, %dma_start3A_33] : memref<80x128xi32, #tpu.memory_space<vmem>> -> memref<1x128xi32, #tpu.memory_space<vmem>>
    %dma_start3A_35 = tpu.memref_squeeze %dma_start3A_34 : memref<1x128xi32, #tpu.memory_space<vmem>> -> memref<128xi32, #tpu.memory_space<vmem>>
    %dma_start3A_36 = arith.constant 0 : i32
    %dma_start3A_37 = arith.constant 0 : i32
    %dma_start3A_38 = tpu.memref_slice %arg2[%dma_start3A_36, %dma_start3A_37] : memref<10240x64xf32, #tpu.memory_space<hbm>> -> memref<10240x64xf32, #tpu.memory_space<hbm>>
    tpu.enqueue_indirect_dma source(%dma_start3A_38 : memref<10240x64xf32, #tpu.memory_space<hbm>>) target(%arg11 : memref<128x64xf32, #tpu.memory_space<vmem>>) offsets(%dma_start3A_35 : memref<128xi32, #tpu.memory_space<vmem>>) semaphore(%arg20 : memref<!tpu.dma_semaphore, #tpu.memory_space<semaphore_mem>>)
    %scan3A_39 = arith.constant 0 : i32
    %scan3A_40 = arith.constant 10 : i32
    %scan3A_41 = arith.addi %scan3A_39, %scan3A_40 : i32
    %scan3A_42 = arith.constant 1 : i32
    scf.for %scan3A_72 = %scan3A_39 to %scan3A_41 step %scan3A_42  : i32 {
      %mul3A_73 = arith.constant 1 : i32
      %mul3A_74 = arith.muli %scan3A_72, %mul3A_73 : i32
      %add3A_75 = arith.constant 0 : i32
      %add3A_76 = arith.addi %add3A_75, %mul3A_74 : i32
      %mul3A_77 = arith.constant 8 : i32
      %mul3A_78 = arith.muli %add3A_76, %mul3A_77 : i32
      %add3A_79 = arith.constant 0 : i32
      %add3A_80 = arith.addi %mul3A_78, %add3A_79 : i32
      %dma_wait3A_81 = arith.constant 0 : i32
      %dma_wait3A_82 = tpu.memref_slice %arg6[%add3A_80, %dma_wait3A_81] : memref<80x128xi32, #tpu.memory_space<vmem>> -> memref<1x128xi32, #tpu.memory_space<vmem>>
      %dma_wait3A_83 = tpu.memref_squeeze %dma_wait3A_82 : memref<1x128xi32, #tpu.memory_space<vmem>> -> memref<128xi32, #tpu.memory_space<vmem>>
      %dma_wait3A_84 = arith.constant 0 : i32
      %dma_wait3A_85 = arith.constant 0 : i32
      %dma_wait3A_86 = tpu.memref_slice %arg2[%dma_wait3A_84, %dma_wait3A_85] : memref<10240x64xf32, #tpu.memory_space<hbm>> -> memref<10240x64xf32, #tpu.memory_space<hbm>>
      tpu.wait_indirect_dma semaphore(%arg17 : memref<!tpu.dma_semaphore, #tpu.memory_space<semaphore_mem>>) src(%dma_wait3A_86 : memref<10240x64xf32, #tpu.memory_space<hbm>>) dst(%arg8 : memref<128x64xf32, #tpu.memory_space<vmem>>)
      %dma_start3A_87 = arith.constant 0 : i32
      %dma_start3A_88 = tpu.memref_slice %arg7[%add3A_80, %dma_start3A_87] : memref<80x128xi32, #tpu.memory_space<vmem>> -> memref<1x128xi32, #tpu.memory_space<vmem>>
      %dma_start3A_89 = tpu.memref_squeeze %dma_start3A_88 : memref<1x128xi32, #tpu.memory_space<vmem>> -> memref<128xi32, #tpu.memory_space<vmem>>
      %dma_start3A_90 = arith.constant 0 : i32
      %dma_start3A_91 = arith.constant 0 : i32
      %dma_start3A_92 = tpu.memref_slice %arg16[%dma_start3A_90, %dma_start3A_91] : memref<10240x64xf32, #tpu.memory_space<vmem_shared>> -> memref<10240x64xf32, #tpu.memory_space<vmem_shared>>
      tpu.enqueue_indirect_dma source(%arg8 : memref<128x64xf32, #tpu.memory_space<vmem>>) target(%dma_start3A_92 : memref<10240x64xf32, #tpu.memory_space<vmem_shared>>) offsets(%dma_start3A_89 : memref<128xi32, #tpu.memory_space<vmem>>) semaphore(%arg25 : memref<!tpu.dma_semaphore, #tpu.memory_space<semaphore_mem>>) {add = true}
      %ge3A = arith.constant 4 : i32
      %ge3A_93 = arith.cmpi sge, %add3A_80, %ge3A : i32
      %convert_element_type3A = arith.extui %ge3A_93 : i1 to i32
      %cond3A = arith.constant 0 : i32
      %cond3A_94 = arith.cmpi ne, %convert_element_type3A, %cond3A : i32
      scf.if %cond3A_94 {
        %dma_wait3A_297 = arith.constant 0 : i32
        %dma_wait3A_298 = tpu.memref_slice %arg7[%add3A_80, %dma_wait3A_297] : memref<80x128xi32, #tpu.memory_space<vmem>> -> memref<1x128xi32, #tpu.memory_space<vmem>>
        %dma_wait3A_299 = tpu.memref_squeeze %dma_wait3A_298 : memref<1x128xi32, #tpu.memory_space<vmem>> -> memref<128xi32, #tpu.memory_space<vmem>>
        %dma_wait3A_300 = arith.constant 0 : i32
        %dma_wait3A_301 = arith.constant 0 : i32
        %dma_wait3A_302 = tpu.memref_slice %arg16[%dma_wait3A_300, %dma_wait3A_301] : memref<10240x64xf32, #tpu.memory_space<vmem_shared>> -> memref<10240x64xf32, #tpu.memory_space<vmem_shared>>
        tpu.wait_indirect_dma semaphore(%arg29 : memref<!tpu.dma_semaphore, #tpu.memory_space<semaphore_mem>>) src(%arg12 : memref<128x64xf32, #tpu.memory_space<vmem>>) dst(%dma_wait3A_302 : memref<10240x64xf32, #tpu.memory_space<vmem_shared>>)
      } else {
      }
      %add3A_95 = arith.constant 4 : i32
      %add3A_96 = arith.addi %add3A_80, %add3A_95 : i32
      %lt3A = arith.constant 80 : i32
      %lt3A_97 = arith.cmpi slt, %add3A_96, %lt3A : i32
      %convert_element_type3A_98 = arith.extui %lt3A_97 : i1 to i32
      %cond3A_99 = arith.constant 0 : i32
      %cond3A_100 = arith.cmpi ne, %convert_element_type3A_98, %cond3A_99 : i32
      scf.if %cond3A_100 {
        %add3A_297 = arith.constant 4 : i32
        %add3A_298 = arith.addi %add3A_80, %add3A_297 : i32
        %dma_start3A_299 = arith.constant 0 : i32
        %dma_start3A_300 = tpu.memref_slice %arg6[%add3A_298, %dma_start3A_299] : memref<80x128xi32, #tpu.memory_space<vmem>> -> memref<1x128xi32, #tpu.memory_space<vmem>>
        %dma_start3A_301 = tpu.memref_squeeze %dma_start3A_300 : memref<1x128xi32, #tpu.memory_space<vmem>> -> memref<128xi32, #tpu.memory_space<vmem>>
        %dma_start3A_302 = arith.constant 0 : i32
        %dma_start3A_303 = arith.constant 0 : i32
        %dma_start3A_304 = tpu.memref_slice %arg2[%dma_start3A_302, %dma_start3A_303] : memref<10240x64xf32, #tpu.memory_space<hbm>> -> memref<10240x64xf32, #tpu.memory_space<hbm>>
        tpu.enqueue_indirect_dma source(%dma_start3A_304 : memref<10240x64xf32, #tpu.memory_space<hbm>>) target(%arg12 : memref<128x64xf32, #tpu.memory_space<vmem>>) offsets(%dma_start3A_301 : memref<128xi32, #tpu.memory_space<vmem>>) semaphore(%arg21 : memref<!tpu.dma_semaphore, #tpu.memory_space<semaphore_mem>>)
      } else {
      }
      %mul3A_101 = arith.constant 8 : i32
      %mul3A_102 = arith.muli %add3A_76, %mul3A_101 : i32
      %add3A_103 = arith.constant 1 : i32
      %add3A_104 = arith.addi %mul3A_102, %add3A_103 : i32
      %dma_wait3A_105 = arith.constant 0 : i32
      %dma_wait3A_106 = tpu.memref_slice %arg6[%add3A_104, %dma_wait3A_105] : memref<80x128xi32, #tpu.memory_space<vmem>> -> memref<1x128xi32, #tpu.memory_space<vmem>>
      %dma_wait3A_107 = tpu.memref_squeeze %dma_wait3A_106 : memref<1x128xi32, #tpu.memory_space<vmem>> -> memref<128xi32, #tpu.memory_space<vmem>>
      %dma_wait3A_108 = arith.constant 0 : i32
      %dma_wait3A_109 = arith.constant 0 : i32
      %dma_wait3A_110 = tpu.memref_slice %arg2[%dma_wait3A_108, %dma_wait3A_109] : memref<10240x64xf32, #tpu.memory_space<hbm>> -> memref<10240x64xf32, #tpu.memory_space<hbm>>
      tpu.wait_indirect_dma semaphore(%arg18 : memref<!tpu.dma_semaphore, #tpu.memory_space<semaphore_mem>>) src(%dma_wait3A_110 : memref<10240x64xf32, #tpu.memory_space<hbm>>) dst(%arg9 : memref<128x64xf32, #tpu.memory_space<vmem>>)
      %dma_start3A_111 = arith.constant 0 : i32
      %dma_start3A_112 = tpu.memref_slice %arg7[%add3A_104, %dma_start3A_111] : memref<80x128xi32, #tpu.memory_space<vmem>> -> memref<1x128xi32, #tpu.memory_space<vmem>>
      %dma_start3A_113 = tpu.memref_squeeze %dma_start3A_112 : memref<1x128xi32, #tpu.memory_space<vmem>> -> memref<128xi32, #tpu.memory_space<vmem>>
      %dma_start3A_114 = arith.constant 0 : i32
      %dma_start3A_115 = arith.constant 0 : i32
      %dma_start3A_116 = tpu.memref_slice %arg16[%dma_start3A_114, %dma_start3A_115] : memref<10240x64xf32, #tpu.memory_space<vmem_shared>> -> memref<10240x64xf32, #tpu.memory_space<vmem_shared>>
      tpu.enqueue_indirect_dma source(%arg9 : memref<128x64xf32, #tpu.memory_space<vmem>>) target(%dma_start3A_116 : memref<10240x64xf32, #tpu.memory_space<vmem_shared>>) offsets(%dma_start3A_113 : memref<128xi32, #tpu.memory_space<vmem>>) semaphore(%arg26 : memref<!tpu.dma_semaphore, #tpu.memory_space<semaphore_mem>>) {add = true}
      %ge3A_117 = arith.constant 4 : i32
      %ge3A_118 = arith.cmpi sge, %add3A_104, %ge3A_117 : i32
      %convert_element_type3A_119 = arith.extui %ge3A_118 : i1 to i32
      %cond3A_120 = arith.constant 0 : i32
      %cond3A_121 = arith.cmpi ne, %convert_element_type3A_119, %cond3A_120 : i32
      scf.if %cond3A_121 {
        %dma_wait3A_297 = arith.constant 0 : i32
        %dma_wait3A_298 = tpu.memref_slice %arg7[%add3A_104, %dma_wait3A_297] : memref<80x128xi32, #tpu.memory_space<vmem>> -> memref<1x128xi32, #tpu.memory_space<vmem>>
        %dma_wait3A_299 = tpu.memref_squeeze %dma_wait3A_298 : memref<1x128xi32, #tpu.memory_space<vmem>> -> memref<128xi32, #tpu.memory_space<vmem>>
        %dma_wait3A_300 = arith.constant 0 : i32
        %dma_wait3A_301 = arith.constant 0 : i32
        %dma_wait3A_302 = tpu.memref_slice %arg16[%dma_wait3A_300, %dma_wait3A_301] : memref<10240x64xf32, #tpu.memory_space<vmem_shared>> -> memref<10240x64xf32, #tpu.memory_space<vmem_shared>>
        tpu.wait_indirect_dma semaphore(%arg30 : memref<!tpu.dma_semaphore, #tpu.memory_space<semaphore_mem>>) src(%arg13 : memref<128x64xf32, #tpu.memory_space<vmem>>) dst(%dma_wait3A_302 : memref<10240x64xf32, #tpu.memory_space<vmem_shared>>)
      } else {
      }
      %add3A_122 = arith.constant 4 : i32
      %add3A_123 = arith.addi %add3A_104, %add3A_122 : i32
      %lt3A_124 = arith.constant 80 : i32
      %lt3A_125 = arith.cmpi slt, %add3A_123, %lt3A_124 : i32
      %convert_element_type3A_126 = arith.extui %lt3A_125 : i1 to i32
      %cond3A_127 = arith.constant 0 : i32
      %cond3A_128 = arith.cmpi ne, %convert_element_type3A_126, %cond3A_127 : i32
      scf.if %cond3A_128 {
        %add3A_297 = arith.constant 4 : i32
        %add3A_298 = arith.addi %add3A_104, %add3A_297 : i32
        %dma_start3A_299 = arith.constant 0 : i32
        %dma_start3A_300 = tpu.memref_slice %arg6[%add3A_298, %dma_start3A_299] : memref<80x128xi32, #tpu.memory_space<vmem>> -> memref<1x128xi32, #tpu.memory_space<vmem>>
        %dma_start3A_301 = tpu.memref_squeeze %dma_start3A_300 : memref<1x128xi32, #tpu.memory_space<vmem>> -> memref<128xi32, #tpu.memory_space<vmem>>
        %dma_start3A_302 = arith.constant 0 : i32
        %dma_start3A_303 = arith.constant 0 : i32
        %dma_start3A_304 = tpu.memref_slice %arg2[%dma_start3A_302, %dma_start3A_303] : memref<10240x64xf32, #tpu.memory_space<hbm>> -> memref<10240x64xf32, #tpu.memory_space<hbm>>
        tpu.enqueue_indirect_dma source(%dma_start3A_304 : memref<10240x64xf32, #tpu.memory_space<hbm>>) target(%arg13 : memref<128x64xf32, #tpu.memory_space<vmem>>) offsets(%dma_start3A_301 : memref<128xi32, #tpu.memory_space<vmem>>) semaphore(%arg22 : memref<!tpu.dma_semaphore, #tpu.memory_space<semaphore_mem>>)
      } else {
      }
      %mul3A_129 = arith.constant 8 : i32
      %mul3A_130 = arith.muli %add3A_76, %mul3A_129 : i32
      %add3A_131 = arith.constant 2 : i32
      %add3A_132 = arith.addi %mul3A_130, %add3A_131 : i32
      %dma_wait3A_133 = arith.constant 0 : i32
      %dma_wait3A_134 = tpu.memref_slice %arg6[%add3A_132, %dma_wait3A_133] : memref<80x128xi32, #tpu.memory_space<vmem>> -> memref<1x128xi32, #tpu.memory_space<vmem>>
      %dma_wait3A_135 = tpu.memref_squeeze %dma_wait3A_134 : memref<1x128xi32, #tpu.memory_space<vmem>> -> memref<128xi32, #tpu.memory_space<vmem>>
      %dma_wait3A_136 = arith.constant 0 : i32
      %dma_wait3A_137 = arith.constant 0 : i32
      %dma_wait3A_138 = tpu.memref_slice %arg2[%dma_wait3A_136, %dma_wait3A_137] : memref<10240x64xf32, #tpu.memory_space<hbm>> -> memref<10240x64xf32, #tpu.memory_space<hbm>>
      tpu.wait_indirect_dma semaphore(%arg19 : memref<!tpu.dma_semaphore, #tpu.memory_space<semaphore_mem>>) src(%dma_wait3A_138 : memref<10240x64xf32, #tpu.memory_space<hbm>>) dst(%arg10 : memref<128x64xf32, #tpu.memory_space<vmem>>)
      %dma_start3A_139 = arith.constant 0 : i32
      %dma_start3A_140 = tpu.memref_slice %arg7[%add3A_132, %dma_start3A_139] : memref<80x128xi32, #tpu.memory_space<vmem>> -> memref<1x128xi32, #tpu.memory_space<vmem>>
      %dma_start3A_141 = tpu.memref_squeeze %dma_start3A_140 : memref<1x128xi32, #tpu.memory_space<vmem>> -> memref<128xi32, #tpu.memory_space<vmem>>
      %dma_start3A_142 = arith.constant 0 : i32
      %dma_start3A_143 = arith.constant 0 : i32
      %dma_start3A_144 = tpu.memref_slice %arg16[%dma_start3A_142, %dma_start3A_143] : memref<10240x64xf32, #tpu.memory_space<vmem_shared>> -> memref<10240x64xf32, #tpu.memory_space<vmem_shared>>
      tpu.enqueue_indirect_dma source(%arg10 : memref<128x64xf32, #tpu.memory_space<vmem>>) target(%dma_start3A_144 : memref<10240x64xf32, #tpu.memory_space<vmem_shared>>) offsets(%dma_start3A_141 : memref<128xi32, #tpu.memory_space<vmem>>) semaphore(%arg27 : memref<!tpu.dma_semaphore, #tpu.memory_space<semaphore_mem>>) {add = true}
      %ge3A_145 = arith.constant 4 : i32
      %ge3A_146 = arith.cmpi sge, %add3A_132, %ge3A_145 : i32
      %convert_element_type3A_147 = arith.extui %ge3A_146 : i1 to i32
      %cond3A_148 = arith.constant 0 : i32
      %cond3A_149 = arith.cmpi ne, %convert_element_type3A_147, %cond3A_148 : i32
      scf.if %cond3A_149 {
        %dma_wait3A_297 = arith.constant 0 : i32
        %dma_wait3A_298 = tpu.memref_slice %arg7[%add3A_132, %dma_wait3A_297] : memref<80x128xi32, #tpu.memory_space<vmem>> -> memref<1x128xi32, #tpu.memory_space<vmem>>
        %dma_wait3A_299 = tpu.memref_squeeze %dma_wait3A_298 : memref<1x128xi32, #tpu.memory_space<vmem>> -> memref<128xi32, #tpu.memory_space<vmem>>
        %dma_wait3A_300 = arith.constant 0 : i32
        %dma_wait3A_301 = arith.constant 0 : i32
        %dma_wait3A_302 = tpu.memref_slice %arg16[%dma_wait3A_300, %dma_wait3A_301] : memref<10240x64xf32, #tpu.memory_space<vmem_shared>> -> memref<10240x64xf32, #tpu.memory_space<vmem_shared>>
        tpu.wait_indirect_dma semaphore(%arg31 : memref<!tpu.dma_semaphore, #tpu.memory_space<semaphore_mem>>) src(%arg14 : memref<128x64xf32, #tpu.memory_space<vmem>>) dst(%dma_wait3A_302 : memref<10240x64xf32, #tpu.memory_space<vmem_shared>>)
      } else {
      }
      %add3A_150 = arith.constant 4 : i32
      %add3A_151 = arith.addi %add3A_132, %add3A_150 : i32
      %lt3A_152 = arith.constant 80 : i32
      %lt3A_153 = arith.cmpi slt, %add3A_151, %lt3A_152 : i32
      %convert_element_type3A_154 = arith.extui %lt3A_153 : i1 to i32
      %cond3A_155 = arith.constant 0 : i32
      %cond3A_156 = arith.cmpi ne, %convert_element_type3A_154, %cond3A_155 : i32
      scf.if %cond3A_156 {
        %add3A_297 = arith.constant 4 : i32
        %add3A_298 = arith.addi %add3A_132, %add3A_297 : i32
        %dma_start3A_299 = arith.constant 0 : i32
        %dma_start3A_300 = tpu.memref_slice %arg6[%add3A_298, %dma_start3A_299] : memref<80x128xi32, #tpu.memory_space<vmem>> -> memref<1x128xi32, #tpu.memory_space<vmem>>
        %dma_start3A_301 = tpu.memref_squeeze %dma_start3A_300 : memref<1x128xi32, #tpu.memory_space<vmem>> -> memref<128xi32, #tpu.memory_space<vmem>>
        %dma_start3A_302 = arith.constant 0 : i32
        %dma_start3A_303 = arith.constant 0 : i32
        %dma_start3A_304 = tpu.memref_slice %arg2[%dma_start3A_302, %dma_start3A_303] : memref<10240x64xf32, #tpu.memory_space<hbm>> -> memref<10240x64xf32, #tpu.memory_space<hbm>>
        tpu.enqueue_indirect_dma source(%dma_start3A_304 : memref<10240x64xf32, #tpu.memory_space<hbm>>) target(%arg14 : memref<128x64xf32, #tpu.memory_space<vmem>>) offsets(%dma_start3A_301 : memref<128xi32, #tpu.memory_space<vmem>>) semaphore(%arg23 : memref<!tpu.dma_semaphore, #tpu.memory_space<semaphore_mem>>)
      } else {
      }
      %mul3A_157 = arith.constant 8 : i32
      %mul3A_158 = arith.muli %add3A_76, %mul3A_157 : i32
      %add3A_159 = arith.constant 3 : i32
      %add3A_160 = arith.addi %mul3A_158, %add3A_159 : i32
      %dma_wait3A_161 = arith.constant 0 : i32
      %dma_wait3A_162 = tpu.memref_slice %arg6[%add3A_160, %dma_wait3A_161] : memref<80x128xi32, #tpu.memory_space<vmem>> -> memref<1x128xi32, #tpu.memory_space<vmem>>
      %dma_wait3A_163 = tpu.memref_squeeze %dma_wait3A_162 : memref<1x128xi32, #tpu.memory_space<vmem>> -> memref<128xi32, #tpu.memory_space<vmem>>
      %dma_wait3A_164 = arith.constant 0 : i32
      %dma_wait3A_165 = arith.constant 0 : i32
      %dma_wait3A_166 = tpu.memref_slice %arg2[%dma_wait3A_164, %dma_wait3A_165] : memref<10240x64xf32, #tpu.memory_space<hbm>> -> memref<10240x64xf32, #tpu.memory_space<hbm>>
      tpu.wait_indirect_dma semaphore(%arg20 : memref<!tpu.dma_semaphore, #tpu.memory_space<semaphore_mem>>) src(%dma_wait3A_166 : memref<10240x64xf32, #tpu.memory_space<hbm>>) dst(%arg11 : memref<128x64xf32, #tpu.memory_space<vmem>>)
      %dma_start3A_167 = arith.constant 0 : i32
      %dma_start3A_168 = tpu.memref_slice %arg7[%add3A_160, %dma_start3A_167] : memref<80x128xi32, #tpu.memory_space<vmem>> -> memref<1x128xi32, #tpu.memory_space<vmem>>
      %dma_start3A_169 = tpu.memref_squeeze %dma_start3A_168 : memref<1x128xi32, #tpu.memory_space<vmem>> -> memref<128xi32, #tpu.memory_space<vmem>>
      %dma_start3A_170 = arith.constant 0 : i32
      %dma_start3A_171 = arith.constant 0 : i32
      %dma_start3A_172 = tpu.memref_slice %arg16[%dma_start3A_170, %dma_start3A_171] : memref<10240x64xf32, #tpu.memory_space<vmem_shared>> -> memref<10240x64xf32, #tpu.memory_space<vmem_shared>>
      tpu.enqueue_indirect_dma source(%arg11 : memref<128x64xf32, #tpu.memory_space<vmem>>) target(%dma_start3A_172 : memref<10240x64xf32, #tpu.memory_space<vmem_shared>>) offsets(%dma_start3A_169 : memref<128xi32, #tpu.memory_space<vmem>>) semaphore(%arg28 : memref<!tpu.dma_semaphore, #tpu.memory_space<semaphore_mem>>) {add = true}
      %ge3A_173 = arith.constant 4 : i32
      %ge3A_174 = arith.cmpi sge, %add3A_160, %ge3A_173 : i32
      %convert_element_type3A_175 = arith.extui %ge3A_174 : i1 to i32
      %cond3A_176 = arith.constant 0 : i32
      %cond3A_177 = arith.cmpi ne, %convert_element_type3A_175, %cond3A_176 : i32
      scf.if %cond3A_177 {
        %dma_wait3A_297 = arith.constant 0 : i32
        %dma_wait3A_298 = tpu.memref_slice %arg7[%add3A_160, %dma_wait3A_297] : memref<80x128xi32, #tpu.memory_space<vmem>> -> memref<1x128xi32, #tpu.memory_space<vmem>>
        %dma_wait3A_299 = tpu.memref_squeeze %dma_wait3A_298 : memref<1x128xi32, #tpu.memory_space<vmem>> -> memref<128xi32, #tpu.memory_space<vmem>>
        %dma_wait3A_300 = arith.constant 0 : i32
        %dma_wait3A_301 = arith.constant 0 : i32
        %dma_wait3A_302 = tpu.memref_slice %arg16[%dma_wait3A_300, %dma_wait3A_301] : memref<10240x64xf32, #tpu.memory_space<vmem_shared>> -> memref<10240x64xf32, #tpu.memory_space<vmem_shared>>
        tpu.wait_indirect_dma semaphore(%arg32 : memref<!tpu.dma_semaphore, #tpu.memory_space<semaphore_mem>>) src(%arg15 : memref<128x64xf32, #tpu.memory_space<vmem>>) dst(%dma_wait3A_302 : memref<10240x64xf32, #tpu.memory_space<vmem_shared>>)
      } else {
      }
      %add3A_178 = arith.constant 4 : i32
      %add3A_179 = arith.addi %add3A_160, %add3A_178 : i32
      %lt3A_180 = arith.constant 80 : i32
      %lt3A_181 = arith.cmpi slt, %add3A_179, %lt3A_180 : i32
      %convert_element_type3A_182 = arith.extui %lt3A_181 : i1 to i32
      %cond3A_183 = arith.constant 0 : i32
      %cond3A_184 = arith.cmpi ne, %convert_element_type3A_182, %cond3A_183 : i32
      scf.if %cond3A_184 {
        %add3A_297 = arith.constant 4 : i32
        %add3A_298 = arith.addi %add3A_160, %add3A_297 : i32
        %dma_start3A_299 = arith.constant 0 : i32
        %dma_start3A_300 = tpu.memref_slice %arg6[%add3A_298, %dma_start3A_299] : memref<80x128xi32, #tpu.memory_space<vmem>> -> memref<1x128xi32, #tpu.memory_space<vmem>>
        %dma_start3A_301 = tpu.memref_squeeze %dma_start3A_300 : memref<1x128xi32, #tpu.memory_space<vmem>> -> memref<128xi32, #tpu.memory_space<vmem>>
        %dma_start3A_302 = arith.constant 0 : i32
        %dma_start3A_303 = arith.constant 0 : i32
        %dma_start3A_304 = tpu.memref_slice %arg2[%dma_start3A_302, %dma_start3A_303] : memref<10240x64xf32, #tpu.memory_space<hbm>> -> memref<10240x64xf32, #tpu.memory_space<hbm>>
        tpu.enqueue_indirect_dma source(%dma_start3A_304 : memref<10240x64xf32, #tpu.memory_space<hbm>>) target(%arg15 : memref<128x64xf32, #tpu.memory_space<vmem>>) offsets(%dma_start3A_301 : memref<128xi32, #tpu.memory_space<vmem>>) semaphore(%arg24 : memref<!tpu.dma_semaphore, #tpu.memory_space<semaphore_mem>>)
      } else {
      }
      %mul3A_185 = arith.constant 8 : i32
      %mul3A_186 = arith.muli %add3A_76, %mul3A_185 : i32
      %add3A_187 = arith.constant 4 : i32
      %add3A_188 = arith.addi %mul3A_186, %add3A_187 : i32
      %dma_wait3A_189 = arith.constant 0 : i32
      %dma_wait3A_190 = tpu.memref_slice %arg6[%add3A_188, %dma_wait3A_189] : memref<80x128xi32, #tpu.memory_space<vmem>> -> memref<1x128xi32, #tpu.memory_space<vmem>>
      %dma_wait3A_191 = tpu.memref_squeeze %dma_wait3A_190 : memref<1x128xi32, #tpu.memory_space<vmem>> -> memref<128xi32, #tpu.memory_space<vmem>>
      %dma_wait3A_192 = arith.constant 0 : i32
      %dma_wait3A_193 = arith.constant 0 : i32
      %dma_wait3A_194 = tpu.memref_slice %arg2[%dma_wait3A_192, %dma_wait3A_193] : memref<10240x64xf32, #tpu.memory_space<hbm>> -> memref<10240x64xf32, #tpu.memory_space<hbm>>
      tpu.wait_indirect_dma semaphore(%arg21 : memref<!tpu.dma_semaphore, #tpu.memory_space<semaphore_mem>>) src(%dma_wait3A_194 : memref<10240x64xf32, #tpu.memory_space<hbm>>) dst(%arg12 : memref<128x64xf32, #tpu.memory_space<vmem>>)
      %dma_start3A_195 = arith.constant 0 : i32
      %dma_start3A_196 = tpu.memref_slice %arg7[%add3A_188, %dma_start3A_195] : memref<80x128xi32, #tpu.memory_space<vmem>> -> memref<1x128xi32, #tpu.memory_space<vmem>>
      %dma_start3A_197 = tpu.memref_squeeze %dma_start3A_196 : memref<1x128xi32, #tpu.memory_space<vmem>> -> memref<128xi32, #tpu.memory_space<vmem>>
      %dma_start3A_198 = arith.constant 0 : i32
      %dma_start3A_199 = arith.constant 0 : i32
      %dma_start3A_200 = tpu.memref_slice %arg16[%dma_start3A_198, %dma_start3A_199] : memref<10240x64xf32, #tpu.memory_space<vmem_shared>> -> memref<10240x64xf32, #tpu.memory_space<vmem_shared>>
      tpu.enqueue_indirect_dma source(%arg12 : memref<128x64xf32, #tpu.memory_space<vmem>>) target(%dma_start3A_200 : memref<10240x64xf32, #tpu.memory_space<vmem_shared>>) offsets(%dma_start3A_197 : memref<128xi32, #tpu.memory_space<vmem>>) semaphore(%arg29 : memref<!tpu.dma_semaphore, #tpu.memory_space<semaphore_mem>>) {add = true}
      %ge3A_201 = arith.constant 4 : i32
      %ge3A_202 = arith.cmpi sge, %add3A_188, %ge3A_201 : i32
      %convert_element_type3A_203 = arith.extui %ge3A_202 : i1 to i32
      %cond3A_204 = arith.constant 0 : i32
      %cond3A_205 = arith.cmpi ne, %convert_element_type3A_203, %cond3A_204 : i32
      scf.if %cond3A_205 {
        %dma_wait3A_297 = arith.constant 0 : i32
        %dma_wait3A_298 = tpu.memref_slice %arg7[%add3A_188, %dma_wait3A_297] : memref<80x128xi32, #tpu.memory_space<vmem>> -> memref<1x128xi32, #tpu.memory_space<vmem>>
        %dma_wait3A_299 = tpu.memref_squeeze %dma_wait3A_298 : memref<1x128xi32, #tpu.memory_space<vmem>> -> memref<128xi32, #tpu.memory_space<vmem>>
        %dma_wait3A_300 = arith.constant 0 : i32
        %dma_wait3A_301 = arith.constant 0 : i32
        %dma_wait3A_302 = tpu.memref_slice %arg16[%dma_wait3A_300, %dma_wait3A_301] : memref<10240x64xf32, #tpu.memory_space<vmem_shared>> -> memref<10240x64xf32, #tpu.memory_space<vmem_shared>>
        tpu.wait_indirect_dma semaphore(%arg25 : memref<!tpu.dma_semaphore, #tpu.memory_space<semaphore_mem>>) src(%arg8 : memref<128x64xf32, #tpu.memory_space<vmem>>) dst(%dma_wait3A_302 : memref<10240x64xf32, #tpu.memory_space<vmem_shared>>)
      } else {
      }
      %add3A_206 = arith.constant 4 : i32
      %add3A_207 = arith.addi %add3A_188, %add3A_206 : i32
      %lt3A_208 = arith.constant 80 : i32
      %lt3A_209 = arith.cmpi slt, %add3A_207, %lt3A_208 : i32
      %convert_element_type3A_210 = arith.extui %lt3A_209 : i1 to i32
      %cond3A_211 = arith.constant 0 : i32
      %cond3A_212 = arith.cmpi ne, %convert_element_type3A_210, %cond3A_211 : i32
      scf.if %cond3A_212 {
        %add3A_297 = arith.constant 4 : i32
        %add3A_298 = arith.addi %add3A_188, %add3A_297 : i32
        %dma_start3A_299 = arith.constant 0 : i32
        %dma_start3A_300 = tpu.memref_slice %arg6[%add3A_298, %dma_start3A_299] : memref<80x128xi32, #tpu.memory_space<vmem>> -> memref<1x128xi32, #tpu.memory_space<vmem>>
        %dma_start3A_301 = tpu.memref_squeeze %dma_start3A_300 : memref<1x128xi32, #tpu.memory_space<vmem>> -> memref<128xi32, #tpu.memory_space<vmem>>
        %dma_start3A_302 = arith.constant 0 : i32
        %dma_start3A_303 = arith.constant 0 : i32
        %dma_start3A_304 = tpu.memref_slice %arg2[%dma_start3A_302, %dma_start3A_303] : memref<10240x64xf32, #tpu.memory_space<hbm>> -> memref<10240x64xf32, #tpu.memory_space<hbm>>
        tpu.enqueue_indirect_dma source(%dma_start3A_304 : memref<10240x64xf32, #tpu.memory_space<hbm>>) target(%arg8 : memref<128x64xf32, #tpu.memory_space<vmem>>) offsets(%dma_start3A_301 : memref<128xi32, #tpu.memory_space<vmem>>) semaphore(%arg17 : memref<!tpu.dma_semaphore, #tpu.memory_space<semaphore_mem>>)
      } else {
      }
      %mul3A_213 = arith.constant 8 : i32
      %mul3A_214 = arith.muli %add3A_76, %mul3A_213 : i32
      %add3A_215 = arith.constant 5 : i32
      %add3A_216 = arith.addi %mul3A_214, %add3A_215 : i32
      %dma_wait3A_217 = arith.constant 0 : i32
      %dma_wait3A_218 = tpu.memref_slice %arg6[%add3A_216, %dma_wait3A_217] : memref<80x128xi32, #tpu.memory_space<vmem>> -> memref<1x128xi32, #tpu.memory_space<vmem>>
      %dma_wait3A_219 = tpu.memref_squeeze %dma_wait3A_218 : memref<1x128xi32, #tpu.memory_space<vmem>> -> memref<128xi32, #tpu.memory_space<vmem>>
      %dma_wait3A_220 = arith.constant 0 : i32
      %dma_wait3A_221 = arith.constant 0 : i32
      %dma_wait3A_222 = tpu.memref_slice %arg2[%dma_wait3A_220, %dma_wait3A_221] : memref<10240x64xf32, #tpu.memory_space<hbm>> -> memref<10240x64xf32, #tpu.memory_space<hbm>>
      tpu.wait_indirect_dma semaphore(%arg22 : memref<!tpu.dma_semaphore, #tpu.memory_space<semaphore_mem>>) src(%dma_wait3A_222 : memref<10240x64xf32, #tpu.memory_space<hbm>>) dst(%arg13 : memref<128x64xf32, #tpu.memory_space<vmem>>)
      %dma_start3A_223 = arith.constant 0 : i32
      %dma_start3A_224 = tpu.memref_slice %arg7[%add3A_216, %dma_start3A_223] : memref<80x128xi32, #tpu.memory_space<vmem>> -> memref<1x128xi32, #tpu.memory_space<vmem>>
      %dma_start3A_225 = tpu.memref_squeeze %dma_start3A_224 : memref<1x128xi32, #tpu.memory_space<vmem>> -> memref<128xi32, #tpu.memory_space<vmem>>
      %dma_start3A_226 = arith.constant 0 : i32
      %dma_start3A_227 = arith.constant 0 : i32
      %dma_start3A_228 = tpu.memref_slice %arg16[%dma_start3A_226, %dma_start3A_227] : memref<10240x64xf32, #tpu.memory_space<vmem_shared>> -> memref<10240x64xf32, #tpu.memory_space<vmem_shared>>
      tpu.enqueue_indirect_dma source(%arg13 : memref<128x64xf32, #tpu.memory_space<vmem>>) target(%dma_start3A_228 : memref<10240x64xf32, #tpu.memory_space<vmem_shared>>) offsets(%dma_start3A_225 : memref<128xi32, #tpu.memory_space<vmem>>) semaphore(%arg30 : memref<!tpu.dma_semaphore, #tpu.memory_space<semaphore_mem>>) {add = true}
      %ge3A_229 = arith.constant 4 : i32
      %ge3A_230 = arith.cmpi sge, %add3A_216, %ge3A_229 : i32
      %convert_element_type3A_231 = arith.extui %ge3A_230 : i1 to i32
      %cond3A_232 = arith.constant 0 : i32
      %cond3A_233 = arith.cmpi ne, %convert_element_type3A_231, %cond3A_232 : i32
      scf.if %cond3A_233 {
        %dma_wait3A_297 = arith.constant 0 : i32
        %dma_wait3A_298 = tpu.memref_slice %arg7[%add3A_216, %dma_wait3A_297] : memref<80x128xi32, #tpu.memory_space<vmem>> -> memref<1x128xi32, #tpu.memory_space<vmem>>
        %dma_wait3A_299 = tpu.memref_squeeze %dma_wait3A_298 : memref<1x128xi32, #tpu.memory_space<vmem>> -> memref<128xi32, #tpu.memory_space<vmem>>
        %dma_wait3A_300 = arith.constant 0 : i32
        %dma_wait3A_301 = arith.constant 0 : i32
        %dma_wait3A_302 = tpu.memref_slice %arg16[%dma_wait3A_300, %dma_wait3A_301] : memref<10240x64xf32, #tpu.memory_space<vmem_shared>> -> memref<10240x64xf32, #tpu.memory_space<vmem_shared>>
        tpu.wait_indirect_dma semaphore(%arg26 : memref<!tpu.dma_semaphore, #tpu.memory_space<semaphore_mem>>) src(%arg9 : memref<128x64xf32, #tpu.memory_space<vmem>>) dst(%dma_wait3A_302 : memref<10240x64xf32, #tpu.memory_space<vmem_shared>>)
      } else {
      }
      %add3A_234 = arith.constant 4 : i32
      %add3A_235 = arith.addi %add3A_216, %add3A_234 : i32
      %lt3A_236 = arith.constant 80 : i32
      %lt3A_237 = arith.cmpi slt, %add3A_235, %lt3A_236 : i32
      %convert_element_type3A_238 = arith.extui %lt3A_237 : i1 to i32
      %cond3A_239 = arith.constant 0 : i32
      %cond3A_240 = arith.cmpi ne, %convert_element_type3A_238, %cond3A_239 : i32
      scf.if %cond3A_240 {
        %add3A_297 = arith.constant 4 : i32
        %add3A_298 = arith.addi %add3A_216, %add3A_297 : i32
        %dma_start3A_299 = arith.constant 0 : i32
        %dma_start3A_300 = tpu.memref_slice %arg6[%add3A_298, %dma_start3A_299] : memref<80x128xi32, #tpu.memory_space<vmem>> -> memref<1x128xi32, #tpu.memory_space<vmem>>
        %dma_start3A_301 = tpu.memref_squeeze %dma_start3A_300 : memref<1x128xi32, #tpu.memory_space<vmem>> -> memref<128xi32, #tpu.memory_space<vmem>>
        %dma_start3A_302 = arith.constant 0 : i32
        %dma_start3A_303 = arith.constant 0 : i32
        %dma_start3A_304 = tpu.memref_slice %arg2[%dma_start3A_302, %dma_start3A_303] : memref<10240x64xf32, #tpu.memory_space<hbm>> -> memref<10240x64xf32, #tpu.memory_space<hbm>>
        tpu.enqueue_indirect_dma source(%dma_start3A_304 : memref<10240x64xf32, #tpu.memory_space<hbm>>) target(%arg9 : memref<128x64xf32, #tpu.memory_space<vmem>>) offsets(%dma_start3A_301 : memref<128xi32, #tpu.memory_space<vmem>>) semaphore(%arg18 : memref<!tpu.dma_semaphore, #tpu.memory_space<semaphore_mem>>)
      } else {
      }
      %mul3A_241 = arith.constant 8 : i32
      %mul3A_242 = arith.muli %add3A_76, %mul3A_241 : i32
      %add3A_243 = arith.constant 6 : i32
      %add3A_244 = arith.addi %mul3A_242, %add3A_243 : i32
      %dma_wait3A_245 = arith.constant 0 : i32
      %dma_wait3A_246 = tpu.memref_slice %arg6[%add3A_244, %dma_wait3A_245] : memref<80x128xi32, #tpu.memory_space<vmem>> -> memref<1x128xi32, #tpu.memory_space<vmem>>
      %dma_wait3A_247 = tpu.memref_squeeze %dma_wait3A_246 : memref<1x128xi32, #tpu.memory_space<vmem>> -> memref<128xi32, #tpu.memory_space<vmem>>
      %dma_wait3A_248 = arith.constant 0 : i32
      %dma_wait3A_249 = arith.constant 0 : i32
      %dma_wait3A_250 = tpu.memref_slice %arg2[%dma_wait3A_248, %dma_wait3A_249] : memref<10240x64xf32, #tpu.memory_space<hbm>> -> memref<10240x64xf32, #tpu.memory_space<hbm>>
      tpu.wait_indirect_dma semaphore(%arg23 : memref<!tpu.dma_semaphore, #tpu.memory_space<semaphore_mem>>) src(%dma_wait3A_250 : memref<10240x64xf32, #tpu.memory_space<hbm>>) dst(%arg14 : memref<128x64xf32, #tpu.memory_space<vmem>>)
      %dma_start3A_251 = arith.constant 0 : i32
      %dma_start3A_252 = tpu.memref_slice %arg7[%add3A_244, %dma_start3A_251] : memref<80x128xi32, #tpu.memory_space<vmem>> -> memref<1x128xi32, #tpu.memory_space<vmem>>
      %dma_start3A_253 = tpu.memref_squeeze %dma_start3A_252 : memref<1x128xi32, #tpu.memory_space<vmem>> -> memref<128xi32, #tpu.memory_space<vmem>>
      %dma_start3A_254 = arith.constant 0 : i32
      %dma_start3A_255 = arith.constant 0 : i32
      %dma_start3A_256 = tpu.memref_slice %arg16[%dma_start3A_254, %dma_start3A_255] : memref<10240x64xf32, #tpu.memory_space<vmem_shared>> -> memref<10240x64xf32, #tpu.memory_space<vmem_shared>>
      tpu.enqueue_indirect_dma source(%arg14 : memref<128x64xf32, #tpu.memory_space<vmem>>) target(%dma_start3A_256 : memref<10240x64xf32, #tpu.memory_space<vmem_shared>>) offsets(%dma_start3A_253 : memref<128xi32, #tpu.memory_space<vmem>>) semaphore(%arg31 : memref<!tpu.dma_semaphore, #tpu.memory_space<semaphore_mem>>) {add = true}
      %ge3A_257 = arith.constant 4 : i32
      %ge3A_258 = arith.cmpi sge, %add3A_244, %ge3A_257 : i32
      %convert_element_type3A_259 = arith.extui %ge3A_258 : i1 to i32
      %cond3A_260 = arith.constant 0 : i32
      %cond3A_261 = arith.cmpi ne, %convert_element_type3A_259, %cond3A_260 : i32
      scf.if %cond3A_261 {
        %dma_wait3A_297 = arith.constant 0 : i32
        %dma_wait3A_298 = tpu.memref_slice %arg7[%add3A_244, %dma_wait3A_297] : memref<80x128xi32, #tpu.memory_space<vmem>> -> memref<1x128xi32, #tpu.memory_space<vmem>>
        %dma_wait3A_299 = tpu.memref_squeeze %dma_wait3A_298 : memref<1x128xi32, #tpu.memory_space<vmem>> -> memref<128xi32, #tpu.memory_space<vmem>>
        %dma_wait3A_300 = arith.constant 0 : i32
        %dma_wait3A_301 = arith.constant 0 : i32
        %dma_wait3A_302 = tpu.memref_slice %arg16[%dma_wait3A_300, %dma_wait3A_301] : memref<10240x64xf32, #tpu.memory_space<vmem_shared>> -> memref<10240x64xf32, #tpu.memory_space<vmem_shared>>
        tpu.wait_indirect_dma semaphore(%arg27 : memref<!tpu.dma_semaphore, #tpu.memory_space<semaphore_mem>>) src(%arg10 : memref<128x64xf32, #tpu.memory_space<vmem>>) dst(%dma_wait3A_302 : memref<10240x64xf32, #tpu.memory_space<vmem_shared>>)
      } else {
      }
      %add3A_262 = arith.constant 4 : i32
      %add3A_263 = arith.addi %add3A_244, %add3A_262 : i32
      %lt3A_264 = arith.constant 80 : i32
      %lt3A_265 = arith.cmpi slt, %add3A_263, %lt3A_264 : i32
      %convert_element_type3A_266 = arith.extui %lt3A_265 : i1 to i32
      %cond3A_267 = arith.constant 0 : i32
      %cond3A_268 = arith.cmpi ne, %convert_element_type3A_266, %cond3A_267 : i32
      scf.if %cond3A_268 {
        %add3A_297 = arith.constant 4 : i32
        %add3A_298 = arith.addi %add3A_244, %add3A_297 : i32
        %dma_start3A_299 = arith.constant 0 : i32
        %dma_start3A_300 = tpu.memref_slice %arg6[%add3A_298, %dma_start3A_299] : memref<80x128xi32, #tpu.memory_space<vmem>> -> memref<1x128xi32, #tpu.memory_space<vmem>>
        %dma_start3A_301 = tpu.memref_squeeze %dma_start3A_300 : memref<1x128xi32, #tpu.memory_space<vmem>> -> memref<128xi32, #tpu.memory_space<vmem>>
        %dma_start3A_302 = arith.constant 0 : i32
        %dma_start3A_303 = arith.constant 0 : i32
        %dma_start3A_304 = tpu.memref_slice %arg2[%dma_start3A_302, %dma_start3A_303] : memref<10240x64xf32, #tpu.memory_space<hbm>> -> memref<10240x64xf32, #tpu.memory_space<hbm>>
        tpu.enqueue_indirect_dma source(%dma_start3A_304 : memref<10240x64xf32, #tpu.memory_space<hbm>>) target(%arg10 : memref<128x64xf32, #tpu.memory_space<vmem>>) offsets(%dma_start3A_301 : memref<128xi32, #tpu.memory_space<vmem>>) semaphore(%arg19 : memref<!tpu.dma_semaphore, #tpu.memory_space<semaphore_mem>>)
      } else {
      }
      %mul3A_269 = arith.constant 8 : i32
      %mul3A_270 = arith.muli %add3A_76, %mul3A_269 : i32
      %add3A_271 = arith.constant 7 : i32
      %add3A_272 = arith.addi %mul3A_270, %add3A_271 : i32
      %dma_wait3A_273 = arith.constant 0 : i32
      %dma_wait3A_274 = tpu.memref_slice %arg6[%add3A_272, %dma_wait3A_273] : memref<80x128xi32, #tpu.memory_space<vmem>> -> memref<1x128xi32, #tpu.memory_space<vmem>>
      %dma_wait3A_275 = tpu.memref_squeeze %dma_wait3A_274 : memref<1x128xi32, #tpu.memory_space<vmem>> -> memref<128xi32, #tpu.memory_space<vmem>>
      %dma_wait3A_276 = arith.constant 0 : i32
      %dma_wait3A_277 = arith.constant 0 : i32
      %dma_wait3A_278 = tpu.memref_slice %arg2[%dma_wait3A_276, %dma_wait3A_277] : memref<10240x64xf32, #tpu.memory_space<hbm>> -> memref<10240x64xf32, #tpu.memory_space<hbm>>
      tpu.wait_indirect_dma semaphore(%arg24 : memref<!tpu.dma_semaphore, #tpu.memory_space<semaphore_mem>>) src(%dma_wait3A_278 : memref<10240x64xf32, #tpu.memory_space<hbm>>) dst(%arg15 : memref<128x64xf32, #tpu.memory_space<vmem>>)
      %dma_start3A_279 = arith.constant 0 : i32
      %dma_start3A_280 = tpu.memref_slice %arg7[%add3A_272, %dma_start3A_279] : memref<80x128xi32, #tpu.memory_space<vmem>> -> memref<1x128xi32, #tpu.memory_space<vmem>>
      %dma_start3A_281 = tpu.memref_squeeze %dma_start3A_280 : memref<1x128xi32, #tpu.memory_space<vmem>> -> memref<128xi32, #tpu.memory_space<vmem>>
      %dma_start3A_282 = arith.constant 0 : i32
      %dma_start3A_283 = arith.constant 0 : i32
      %dma_start3A_284 = tpu.memref_slice %arg16[%dma_start3A_282, %dma_start3A_283] : memref<10240x64xf32, #tpu.memory_space<vmem_shared>> -> memref<10240x64xf32, #tpu.memory_space<vmem_shared>>
      tpu.enqueue_indirect_dma source(%arg15 : memref<128x64xf32, #tpu.memory_space<vmem>>) target(%dma_start3A_284 : memref<10240x64xf32, #tpu.memory_space<vmem_shared>>) offsets(%dma_start3A_281 : memref<128xi32, #tpu.memory_space<vmem>>) semaphore(%arg32 : memref<!tpu.dma_semaphore, #tpu.memory_space<semaphore_mem>>) {add = true}
      %ge3A_285 = arith.constant 4 : i32
      %ge3A_286 = arith.cmpi sge, %add3A_272, %ge3A_285 : i32
      %convert_element_type3A_287 = arith.extui %ge3A_286 : i1 to i32
      %cond3A_288 = arith.constant 0 : i32
      %cond3A_289 = arith.cmpi ne, %convert_element_type3A_287, %cond3A_288 : i32
      scf.if %cond3A_289 {
        %dma_wait3A_297 = arith.constant 0 : i32
        %dma_wait3A_298 = tpu.memref_slice %arg7[%add3A_272, %dma_wait3A_297] : memref<80x128xi32, #tpu.memory_space<vmem>> -> memref<1x128xi32, #tpu.memory_space<vmem>>
        %dma_wait3A_299 = tpu.memref_squeeze %dma_wait3A_298 : memref<1x128xi32, #tpu.memory_space<vmem>> -> memref<128xi32, #tpu.memory_space<vmem>>
        %dma_wait3A_300 = arith.constant 0 : i32
        %dma_wait3A_301 = arith.constant 0 : i32
        %dma_wait3A_302 = tpu.memref_slice %arg16[%dma_wait3A_300, %dma_wait3A_301] : memref<10240x64xf32, #tpu.memory_space<vmem_shared>> -> memref<10240x64xf32, #tpu.memory_space<vmem_shared>>
        tpu.wait_indirect_dma semaphore(%arg28 : memref<!tpu.dma_semaphore, #tpu.memory_space<semaphore_mem>>) src(%arg11 : memref<128x64xf32, #tpu.memory_space<vmem>>) dst(%dma_wait3A_302 : memref<10240x64xf32, #tpu.memory_space<vmem_shared>>)
      } else {
      }
      %add3A_290 = arith.constant 4 : i32
      %add3A_291 = arith.addi %add3A_272, %add3A_290 : i32
      %lt3A_292 = arith.constant 80 : i32
      %lt3A_293 = arith.cmpi slt, %add3A_291, %lt3A_292 : i32
      %convert_element_type3A_294 = arith.extui %lt3A_293 : i1 to i32
      %cond3A_295 = arith.constant 0 : i32
      %cond3A_296 = arith.cmpi ne, %convert_element_type3A_294, %cond3A_295 : i32
      scf.if %cond3A_296 {
        %add3A_297 = arith.constant 4 : i32
        %add3A_298 = arith.addi %add3A_272, %add3A_297 : i32
        %dma_start3A_299 = arith.constant 0 : i32
        %dma_start3A_300 = tpu.memref_slice %arg6[%add3A_298, %dma_start3A_299] : memref<80x128xi32, #tpu.memory_space<vmem>> -> memref<1x128xi32, #tpu.memory_space<vmem>>
        %dma_start3A_301 = tpu.memref_squeeze %dma_start3A_300 : memref<1x128xi32, #tpu.memory_space<vmem>> -> memref<128xi32, #tpu.memory_space<vmem>>
        %dma_start3A_302 = arith.constant 0 : i32
        %dma_start3A_303 = arith.constant 0 : i32
        %dma_start3A_304 = tpu.memref_slice %arg2[%dma_start3A_302, %dma_start3A_303] : memref<10240x64xf32, #tpu.memory_space<hbm>> -> memref<10240x64xf32, #tpu.memory_space<hbm>>
        tpu.enqueue_indirect_dma source(%dma_start3A_304 : memref<10240x64xf32, #tpu.memory_space<hbm>>) target(%arg11 : memref<128x64xf32, #tpu.memory_space<vmem>>) offsets(%dma_start3A_301 : memref<128xi32, #tpu.memory_space<vmem>>) semaphore(%arg20 : memref<!tpu.dma_semaphore, #tpu.memory_space<semaphore_mem>>)
      } else {
      }
    }
    %scan3A_43 = arith.constant 10 : i32
    %dma_wait3A = arith.constant 0 : i32
    %dma_wait3A_44 = arith.constant 0 : i32
    %dma_wait3A_45 = tpu.memref_slice %arg7[%dma_wait3A, %dma_wait3A_44] : memref<80x128xi32, #tpu.memory_space<vmem>> -> memref<1x128xi32, #tpu.memory_space<vmem>>
    %dma_wait3A_46 = tpu.memref_squeeze %dma_wait3A_45 : memref<1x128xi32, #tpu.memory_space<vmem>> -> memref<128xi32, #tpu.memory_space<vmem>>
    %dma_wait3A_47 = arith.constant 0 : i32
    %dma_wait3A_48 = arith.constant 0 : i32
    %dma_wait3A_49 = tpu.memref_slice %arg16[%dma_wait3A_47, %dma_wait3A_48] : memref<10240x64xf32, #tpu.memory_space<vmem_shared>> -> memref<10240x64xf32, #tpu.memory_space<vmem_shared>>
    tpu.wait_indirect_dma semaphore(%arg29 : memref<!tpu.dma_semaphore, #tpu.memory_space<semaphore_mem>>) src(%arg12 : memref<128x64xf32, #tpu.memory_space<vmem>>) dst(%dma_wait3A_49 : memref<10240x64xf32, #tpu.memory_space<vmem_shared>>)
    %dma_wait3A_50 = arith.constant 0 : i32
    %dma_wait3A_51 = arith.constant 0 : i32
    %dma_wait3A_52 = tpu.memref_slice %arg7[%dma_wait3A_50, %dma_wait3A_51] : memref<80x128xi32, #tpu.memory_space<vmem>> -> memref<1x128xi32, #tpu.memory_space<vmem>>
    %dma_wait3A_53 = tpu.memref_squeeze %dma_wait3A_52 : memref<1x128xi32, #tpu.memory_space<vmem>> -> memref<128xi32, #tpu.memory_space<vmem>>
    %dma_wait3A_54 = arith.constant 0 : i32
    %dma_wait3A_55 = arith.constant 0 : i32
    %dma_wait3A_56 = tpu.memref_slice %arg16[%dma_wait3A_54, %dma_wait3A_55] : memref<10240x64xf32, #tpu.memory_space<vmem_shared>> -> memref<10240x64xf32, #tpu.memory_space<vmem_shared>>
    tpu.wait_indirect_dma semaphore(%arg30 : memref<!tpu.dma_semaphore, #tpu.memory_space<semaphore_mem>>) src(%arg13 : memref<128x64xf32, #tpu.memory_space<vmem>>) dst(%dma_wait3A_56 : memref<10240x64xf32, #tpu.memory_space<vmem_shared>>)
    %dma_wait3A_57 = arith.constant 0 : i32
    %dma_wait3A_58 = arith.constant 0 : i32
    %dma_wait3A_59 = tpu.memref_slice %arg7[%dma_wait3A_57, %dma_wait3A_58] : memref<80x128xi32, #tpu.memory_space<vmem>> -> memref<1x128xi32, #tpu.memory_space<vmem>>
    %dma_wait3A_60 = tpu.memref_squeeze %dma_wait3A_59 : memref<1x128xi32, #tpu.memory_space<vmem>> -> memref<128xi32, #tpu.memory_space<vmem>>
    %dma_wait3A_61 = arith.constant 0 : i32
    %dma_wait3A_62 = arith.constant 0 : i32
    %dma_wait3A_63 = tpu.memref_slice %arg16[%dma_wait3A_61, %dma_wait3A_62] : memref<10240x64xf32, #tpu.memory_space<vmem_shared>> -> memref<10240x64xf32, #tpu.memory_space<vmem_shared>>
    tpu.wait_indirect_dma semaphore(%arg31 : memref<!tpu.dma_semaphore, #tpu.memory_space<semaphore_mem>>) src(%arg14 : memref<128x64xf32, #tpu.memory_space<vmem>>) dst(%dma_wait3A_63 : memref<10240x64xf32, #tpu.memory_space<vmem_shared>>)
    %dma_wait3A_64 = arith.constant 0 : i32
    %dma_wait3A_65 = arith.constant 0 : i32
    %dma_wait3A_66 = tpu.memref_slice %arg7[%dma_wait3A_64, %dma_wait3A_65] : memref<80x128xi32, #tpu.memory_space<vmem>> -> memref<1x128xi32, #tpu.memory_space<vmem>>
    %dma_wait3A_67 = tpu.memref_squeeze %dma_wait3A_66 : memref<1x128xi32, #tpu.memory_space<vmem>> -> memref<128xi32, #tpu.memory_space<vmem>>
    %dma_wait3A_68 = arith.constant 0 : i32
    %dma_wait3A_69 = arith.constant 0 : i32
    %dma_wait3A_70 = tpu.memref_slice %arg16[%dma_wait3A_68, %dma_wait3A_69] : memref<10240x64xf32, #tpu.memory_space<vmem_shared>> -> memref<10240x64xf32, #tpu.memory_space<vmem_shared>>
    tpu.wait_indirect_dma semaphore(%arg32 : memref<!tpu.dma_semaphore, #tpu.memory_space<semaphore_mem>>) src(%arg15 : memref<128x64xf32, #tpu.memory_space<vmem>>) dst(%dma_wait3A_70 : memref<10240x64xf32, #tpu.memory_space<vmem_shared>>)
    %barrier3A_71 = arith.constant 0 : index
    tpu.barrier barrier_id(%barrier3A_71)
    "tpu.region"() ({
      %run_scoped3A = tpu.sem_alloc : memref<!tpu.dma_semaphore, #tpu.memory_space<semaphore_mem>>
      %dma_start3A_72 = arith.constant 0 : i32
      %dma_start3A_73 = arith.constant 0 : i32
      %dma_start3A_74 = tpu.memref_slice %arg5[%arg0, %dma_start3A_72, %dma_start3A_73] : memref<2x10240x64xf32, #tpu.memory_space<hbm>> -> memref<1x10240x64xf32, #tpu.memory_space<hbm>>
      %dma_start3A_75 = tpu.memref_squeeze %dma_start3A_74 : memref<1x10240x64xf32, #tpu.memory_space<hbm>> -> memref<10240x64xf32, #tpu.memory_space<hbm>>
      %dma_start3A_76 = arith.constant 0 : i32
      %dma_start3A_77 = tpu.memref_slice %dma_start3A_75[%mul3A_2, %dma_start3A_76] : memref<10240x64xf32, #tpu.memory_space<hbm>> -> memref<640x64xf32, #tpu.memory_space<hbm>>
      %dma_start3A_78 = arith.constant 0 : i32
      %dma_start3A_79 = tpu.memref_slice %arg16[%mul3A_2, %dma_start3A_78] : memref<10240x64xf32, #tpu.memory_space<vmem_shared>> -> memref<640x64xf32, #tpu.memory_space<vmem_shared>>
      tpu.enqueue_dma source(%dma_start3A_79 : memref<640x64xf32, #tpu.memory_space<vmem_shared>>) target(%dma_start3A_77 : memref<640x64xf32, #tpu.memory_space<hbm>>) target_semaphore(%run_scoped3A : memref<!tpu.dma_semaphore, #tpu.memory_space<semaphore_mem>>)
      %dma_wait3A_80 = arith.constant 0 : i32
      %dma_wait3A_81 = arith.constant 0 : i32
      %dma_wait3A_82 = tpu.memref_slice %arg5[%arg0, %dma_wait3A_80, %dma_wait3A_81] : memref<2x10240x64xf32, #tpu.memory_space<hbm>> -> memref<1x10240x64xf32, #tpu.memory_space<hbm>>
      %dma_wait3A_83 = tpu.memref_squeeze %dma_wait3A_82 : memref<1x10240x64xf32, #tpu.memory_space<hbm>> -> memref<10240x64xf32, #tpu.memory_space<hbm>>
      %dma_wait3A_84 = arith.constant 0 : i32
      %dma_wait3A_85 = tpu.memref_slice %dma_wait3A_83[%mul3A_2, %dma_wait3A_84] : memref<10240x64xf32, #tpu.memory_space<hbm>> -> memref<640x64xf32, #tpu.memory_space<hbm>>
      %dma_wait3A_86 = arith.constant 0 : i32
      %dma_wait3A_87 = tpu.memref_slice %arg16[%mul3A_2, %dma_wait3A_86] : memref<10240x64xf32, #tpu.memory_space<vmem_shared>> -> memref<640x64xf32, #tpu.memory_space<vmem_shared>>
      tpu.wait_dma2 semaphore(%run_scoped3A : memref<!tpu.dma_semaphore, #tpu.memory_space<semaphore_mem>>) src(%dma_wait3A_87 : memref<640x64xf32, #tpu.memory_space<vmem_shared>>) dst(%dma_wait3A_85 : memref<640x64xf32, #tpu.memory_space<hbm>>)
      tpu.yield
    }) : () -> ()
    return
  }
}

#map = affine_map<(d0, d1) -> (0, 0, 0)>
module attributes {stable_mosaic.version = 14 : i64} {
  func.func @sc_degree(%arg0: i32, %arg1: i32, %arg2: memref<32x80x128xi32, #tpu.memory_space<hbm>>, %arg3: memref<2x10240x16xf32, #tpu.memory_space<hbm>>, %arg4: memref<80x128xi32, #tpu.memory_space<vmem>>, %arg5: memref<128x16xf32, #tpu.memory_space<vmem>>, %arg6: memref<10240x16xf32, #tpu.memory_space<vmem_shared>>, %arg7: memref<!tpu.dma_semaphore, #tpu.memory_space<semaphore_mem>>) attributes {dimension_semantics = [#tpu.dimension_semantics<core_parallel>, #tpu.dimension_semantics<subcore_parallel>], iteration_bounds = array<i64: 2, 16>, scalar_prefetch = 0 : i64, scratch_operands = 4 : i64, tpu.core_type = #tpu.core_type<sc_vector_subcore>, window_params = [{transform_indices = #map}, {transform_indices = #map}]} {
    %mul3A = arith.constant 2 : i32
    %mul3A_0 = arith.muli %arg1, %mul3A : i32
    %add3A = arith.addi %mul3A_0, %arg0 : i32
    %mul3A_1 = arith.constant 640 : i32
    %mul3A_2 = arith.muli %arg1, %mul3A_1 : i32
    "tpu.region"() ({
      %run_scoped3A = tpu.sem_alloc : memref<!tpu.dma_semaphore, #tpu.memory_space<semaphore_mem>>
      %dma_start3A = arith.constant 0 : i32
      %dma_start3A_28 = arith.constant 0 : i32
      %dma_start3A_29 = tpu.memref_slice %arg2[%add3A, %dma_start3A, %dma_start3A_28] : memref<32x80x128xi32, #tpu.memory_space<hbm>> -> memref<1x80x128xi32, #tpu.memory_space<hbm>>
      %dma_start3A_30 = tpu.memref_squeeze %dma_start3A_29 : memref<1x80x128xi32, #tpu.memory_space<hbm>> -> memref<80x128xi32, #tpu.memory_space<hbm>>
      %dma_start3A_31 = arith.constant 0 : i32
      %dma_start3A_32 = arith.constant 0 : i32
      %dma_start3A_33 = tpu.memref_slice %arg2[%add3A, %dma_start3A_31, %dma_start3A_32] : memref<32x80x128xi32, #tpu.memory_space<hbm>> -> memref<1x80x128xi32, #tpu.memory_space<hbm>>
      %dma_start3A_34 = tpu.memref_squeeze %dma_start3A_33 : memref<1x80x128xi32, #tpu.memory_space<hbm>> -> memref<80x128xi32, #tpu.memory_space<hbm>>
      tpu.enqueue_dma source(%dma_start3A_34 : memref<80x128xi32, #tpu.memory_space<hbm>>) target(%arg4 : memref<80x128xi32, #tpu.memory_space<vmem>>) target_semaphore(%run_scoped3A : memref<!tpu.dma_semaphore, #tpu.memory_space<semaphore_mem>>)
      %dma_wait3A = arith.constant 0 : i32
      %dma_wait3A_35 = arith.constant 0 : i32
      %dma_wait3A_36 = tpu.memref_slice %arg2[%add3A, %dma_wait3A, %dma_wait3A_35] : memref<32x80x128xi32, #tpu.memory_space<hbm>> -> memref<1x80x128xi32, #tpu.memory_space<hbm>>
      %dma_wait3A_37 = tpu.memref_squeeze %dma_wait3A_36 : memref<1x80x128xi32, #tpu.memory_space<hbm>> -> memref<80x128xi32, #tpu.memory_space<hbm>>
      %dma_wait3A_38 = arith.constant 0 : i32
      %dma_wait3A_39 = arith.constant 0 : i32
      %dma_wait3A_40 = tpu.memref_slice %arg2[%add3A, %dma_wait3A_38, %dma_wait3A_39] : memref<32x80x128xi32, #tpu.memory_space<hbm>> -> memref<1x80x128xi32, #tpu.memory_space<hbm>>
      %dma_wait3A_41 = tpu.memref_squeeze %dma_wait3A_40 : memref<1x80x128xi32, #tpu.memory_space<hbm>> -> memref<80x128xi32, #tpu.memory_space<hbm>>
      tpu.wait_dma2 semaphore(%run_scoped3A : memref<!tpu.dma_semaphore, #tpu.memory_space<semaphore_mem>>) src(%dma_wait3A_41 : memref<80x128xi32, #tpu.memory_space<hbm>>) dst(%arg4 : memref<80x128xi32, #tpu.memory_space<vmem>>)
      tpu.yield
    }) : () -> ()
    %scan3A = arith.constant 0 : i32
    %scan3A_3 = arith.constant 128 : i32
    %scan3A_4 = arith.addi %scan3A, %scan3A_3 : i32
    %scan3A_5 = arith.constant 1 : i32
    scf.for %scan3A_28 = %scan3A to %scan3A_4 step %scan3A_5  : i32 {
      %mul3A_29 = arith.constant 1 : i32
      %mul3A_30 = arith.muli %scan3A_28, %mul3A_29 : i32
      %add3A_31 = arith.constant 0 : i32
      %add3A_32 = arith.addi %add3A_31, %mul3A_30 : i32
      %scan3A_33 = arith.constant 0 : i32
      %mul3A_34 = arith.constant 16 : i32
      %mul3A_35 = arith.muli %scan3A_33, %mul3A_34 : i32
      %add3A_36 = arith.constant 0 : i32
      %add3A_37 = arith.addi %add3A_36, %mul3A_35 : i32
      %broadcast_in_dim3A = arith.constant 0.000000e+00 : f32
      %broadcast_in_dim3A_38 = vector.broadcast %broadcast_in_dim3A : f32 to vector<16xf32>
      %swap3A = arith.index_cast %add3A_32 : i32 to index
      %swap3A_39 = arith.index_cast %add3A_37 : i32 to index
      %swap3A_40 = tpu.vector_load %arg5[%swap3A, %swap3A_39] {strides = array<i32>} : memref<128x16xf32, #tpu.memory_space<vmem>>, vector<1x16xf32>,
      %swap3A_41 = vector.shape_cast %swap3A_40 : vector<1x16xf32> to vector<16xf32>
      %swap3A_42 = vector.shape_cast %broadcast_in_dim3A_38 : vector<16xf32> to vector<1x16xf32>
      tpu.vector_store %arg5[%swap3A, %swap3A_39], %swap3A_42 {strides = array<i32>} : memref<128x16xf32, #tpu.memory_space<vmem>>, vector<1x16xf32>,
      %scan3A_43 = arith.constant 1 : i32
    }
    %scan3A_6 = arith.constant 128 : i32
    %scan3A_7 = arith.constant 0 : i32
    %scan3A_8 = arith.constant 5 : i32
    %scan3A_9 = arith.addi %scan3A_7, %scan3A_8 : i32
    %scan3A_10 = arith.constant 1 : i32
    scf.for %scan3A_28 = %scan3A_7 to %scan3A_9 step %scan3A_10  : i32 {
      %mul3A_29 = arith.constant 128 : i32
      %mul3A_30 = arith.muli %scan3A_28, %mul3A_29 : i32
      %add3A_31 = arith.constant 0 : i32
      %add3A_32 = arith.addi %add3A_31, %mul3A_30 : i32
      %add3A_33 = arith.addi %mul3A_2, %add3A_32 : i32
      "tpu.region"() ({
        %run_scoped3A = tpu.sem_alloc : memref<!tpu.dma_semaphore, #tpu.memory_space<semaphore_mem>>
        %dma_start3A = arith.constant 0 : i32
        %dma_start3A_34 = tpu.memref_slice %arg6[%add3A_33, %dma_start3A] : memref<10240x16xf32, #tpu.memory_space<vmem_shared>> -> memref<128x16xf32, #tpu.memory_space<vmem_shared>>
        %dma_start3A_35 = arith.constant 0 : i32
        %dma_start3A_36 = tpu.memref_slice %arg6[%add3A_33, %dma_start3A_35] : memref<10240x16xf32, #tpu.memory_space<vmem_shared>> -> memref<128x16xf32, #tpu.memory_space<vmem_shared>>
        tpu.enqueue_dma source(%arg5 : memref<128x16xf32, #tpu.memory_space<vmem>>) target(%dma_start3A_36 : memref<128x16xf32, #tpu.memory_space<vmem_shared>>) target_semaphore(%run_scoped3A : memref<!tpu.dma_semaphore, #tpu.memory_space<semaphore_mem>>)
        %dma_wait3A = arith.constant 0 : i32
        %dma_wait3A_37 = tpu.memref_slice %arg6[%add3A_33, %dma_wait3A] : memref<10240x16xf32, #tpu.memory_space<vmem_shared>> -> memref<128x16xf32, #tpu.memory_space<vmem_shared>>
        %dma_wait3A_38 = arith.constant 0 : i32
        %dma_wait3A_39 = tpu.memref_slice %arg6[%add3A_33, %dma_wait3A_38] : memref<10240x16xf32, #tpu.memory_space<vmem_shared>> -> memref<128x16xf32, #tpu.memory_space<vmem_shared>>
        tpu.wait_dma2 semaphore(%run_scoped3A : memref<!tpu.dma_semaphore, #tpu.memory_space<semaphore_mem>>) src(%arg5 : memref<128x16xf32, #tpu.memory_space<vmem>>) dst(%dma_wait3A_39 : memref<128x16xf32, #tpu.memory_space<vmem_shared>>)
        tpu.yield
      }) : () -> ()
    }
    %scan3A_11 = arith.constant 5 : i32
    %barrier3A = arith.constant 0 : index
    tpu.barrier barrier_id(%barrier3A)
    %scan3A_12 = arith.constant 0 : i32
    %scan3A_13 = arith.constant 128 : i32
    %scan3A_14 = arith.addi %scan3A_12, %scan3A_13 : i32
    %scan3A_15 = arith.constant 1 : i32
    scf.for %scan3A_28 = %scan3A_12 to %scan3A_14 step %scan3A_15  : i32 {
      %mul3A_29 = arith.constant 1 : i32
      %mul3A_30 = arith.muli %scan3A_28, %mul3A_29 : i32
      %add3A_31 = arith.constant 0 : i32
      %add3A_32 = arith.addi %add3A_31, %mul3A_30 : i32
      %broadcast_in_dim3A = arith.constant 1.000000e+00 : f32
      %broadcast_in_dim3A_33 = vector.broadcast %broadcast_in_dim3A : f32 to vector<16xf32>
      %swap3A = arith.index_cast %add3A_32 : i32 to index
      %swap3A_34 = arith.constant 0 : index
      %swap3A_35 = tpu.vector_load %arg5[%swap3A, %swap3A_34] {strides = array<i32>} : memref<128x16xf32, #tpu.memory_space<vmem>>, vector<1x16xf32>,
      %swap3A_36 = vector.shape_cast %swap3A_35 : vector<1x16xf32> to vector<16xf32>
      %swap3A_37 = vector.shape_cast %broadcast_in_dim3A_33 : vector<16xf32> to vector<1x16xf32>
      tpu.vector_store %arg5[%swap3A, %swap3A_34], %swap3A_37 {strides = array<i32>} : memref<128x16xf32, #tpu.memory_space<vmem>>, vector<1x16xf32>,
    }
    %scan3A_16 = arith.constant 128 : i32
    %scan3A_17 = arith.constant 0 : i32
    %scan3A_18 = arith.constant 80 : i32
    %scan3A_19 = arith.addi %scan3A_17, %scan3A_18 : i32
    %scan3A_20 = arith.constant 1 : i32
    scf.for %scan3A_28 = %scan3A_17 to %scan3A_19 step %scan3A_20  : i32 {
      %mul3A_29 = arith.constant 1 : i32
      %mul3A_30 = arith.muli %scan3A_28, %mul3A_29 : i32
      %add3A_31 = arith.constant 0 : i32
      %add3A_32 = arith.addi %add3A_31, %mul3A_30 : i32
      %dma_start3A = arith.constant 0 : i32
      %dma_start3A_33 = tpu.memref_slice %arg4[%add3A_32, %dma_start3A] : memref<80x128xi32, #tpu.memory_space<vmem>> -> memref<1x128xi32, #tpu.memory_space<vmem>>
      %dma_start3A_34 = tpu.memref_squeeze %dma_start3A_33 : memref<1x128xi32, #tpu.memory_space<vmem>> -> memref<128xi32, #tpu.memory_space<vmem>>
      %dma_start3A_35 = arith.constant 0 : i32
      %dma_start3A_36 = arith.constant 0 : i32
      %dma_start3A_37 = tpu.memref_slice %arg6[%dma_start3A_35, %dma_start3A_36] : memref<10240x16xf32, #tpu.memory_space<vmem_shared>> -> memref<10240x16xf32, #tpu.memory_space<vmem_shared>>
      tpu.enqueue_indirect_dma source(%arg5 : memref<128x16xf32, #tpu.memory_space<vmem>>) target(%dma_start3A_37 : memref<10240x16xf32, #tpu.memory_space<vmem_shared>>) offsets(%dma_start3A_34 : memref<128xi32, #tpu.memory_space<vmem>>) semaphore(%arg7 : memref<!tpu.dma_semaphore, #tpu.memory_space<semaphore_mem>>) {add = true}
      %ge3A = arith.constant 8 : i32
      %ge3A_38 = arith.cmpi sge, %add3A_32, %ge3A : i32
      %convert_element_type3A = arith.extui %ge3A_38 : i1 to i32
      %cond3A = arith.constant 0 : i32
      %cond3A_39 = arith.cmpi ne, %convert_element_type3A, %cond3A : i32
      scf.if %cond3A_39 {
        %dma_wait3A = arith.constant 0 : i32
        %dma_wait3A_40 = tpu.memref_slice %arg4[%add3A_32, %dma_wait3A] : memref<80x128xi32, #tpu.memory_space<vmem>> -> memref<1x128xi32, #tpu.memory_space<vmem>>
        %dma_wait3A_41 = tpu.memref_squeeze %dma_wait3A_40 : memref<1x128xi32, #tpu.memory_space<vmem>> -> memref<128xi32, #tpu.memory_space<vmem>>
        %dma_wait3A_42 = arith.constant 0 : i32
        %dma_wait3A_43 = arith.constant 0 : i32
        %dma_wait3A_44 = tpu.memref_slice %arg6[%dma_wait3A_42, %dma_wait3A_43] : memref<10240x16xf32, #tpu.memory_space<vmem_shared>> -> memref<10240x16xf32, #tpu.memory_space<vmem_shared>>
        tpu.wait_indirect_dma semaphore(%arg7 : memref<!tpu.dma_semaphore, #tpu.memory_space<semaphore_mem>>) src(%arg5 : memref<128x16xf32, #tpu.memory_space<vmem>>) dst(%dma_wait3A_44 : memref<10240x16xf32, #tpu.memory_space<vmem_shared>>)
      } else {
      }
    }
    %scan3A_21 = arith.constant 80 : i32
    %scan3A_22 = arith.constant 0 : i32
    %scan3A_23 = arith.constant 8 : i32
    %scan3A_24 = arith.addi %scan3A_22, %scan3A_23 : i32
    %scan3A_25 = arith.constant 1 : i32
    scf.for %scan3A_28 = %scan3A_22 to %scan3A_24 step %scan3A_25  : i32 {
      %mul3A_29 = arith.constant 1 : i32
      %mul3A_30 = arith.muli %scan3A_28, %mul3A_29 : i32
      %add3A_31 = arith.constant 0 : i32
      %add3A_32 = arith.addi %add3A_31, %mul3A_30 : i32
      %dma_wait3A = arith.constant 0 : i32
      %dma_wait3A_33 = tpu.memref_slice %arg4[%add3A_32, %dma_wait3A] : memref<80x128xi32, #tpu.memory_space<vmem>> -> memref<1x128xi32, #tpu.memory_space<vmem>>
      %dma_wait3A_34 = tpu.memref_squeeze %dma_wait3A_33 : memref<1x128xi32, #tpu.memory_space<vmem>> -> memref<128xi32, #tpu.memory_space<vmem>>
      %dma_wait3A_35 = arith.constant 0 : i32
      %dma_wait3A_36 = arith.constant 0 : i32
      %dma_wait3A_37 = tpu.memref_slice %arg6[%dma_wait3A_35, %dma_wait3A_36] : memref<10240x16xf32, #tpu.memory_space<vmem_shared>> -> memref<10240x16xf32, #tpu.memory_space<vmem_shared>>
      tpu.wait_indirect_dma semaphore(%arg7 : memref<!tpu.dma_semaphore, #tpu.memory_space<semaphore_mem>>) src(%arg5 : memref<128x16xf32, #tpu.memory_space<vmem>>) dst(%dma_wait3A_37 : memref<10240x16xf32, #tpu.memory_space<vmem_shared>>)
    }
    %scan3A_26 = arith.constant 8 : i32
    %barrier3A_27 = arith.constant 0 : index
    tpu.barrier barrier_id(%barrier3A_27)
    "tpu.region"() ({
      %run_scoped3A = tpu.sem_alloc : memref<!tpu.dma_semaphore, #tpu.memory_space<semaphore_mem>>
      %dma_start3A = arith.constant 0 : i32
      %dma_start3A_28 = arith.constant 0 : i32
      %dma_start3A_29 = tpu.memref_slice %arg3[%arg0, %dma_start3A, %dma_start3A_28] : memref<2x10240x16xf32, #tpu.memory_space<hbm>> -> memref<1x10240x16xf32, #tpu.memory_space<hbm>>
      %dma_start3A_30 = tpu.memref_squeeze %dma_start3A_29 : memref<1x10240x16xf32, #tpu.memory_space<hbm>> -> memref<10240x16xf32, #tpu.memory_space<hbm>>
      %dma_start3A_31 = arith.constant 0 : i32
      %dma_start3A_32 = tpu.memref_slice %dma_start3A_30[%mul3A_2, %dma_start3A_31] : memref<10240x16xf32, #tpu.memory_space<hbm>> -> memref<640x16xf32, #tpu.memory_space<hbm>>
      %dma_start3A_33 = arith.constant 0 : i32
      %dma_start3A_34 = tpu.memref_slice %arg6[%mul3A_2, %dma_start3A_33] : memref<10240x16xf32, #tpu.memory_space<vmem_shared>> -> memref<640x16xf32, #tpu.memory_space<vmem_shared>>
      tpu.enqueue_dma source(%dma_start3A_34 : memref<640x16xf32, #tpu.memory_space<vmem_shared>>) target(%dma_start3A_32 : memref<640x16xf32, #tpu.memory_space<hbm>>) target_semaphore(%run_scoped3A : memref<!tpu.dma_semaphore, #tpu.memory_space<semaphore_mem>>)
      %dma_wait3A = arith.constant 0 : i32
      %dma_wait3A_35 = arith.constant 0 : i32
      %dma_wait3A_36 = tpu.memref_slice %arg3[%arg0, %dma_wait3A, %dma_wait3A_35] : memref<2x10240x16xf32, #tpu.memory_space<hbm>> -> memref<1x10240x16xf32, #tpu.memory_space<hbm>>
      %dma_wait3A_37 = tpu.memref_squeeze %dma_wait3A_36 : memref<1x10240x16xf32, #tpu.memory_space<hbm>> -> memref<10240x16xf32, #tpu.memory_space<hbm>>
      %dma_wait3A_38 = arith.constant 0 : i32
      %dma_wait3A_39 = tpu.memref_slice %dma_wait3A_37[%mul3A_2, %dma_wait3A_38] : memref<10240x16xf32, #tpu.memory_space<hbm>> -> memref<640x16xf32, #tpu.memory_space<hbm>>
      %dma_wait3A_40 = arith.constant 0 : i32
      %dma_wait3A_41 = tpu.memref_slice %arg6[%mul3A_2, %dma_wait3A_40] : memref<10240x16xf32, #tpu.memory_space<vmem_shared>> -> memref<640x16xf32, #tpu.memory_space<vmem_shared>>
      tpu.wait_dma2 semaphore(%run_scoped3A : memref<!tpu.dma_semaphore, #tpu.memory_space<semaphore_mem>>) src(%dma_wait3A_41 : memref<640x16xf32, #tpu.memory_space<vmem_shared>>) dst(%dma_wait3A_39 : memref<640x16xf32, #tpu.memory_space<hbm>>)
      tpu.yield
    }) : () -> ()
    return
  }
}

module attributes {stable_mosaic.version = 14 : i64} {
  func.func @body(%arg0: memref<10000x128xf32, #tpu.memory_space<vmem>>, %arg1: memref<128x128xf32, #tpu.memory_space<vmem>>, %arg2: memref<2x10240x16xf32, #tpu.memory_space<vmem>>, %arg3: memref<10000x128xf32, #tpu.memory_space<vmem>>) attributes {dimension_semantics = [], scalar_prefetch = 0 : i64, scratch_operands = 0 : i64, tpu.core_type = #tpu.core_type<tc>} {
    %get3A = arith.constant 0 : index
    %get3A_0 = arith.constant 0 : index
    %get3A_1 = arith.constant 0 : index
    %get3A_2 = vector.load %arg2[%get3A, %get3A_0, %get3A_1] : memref<2x10240x16xf32, #tpu.memory_space<vmem>>, vector<1x10000x1xf32>
    %get3A_3 = vector.shape_cast %get3A_2 : vector<1x10000x1xf32> to vector<10000x1xf32>
    %get3A_4 = arith.constant 1 : index
    %get3A_5 = arith.constant 0 : index
    %get3A_6 = arith.constant 0 : index
    %get3A_7 = vector.load %arg2[%get3A_4, %get3A_5, %get3A_6] : memref<2x10240x16xf32, #tpu.memory_space<vmem>>, vector<1x10000x1xf32>
    %get3A_8 = vector.shape_cast %get3A_7 : vector<1x10000x1xf32> to vector<10000x1xf32>
    %add3A = arith.addf %get3A_3, %get3A_8 : vector<10000x1xf32>
    %max3A = arith.constant 1.000000e+00 : f32
    %max3A_9 = vector.broadcast %max3A : f32 to vector<10000x1xf32>
    %max3A_10 = arith.maximumf %add3A, %max3A_9 : vector<10000x1xf32>
    %rsqrt3A = math.rsqrt %max3A_10 : vector<10000x1xf32>
    %get3A_11 = arith.constant 0 : index
    %get3A_12 = arith.constant 0 : index
    %get3A_13 = vector.load %arg0[%get3A_11, %get3A_12] : memref<10000x128xf32, #tpu.memory_space<vmem>>, vector<10000x128xf32>
    %get3A_14 = arith.constant 0 : index
    %get3A_15 = arith.constant 0 : index
    %get3A_16 = vector.load %arg1[%get3A_14, %get3A_15] : memref<128x128xf32, #tpu.memory_space<vmem>>, vector<128x128xf32>
    %dot_general3A = arith.constant dense<0.000000e+00> : vector<10000x128xf32>
    %dot_general3A_17 = tpu.matmul %get3A_13, %get3A_16, %dot_general3A {dimension_numbers = #tpu.dot_dimension_numbers<[1], [0], [0], [1], [0, 0, 1, 1], [], []>, transpose_lhs_hint = false} : vector<10000x128xf32>, vector<128x128xf32>, vector<10000x128xf32> -> vector<10000x128xf32>
    %mul3A = vector.broadcast %rsqrt3A : vector<10000x1xf32> to vector<10000x128xf32>
    %mul3A_18 = arith.mulf %dot_general3A_17, %mul3A : vector<10000x128xf32>
    %swap3A = arith.constant 0 : index
    %swap3A_19 = arith.constant 0 : index
    %swap3A_20 = vector.load %arg3[%swap3A, %swap3A_19] : memref<10000x128xf32, #tpu.memory_space<vmem>>, vector<10000x128xf32>
    tpu.vector_store %arg3[%swap3A, %swap3A_19], %mul3A_18 {strides = array<i32>} : memref<10000x128xf32, #tpu.memory_space<vmem>>, vector<10000x128xf32>,
    return
  }
}

module attributes {stable_mosaic.version = 14 : i64} {
  func.func @body(%arg0: memref<2x10240x128xf32, #tpu.memory_space<vmem>>, %arg1: memref<2x10240x16xf32, #tpu.memory_space<vmem>>, %arg2: memref<128xf32, #tpu.memory_space<vmem>>, %arg3: memref<128x64xf32, #tpu.memory_space<vmem>>, %arg4: memref<10240x64xf32, #tpu.memory_space<vmem>>) attributes {dimension_semantics = [], scalar_prefetch = 0 : i64, scratch_operands = 0 : i64, tpu.core_type = #tpu.core_type<tc>} {
    %get3A = arith.constant 0 : index
    %get3A_0 = arith.constant 0 : index
    %get3A_1 = arith.constant 0 : index
    %get3A_2 = vector.load %arg1[%get3A, %get3A_0, %get3A_1] : memref<2x10240x16xf32, #tpu.memory_space<vmem>>, vector<1x10240x1xf32>
    %get3A_3 = vector.shape_cast %get3A_2 : vector<1x10240x1xf32> to vector<10240x1xf32>
    %get3A_4 = arith.constant 1 : index
    %get3A_5 = arith.constant 0 : index
    %get3A_6 = arith.constant 0 : index
    %get3A_7 = vector.load %arg1[%get3A_4, %get3A_5, %get3A_6] : memref<2x10240x16xf32, #tpu.memory_space<vmem>>, vector<1x10240x1xf32>
    %get3A_8 = vector.shape_cast %get3A_7 : vector<1x10240x1xf32> to vector<10240x1xf32>
    %add3A = arith.addf %get3A_3, %get3A_8 : vector<10240x1xf32>
    %max3A = arith.constant 1.000000e+00 : f32
    %max3A_9 = vector.broadcast %max3A : f32 to vector<10240x1xf32>
    %max3A_10 = arith.maximumf %add3A, %max3A_9 : vector<10240x1xf32>
    %rsqrt3A = math.rsqrt %max3A_10 : vector<10240x1xf32>
    %get3A_11 = arith.constant 0 : index
    %get3A_12 = arith.constant 0 : index
    %get3A_13 = arith.constant 0 : index
    %get3A_14 = vector.load %arg0[%get3A_11, %get3A_12, %get3A_13] : memref<2x10240x128xf32, #tpu.memory_space<vmem>>, vector<1x10240x128xf32>
    %get3A_15 = vector.shape_cast %get3A_14 : vector<1x10240x128xf32> to vector<10240x128xf32>
    %get3A_16 = arith.constant 1 : index
    %get3A_17 = arith.constant 0 : index
    %get3A_18 = arith.constant 0 : index
    %get3A_19 = vector.load %arg0[%get3A_16, %get3A_17, %get3A_18] : memref<2x10240x128xf32, #tpu.memory_space<vmem>>, vector<1x10240x128xf32>
    %get3A_20 = vector.shape_cast %get3A_19 : vector<1x10240x128xf32> to vector<10240x128xf32>
    %add3A_21 = arith.addf %get3A_15, %get3A_20 : vector<10240x128xf32>
    %mul3A = vector.broadcast %rsqrt3A : vector<10240x1xf32> to vector<10240x128xf32>
    %mul3A_22 = arith.mulf %add3A_21, %mul3A : vector<10240x128xf32>
    %get3A_23 = arith.constant 0 : index
    %get3A_24 = vector.load %arg2[%get3A_23] : memref<128xf32, #tpu.memory_space<vmem>>, vector<128xf32>
    %broadcast_in_dim3A = vector.shape_cast %get3A_24 : vector<128xf32> to vector<1x128xf32>
    %add3A_25 = vector.broadcast %broadcast_in_dim3A : vector<1x128xf32> to vector<10240x128xf32>
    %add3A_26 = arith.addf %mul3A_22, %add3A_25 : vector<10240x128xf32>
    %max3A_27 = arith.constant 0.000000e+00 : f32
    %max3A_28 = vector.broadcast %max3A_27 : f32 to vector<10240x128xf32>
    %max3A_29 = arith.maximumf %add3A_26, %max3A_28 : vector<10240x128xf32>
    %get3A_30 = arith.constant 0 : index
    %get3A_31 = arith.constant 0 : index
    %get3A_32 = vector.load %arg3[%get3A_30, %get3A_31] : memref<128x64xf32, #tpu.memory_space<vmem>>, vector<128x64xf32>
    %dot_general3A = arith.constant dense<0.000000e+00> : vector<10240x64xf32>
    %dot_general3A_33 = tpu.matmul %max3A_29, %get3A_32, %dot_general3A {dimension_numbers = #tpu.dot_dimension_numbers<[1], [0], [0], [1], [0, 0, 1, 1], [], []>, transpose_lhs_hint = false} : vector<10240x128xf32>, vector<128x64xf32>, vector<10240x64xf32> -> vector<10240x64xf32>
    %mul3A_34 = vector.broadcast %rsqrt3A : vector<10240x1xf32> to vector<10240x64xf32>
    %mul3A_35 = arith.mulf %dot_general3A_33, %mul3A_34 : vector<10240x64xf32>
    %swap3A = arith.constant 0 : index
    %swap3A_36 = arith.constant 0 : index
    %swap3A_37 = vector.load %arg4[%swap3A, %swap3A_36] : memref<10240x64xf32, #tpu.memory_space<vmem>>, vector<10240x64xf32>
    tpu.vector_store %arg4[%swap3A, %swap3A_36], %mul3A_35 {strides = array<i32>} : memref<10240x64xf32, #tpu.memory_space<vmem>>, vector<10240x64xf32>,
    return
  }
}

module attributes {stable_mosaic.version = 14 : i64} {
  func.func @body(%arg0: memref<2x10240x64xf32, #tpu.memory_space<vmem>>, %arg1: memref<2x10240x16xf32, #tpu.memory_space<vmem>>, %arg2: memref<64xf32, #tpu.memory_space<vmem>>, %arg3: memref<10240x64xf32, #tpu.memory_space<vmem>>) attributes {dimension_semantics = [], scalar_prefetch = 0 : i64, scratch_operands = 0 : i64, tpu.core_type = #tpu.core_type<tc>} {
    %get3A = arith.constant 0 : index
    %get3A_0 = arith.constant 0 : index
    %get3A_1 = arith.constant 0 : index
    %get3A_2 = vector.load %arg1[%get3A, %get3A_0, %get3A_1] : memref<2x10240x16xf32, #tpu.memory_space<vmem>>, vector<1x10240x1xf32>
    %get3A_3 = vector.shape_cast %get3A_2 : vector<1x10240x1xf32> to vector<10240x1xf32>
    %get3A_4 = arith.constant 1 : index
    %get3A_5 = arith.constant 0 : index
    %get3A_6 = arith.constant 0 : index
    %get3A_7 = vector.load %arg1[%get3A_4, %get3A_5, %get3A_6] : memref<2x10240x16xf32, #tpu.memory_space<vmem>>, vector<1x10240x1xf32>
    %get3A_8 = vector.shape_cast %get3A_7 : vector<1x10240x1xf32> to vector<10240x1xf32>
    %add3A = arith.addf %get3A_3, %get3A_8 : vector<10240x1xf32>
    %max3A = arith.constant 1.000000e+00 : f32
    %max3A_9 = vector.broadcast %max3A : f32 to vector<10240x1xf32>
    %max3A_10 = arith.maximumf %add3A, %max3A_9 : vector<10240x1xf32>
    %rsqrt3A = math.rsqrt %max3A_10 : vector<10240x1xf32>
    %get3A_11 = arith.constant 0 : index
    %get3A_12 = arith.constant 0 : index
    %get3A_13 = arith.constant 0 : index
    %get3A_14 = vector.load %arg0[%get3A_11, %get3A_12, %get3A_13] : memref<2x10240x64xf32, #tpu.memory_space<vmem>>, vector<1x10240x64xf32>
    %get3A_15 = vector.shape_cast %get3A_14 : vector<1x10240x64xf32> to vector<10240x64xf32>
    %get3A_16 = arith.constant 1 : index
    %get3A_17 = arith.constant 0 : index
    %get3A_18 = arith.constant 0 : index
    %get3A_19 = vector.load %arg0[%get3A_16, %get3A_17, %get3A_18] : memref<2x10240x64xf32, #tpu.memory_space<vmem>>, vector<1x10240x64xf32>
    %get3A_20 = vector.shape_cast %get3A_19 : vector<1x10240x64xf32> to vector<10240x64xf32>
    %add3A_21 = arith.addf %get3A_15, %get3A_20 : vector<10240x64xf32>
    %mul3A = vector.broadcast %rsqrt3A : vector<10240x1xf32> to vector<10240x64xf32>
    %mul3A_22 = arith.mulf %add3A_21, %mul3A : vector<10240x64xf32>
    %get3A_23 = arith.constant 0 : index
    %get3A_24 = vector.load %arg2[%get3A_23] : memref<64xf32, #tpu.memory_space<vmem>>, vector<64xf32>
    %broadcast_in_dim3A = vector.shape_cast %get3A_24 : vector<64xf32> to vector<1x64xf32>
    %add3A_25 = vector.broadcast %broadcast_in_dim3A : vector<1x64xf32> to vector<10240x64xf32>
    %add3A_26 = arith.addf %mul3A_22, %add3A_25 : vector<10240x64xf32>
    %swap3A = arith.constant 0 : index
    %swap3A_27 = arith.constant 0 : index
    %swap3A_28 = vector.load %arg3[%swap3A, %swap3A_27] : memref<10240x64xf32, #tpu.memory_space<vmem>>, vector<10240x64xf32>
    tpu.vector_store %arg3[%swap3A, %swap3A_27], %add3A_26 {strides = array<i32>} : memref<10240x64xf32, #tpu.memory_space<vmem>>, vector<10240x64xf32>,
    return
  }
}

</mosaic_0001>

<sc_bundles>
// kernel: kernel.11.cloned.1.call-start
scs
__scs_entry_jumppad:
0x0: {  	(pc) =	sbr.rel $0x88, $3  }
0x1: {  	(tag) =	ssettag $0x0;
	lr =	simm.s32 $0x1  }
0x2: {  	[smem:$0x3F9B] =	sst lr;
	_ =	strace $0xD0000000  }
0x3: {  	_ = 	snop  }
0x4: {  	_ = 	snop  }
0x5: {  	_ = 	snop  }
0x6: {  	_ = 	snop  }
0x7: {  	_ = 	snop  }
__scs_overlays_trampoline_lowered:
0x8: {  	[smem:$0x3FAA] =	sst s0  }
0x9: {  	[smem:$0x3FAB] =	sst s1  }
0xa: {  	[smem:$0x3FAC] =	sst s2  }
0xb: {  	[smem:$0x3FAD] =	sst s3  }
0xc: {  	[smem:$0x3FAE] =	sst s4  }
0xd: {  	[smem:$0x3FAF] =	sst s5  }
0xe: {  	[smem:$0x3FB0] =	sst s6  }
0xf: {  	[smem:$0x3FB1] =	sst s7  }
0x10: {  	[smem:$0x3FB2] =	sst s8  }
0x11: {  	[smem:$0x3FB3] =	sst s9;
	s0 =	simm.s32 @!p0 $0x0  }
0x12: {  	s1 =	sld [smem:$0x3F99];
	s0 =	simm.s32 @p0 $0x1  }
0x13: {  	[smem:$0x3FB4] =	sst s0;
	s0 =	simm.s32 @!p1 $0x0  }
0x14: {  	s2 =	sld [smem:$0x3F98];
	s0 =	simm.s32 @p1 $0x1  }
0x15: {  	[smem:$0x3FB5] =	sst s0;
	s0 =	simm.s32 @!p2 $0x0  }
0x16: {  	s3 =	sld [smem:$0x3FDB];
	s0 =	simm.s32 @p2 $0x1  }
0x17: {  	s4 =	simm.s32 $0x1BF5;
	[smem:$0x3FB7] =	sst s0  }
0x18: {  	s0 =	sld [smem:$0x3F9A];
	_ =	swait.ge [sflag:s4], $0x0  }
0x19: {  	s7 =	sld [smem:$0x3F9B]  }
0x1a: {  	s8 =	sadd.s32 $0xFFFFE003, lr  }
0x1b: {  	s9 =	sadd.s32 $0xFFFFFEF7, lr;
	s5 =	simm.s32 $0xFFFFFFFF;
	p2 =	slt.u32 s8, $0xFFFFF086  }
0x1c: {  	p1 =	slt.u32 s9, $0xF7A;
	s5 =	simm.s32 @!p2 $0x0  }
0x1d: {  	s5 =	simm.s32 @p1 $0x1;
	p0 =	seq.s32 s7, s2  }
0x1e: {  	s7 =	smul.u32 @!p0 $0xF7A, s2;
	p2 =	seq.s32 @!p0 s5, $0x0  }
0x1f: {  	s9 =	smul.u32 $0xF7A, s1;
	s8 =	simm.s32 @!p0 $0x1BF5;
	p2 =	por !p2, p0  }
0x20: {  	[sflag:s8] =	ssyncset.s32 @!p0 $0xFFFFF086;
	s6 =	sadd.s32 @!p0 s3, s7;
	s7 =	simm.s32 @!p0 $0x108  }
0x21: {  	s3 =	sadd.s32 s3, s9;
	s6 =	sadd.s32 @!p0 $0x88, s6;
	s7 =	simm.s32 @p2 $0x1082  }
0x22: {  	[simem:s7], [sflag:s8] =	dma.local @!p0 [hbm:s6], $0xF7A  }
0x23: {  	s9 =	sor.u32 $0xD0000000, s2;
	s6 =	simm.s32 $0x108;
	_ =	swait.ge @!p0 [sflag:s8], $0x0  }
0x24: {  	s3 =	sadd.s32 $0x88, s3;
	s6 =	simm.s32 @!p1 $0x1082;
	[sflag:s4] =	ssyncset.s32 $0xFFFFF086  }
0x25: {  	[simem:s6], [sflag:s4] =	dma.local [hbm:s3], $0xF7A  }
0x26: {  	[smem:$0x3F9B] =	sst s1;
	(tag) =	ssettag s2;
	_ =	strace s9  }
0x27: {  	s1 =	sld [smem:$0x3FAB]  }
0x28: {  	s2 =	sld [smem:$0x3FAC]  }
0x29: {  	s4 =	sld [smem:$0x3FAE]  }
0x2a: {  	p0 =	seq.s32 s5, $0x0;
	s5 =	sld [smem:$0x3FAF]  }
0x2b: {  	s6 =	sld [smem:$0x3FB0]  }
0x2c: {  	s7 =	sld [smem:$0x3FB1]  }
0x2d: {  	s3 =	simm.s32 $0x108;
	s8 =	sld [smem:$0x3FB2]  }
0x2e: {  	s3 =	simm.s32 @!p0 $0x1082;
	s9 =	sld [smem:$0x3FB3]  }
0x2f: {  	lr =	sadd.s32 s0, s3;
	s0 =	sld [smem:$0x3FAA]  }
0x30: {  	s3 =	sld [smem:$0x3FAD]  }
0x31: {  	[smem:$0x3FB6] =	sst s10  }
0x32: {  	s10 =	sld [smem:$0x3FB4];
	_ =	sdelay $0x3  }
0x33: {  	p0 =	seq.s32 s10, $0x1;
	s10 =	sld [smem:$0x3FB6];
	_ =	sdelay $0x3  }
0x34: {  	[smem:$0x3FB6] =	sst s10  }
0x35: {  	s10 =	sld [smem:$0x3FB5];
	_ =	sdelay $0x3  }
0x36: {  	p1 =	seq.s32 s10, $0x1;
	s10 =	sld [smem:$0x3FB6];
	_ =	sdelay $0x3  }
0x37: {  	[smem:$0x3FB6] =	sst s10  }
0x38: {  	s10 =	sld [smem:$0x3FB7]  }
0x39: {  	_ = 	snop;
	(pc) =	sbr.ind lr, $3  }
0x3a: {  	_ = 	snop  }
0x3b: {  	_ = 	snop  }
0x3c: {  	p2 =	seq.s32 s10, $0x1;
	s10 =	sld [smem:$0x3FB6]  }
0x3d: {  	_ =	shalt  }
0x3e: {  	_ =	shalt  }
0x3f: {  	_ =	shalt  }
0x40: {  	_ =	shalt  }
0x41: {  	_ =	shalt  }
0x42: {  	_ =	shalt  }
0x43: {  	_ =	shalt  }
0x44: {  	_ =	shalt  }
0x45: {  	_ =	shalt  }
0x46: {  	_ =	shalt  }
0x47: {  	_ =	shalt  }
0x48: {  	_ =	shalt  }
0x49: {  	_ =	shalt  }
0x4a: {  	_ =	shalt  }
0x4b: {  	_ =	shalt  }
0x4c: {  	_ =	shalt  }
0x4d: {  	_ =	shalt  }
0x4e: {  	_ =	shalt  }
0x4f: {  	_ =	shalt  }
0x50: {  	_ =	shalt  }
0x51: {  	_ =	shalt  }
0x52: {  	_ =	shalt  }
0x53: {  	_ =	shalt  }
0x54: {  	_ =	shalt  }
0x55: {  	_ =	shalt  }
0x56: {  	_ =	shalt  }
0x57: {  	_ =	shalt  }
0x58: {  	_ =	shalt  }
0x59: {  	_ =	shalt  }
0x5a: {  	_ =	shalt  }
0x5b: {  	_ =	shalt  }
0x5c: {  	_ =	shalt  }
0x5d: {  	_ =	shalt  }
0x5e: {  	_ =	shalt  }
0x5f: {  	_ =	shalt  }
0x60: {  	_ =	shalt  }
0x61: {  	_ =	shalt  }
0x62: {  	_ =	shalt  }
0x63: {  	_ =	shalt  }
0x64: {  	_ =	shalt  }
0x65: {  	_ =	shalt  }
0x66: {  	_ =	shalt  }
0x67: {  	_ =	shalt  }
0x68: {  	_ =	shalt  }
0x69: {  	_ =	shalt  }
0x6a: {  	_ =	shalt  }
0x6b: {  	_ =	shalt  }
0x6c: {  	_ =	shalt  }
0x6d: {  	_ =	shalt  }
0x6e: {  	_ =	shalt  }
0x6f: {  	_ =	shalt  }
0x70: {  	_ =	shalt  }
0x71: {  	_ =	shalt  }
0x72: {  	_ =	shalt  }
0x73: {  	_ =	shalt  }
0x74: {  	_ =	shalt  }
0x75: {  	_ =	shalt  }
0x76: {  	_ =	shalt  }
0x77: {  	_ =	shalt  }
0x78: {  	_ =	shalt  }
0x79: {  	_ =	shalt  }
0x7a: {  	_ =	shalt  }
0x7b: {  	_ =	shalt  }
0x7c: {  	_ =	shalt  }
0x7d: {  	_ =	shalt  }
0x7e: {  	_ =	shalt  }
0x7f: {  	_ =	shalt  }
0x80: {  	_ =	shalt  }
0x81: {  	_ =	shalt  }
0x82: {  	_ =	shalt  }
0x83: {  	_ =	shalt  }
0x84: {  	_ =	shalt  }
0x85: {  	_ =	shalt  }
0x86: {  	_ =	shalt  }
0x87: {  	_ =	shalt  }
.Lfunc_end0:
.L_simem_size_0:
called_computation.1_lowered:
.L_overlay_start_0:
0x88: {  	s2 =	sld [smem:$0x3FD9]  }
0x89: {  	s3 =	sld [smem:$0x3FFE];
	_ =	sdelay $0x1  }
0x8a: {  	s1 =	srdreg.scid  }
0x8b: {  	s0 =	sand.u32 $0x1, s1  }
0x8c: {  	s17 =	sshll.u32 s0, $0xA;
	s2 =	sadd.s32 s3, s2  }
0x8d: {  	s2 =	sadd.s32 s2, s17  }
0x8e: {  	[smem:$0x3FC2] =	sst s2  }
0x8f: {  	_ = 	snop  }
0x90: {  	s2 =	sld [smem:$0x3FD0];
	(tm) =	ssettm $0x1  }
0x91: {  	s18 =	sld [smem:$0x3FFB];
	_ =	sdelay $0x3  }
0x92: {  	_ =	strace s18  }
0x93: {  	s3 =	sld [smem:$0x3FFC];
	_ =	sdelay $0x3  }
0x94: {  	_ =	strace s3  }
0x95: {  	s3 =	sld [smem:$0x3FFD];
	_ =	sdelay $0x3  }
0x96: {  	_ =	strace s3  }
0x97: {  	_ =	strace $0x8FFFFFFF  }
0x98: {  	s19 =	sld [smem:$0x3FDB];
	_ =	sdelay $0x1  }
0x99: {  	s4 =	simm.s32 $_scs_section_size  }
0x9a: {  	s5 =	simm.s32 $_size__tile_overlayer_lowered;
	s6 =	simm.s32 $_tile_overlayer_lowered  }
0x9b: {  	s22 =	simm.s32 $0x1BFF;
	s21 =	sshll.u32 s6, $0x1;
	s3 =	sadd.s32 s4, s19  }
0x9c: {  	s7 =	simm.s32 $0x0;
	s20 =	sshll.u32 s5, $0x1;
	s5 =	sadd.s32 s21, s3  }
0x9d: {  	[timem:s7], [sflag:s22] =	dma.local [hbm:s5], s20  }
0x9e: {  	_ =	swait.ge [sflag:s22], s20  }
0x9f: {  	s4 =	ssub.s32 $0x0, s20;
	[sflag:s22] =	ssyncset.done $0x0  }
0xa0: {  	[sflag:s22] =	ssyncadd.s32 s4;
	_ =	sdelay $0x1  }
0xa1: {  	s23 =	simm.s32 $0x1B8B  }
0xa2: {  	_ =	swait.ge [sflag:s23], $0x1  }
0xa3: {  	[sflag:s23] =	ssyncset.done $0x0  }
0xa4: {  	s25 =	simm.s32 $0x1B8E;
	s24 =	sld [smem:$0x3FFE];
	[sflag:s23] =	ssyncadd.s32 $0xFFFFFFFF  }
0xa5: {  	s26 =	simm.s32 $execute0_lowered;
	[smem:$0x3FD2] =	sst s25  }
0xa6: {  	s5 =	sshll.u32 s26, $0x1;
	_ =	strace $0x80000049;
	[dreg:$0x1] =	wrdreg $0xFFFFFFFF  }
0xa7: {  	s28 =	simm.s32 $_size_execute0_lowered;
	s3 =	sadd.s32 s3, s5;
	[dreg:$0x0] =	wrdreg $0x0  }
0xa8: {  	s5 =	sshll.u32 s28, $0x1;
	[dreg:$0x2] =	wrdreg s3  }
0xa9: {  	[dreg:$0x3] =	wrdreg s5  }
0xaa: {  	[dreg:$0x4] =	wrdreg $0xC0  }
0xab: {  	_ =	task [dreg:s7], $0x5FFFF  }
0xac: {  	[dreg:$0x1] =	wrdreg $0xFFFFFFFF  }
0xad: {  	[dreg:$0x0] =	wrdreg $0x60  }
0xae: {  	[dreg:$0x2] =	wrdreg s24  }
0xaf: {  	[dreg:$0x3] =	wrdreg s2  }
0xb0: {  	[dreg:$0x4] =	wrdreg $0xA8000  }
0xb1: {  	[dreg:$0x5] =	wrdreg $0x9  }
0xb2: {  	_ =	task.clear_ibuf [dreg:s7], $0x6FFFF;
	_ =	strace $0x90000049  }
0xb3: {  	s29 =	simm.s32 $0x9;
	_ =	strace $0x8000004B  }
0xb4: {  	_ =	swait.ge [sflag:s29], $0x1  }
0xb5: {  	[sflag:s29] =	ssyncadd.s32 $0xFFFFFFFF  }
0xb6: {  	_ =	strace $0x9000004B  }
0xb7: {  	_ =	sfence  }
0xb8: {  	s30 =	sld [smem:$0x0];
	_ =	sdelay $0x2  }
0xb9: {  	s31 =	sshll.u32 s1, $0xD;
	s1 =	sshrl.u32 s1, $0x2  }
0xba: {  	s3 =	sand.u32 $0x4000, s31;
	s1 =	sadd.s32 s1, s30  }
0xbb: {  	s0 =	sor.u32 s3, s0;
	s1 =	sshll.u32 s1, $0x11  }
0xbc: {  	s0 =	sor.u32 s1, s0  }
0xbd: {  	s0 =	sadd.s32 $0x8F2B, s0  }
0xbe: {  	[sflag:s0] =	ssyncadd.remote.s32 $0x1  }
0xbf: {  	_ =	sfence.sel $0xFFFF  }
0xc0: {  	[dreg:$0x0] =	wrdreg $0xFFFFFFFF;
	(pc) =	sbr.abs _section_cstart, $3  }
0xc1: {  	[dreg:$0x1] =	wrdreg $0xFFFFFFFF  }
0xc2: {  	_ =	task.clear_ibuf [dreg:s7], $0x2FFFF;
	_ =	strace $0x9FFFFFFF  }
0xc3: {  	(tm) =	ssettm $0x7FFFFFFF  }
tec
execute0_lowered:
.L_overlay_start_1:
0x0: {  	(tag) =	ssettag $0x1  }
0x1: {  	s5 =	rddreg [dreg:$0x0]  }
0x2: {  	s7 =	rddreg [dreg:$0x1]  }
0x3: {  	s0 =	srdreg.scid;
	s2 =	rddreg [dreg:$0x2]  }
0x4: {  	s3 =	simm.s32 $0x0;
	s13 =	simm.s32 $0x2800;
	s14 =	simm.s32 $0x5  }
0x5: {  	s15 =	simm.s32 $0x1400;
	s16 =	simm.s32 $0x80;
	s17 =	simm.s32 $0x1  }
0x6: {  	s18 =	simm.s32 $0x6800;
	s19 =	simm.s32 $0x2;
	s20 =	simm.s32 $0x1480  }
0x7: {  	s21 =	simm.s32 $0x3;
	s22 =	simm.s32 $0x100;
	s6 =	sand.u32 $0x1, s0  }
0x8: {  	s26 =	simm.s32 $0x0;
	s0 =	stileid.u32;
	s9 =	smul.u32 $0x28000, s6  }
0x9: {  	[smem:$0x7FF] =	sst s3;
	s1 =	sshll.u32 s6, $0x4;
	s10 =	smul.u32 $0x50000, s0  }
0xa: {  	s6 =	ssub.s32 $0x2, s6;
	s31 =	smul.u32 $0x14000, s0;
	s4 =	sor.u32 s0, s1  }
0xb: {  	s1 =	rddreg [dreg:$0x3];
	_ =	strace $0x8000004A;
	s30 =	sshrl.u32 s6, $0x1  }
0xc: {  	s8 =	smul.u32 $0x500, s4;
	s4 =	sadd.s32 $0x65A00, s5;
	s9 =	sadd.s32 s9, s5  }
0xd: {  	s10 =	sshrl.u32 s10, $0x2;
	s12 =	ssub.s32 s6, s30;
	s24 =	sshrl.u32 s31, $0x3  }
.Ltmp0:
0xe: {  	s25 =	sadd.s32 s31, s2;
	s23 =	sadd.s32 $0x8CC00, s9;
	(pc) =	sbr.rel .LBB2_1-.Ltmp0, $4  }
0xf: {  	s25 =	sshrl.u32 s25, $0x3;
	s11 =	sadd.s32 s8, s5;
	s5 =	sadd.s32 s10, s2  }
0x10: {  	s7 =	sadd.s32 s7, s8;
	s8 =	smax.u32 s12, $0x1;
	s23 =	sadd.s32 s24, s23  }
0x11: {  	s24 =	simm.s32 $0x4;
	s6 =	sadd.s32 $0xBA00, s11;
	s9 =	sadd.s32 $0x4000, s5  }
0x12: {  	v0 =	vimm.f32 $0.0e+00;
	s10 =	sadd.s32 $0x8000, s5;
	s11 =	sadd.s32 $0xC000, s5;
	s12 =	sadd.s32 $0x10000, s5  }
.LBB2_9:
0x13: {  	_ =	swait.ge [sflag:s24], $0x4000  }
0x14: {  	s26 =	sadd.s32 $0x1, s26;
	[sflag:s24] =	ssyncset.done $0x0  }
0x15: {  	s28 =	sshll.u32 s0, $0x6;
	p0 =	sne.s32 s26, s8;
	[sflag:s24] =	ssyncadd.s32 $0xFFFFC000  }
.Ltmp1:
0x16: {  	s28 =	sor.u32 $0x1C05, s28;
	[bflag:$0x0] =	sbarrier.arrive $0xFFFF;
	(pc) =	sbr.rel @!p0 .LBB2_10-.Ltmp1, $4  }
0x17: {  	[hbm:s23], [sflag:s28] =	dma.local [spmem:s25], $0x2800  }
0x18: {  	_ =	swait.ge [sflag:s14], $0x2800  }
0x19: {  	[sflag:s14] =	ssyncset.done $0x0  }
0x1a: {  	[sflag:s14] =	ssyncadd.s32 $0xFFFFD800  }
.LBB2_1:
0x1b: {  	s28 =	simm.s32 $0x0;
	s29 =	simm.s32 $0x200  }
.LBB2_2:
0x1c: {  	p0 =	sne.s32 s29, $0xFE00;
	[tilespmem:s28+$0x2870] =	vst v0  }
0x1d: {  	[tilespmem:s28+$0x2800] =	vst v0  }
0x1e: {  	[tilespmem:s28+$0x2810] =	vst v0  }
.Ltmp2:
0x1f: {  	[tilespmem:s28+$0x2820] =	vst v0;
	(pc) =	sbr.rel @p0 .LBB2_2-.Ltmp2, $4  }
0x20: {  	[tilespmem:s28+$0x2830] =	vst v0  }
0x21: {  	[tilespmem:s28+$0x2840] =	vst v0  }
0x22: {  	[tilespmem:s28+$0x2850] =	vst v0  }
0x23: {  	[tilespmem:s28+$0x2860] =	vst v0;
	s28 =	sshra.s32 s29, $0x2;
	s29 =	sadd.s32 $0x200, s29  }
0x24: {  	[tilespmem:s28+$0x2870] =	vst v0  }
0x25: {  	[tilespmem:s28+$0x2800] =	vst v0  }
0x26: {  	[tilespmem:s28+$0x2810] =	vst v0  }
0x27: {  	[tilespmem:s28+$0x2820] =	vst v0  }
0x28: {  	[tilespmem:s28+$0x2830] =	vst v0  }
0x29: {  	[tilespmem:s28+$0x2840] =	vst v0  }
0x2a: {  	[tilespmem:s28+$0x2850] =	vst v0  }
0x2b: {  	[tilespmem:s28+$0x2860] =	vst v0  }
0x2c: {  	[spmem:s5] =	stream.linear.scatter [tilespmem:s13], [sflag:$0x5], $0x4000, $0x38;
	[tilespmem:$0x1E800] =	vst v63  }
0x2d: {  	_ =	swait.ge [sflag:s14], $0x4000  }
0x2e: {  	[sflag:s14] =	ssyncset.done $0x0  }
0x2f: {  	[sflag:s14] =	ssyncadd.s32 $0xFFFFC000  }
0x30: {  	[spmem:s9] =	stream.linear.scatter [tilespmem:s13], [sflag:$0x5], $0x4000, $0x38;
	[tilespmem:$0x1E800] =	vst v63  }
0x31: {  	_ =	swait.ge [sflag:s14], $0x4000  }
0x32: {  	[sflag:s14] =	ssyncset.done $0x0  }
0x33: {  	[sflag:s14] =	ssyncadd.s32 $0xFFFFC000  }
0x34: {  	[spmem:s10] =	stream.linear.scatter [tilespmem:s13], [sflag:$0x5], $0x4000, $0x38;
	[tilespmem:$0x1E800] =	vst v63  }
0x35: {  	_ =	swait.ge [sflag:s14], $0x4000  }
0x36: {  	[sflag:s14] =	ssyncset.done $0x0  }
0x37: {  	[sflag:s14] =	ssyncadd.s32 $0xFFFFC000  }
0x38: {  	[spmem:s11] =	stream.linear.scatter [tilespmem:s13], [sflag:$0x5], $0x4000, $0x38;
	[tilespmem:$0x1E800] =	vst v63  }
0x39: {  	_ =	swait.ge [sflag:s14], $0x4000  }
0x3a: {  	[sflag:s14] =	ssyncset.done $0x0  }
0x3b: {  	[sflag:s14] =	ssyncadd.s32 $0xFFFFC000  }
0x3c: {  	[spmem:s12] =	stream.linear.scatter [tilespmem:s13], [sflag:$0x5], $0x4000, $0x38;
	[tilespmem:$0x1E800] =	vst v63  }
0x3d: {  	_ =	swait.ge [sflag:s14], $0x4000  }
0x3e: {  	[sflag:s14] =	ssyncset.done $0x0  }
0x3f: {  	[sflag:s14] =	ssyncadd.s32 $0xFFFFC000  }
0x40: {  	[bflag:$0x0] =	sbarrier.arrive $0xFFFF  }
0x41: {  	[tilespmem:s3], [sflag:$0x5] =	stream.linear.gather [hbm4b:s6+s3], $0x1400, $0x38;
	[tilespmem:$0x1E800] =	vst v63  }
0x42: {  	_ =	swait.ge [sflag:s14], $0x1400  }
0x43: {  	[sflag:s14] =	ssyncset.done $0x0  }
0x44: {  	[sflag:s14] =	ssyncadd.s32 $0xFFFFEC00  }
0x45: {  	[tilespmem:s15], [sflag:$0x5] =	stream.linear.gather [hbm4b:s7+s3], $0x1400, $0x38;
	[tilespmem:$0x1E800] =	vst v63  }
0x46: {  	_ =	swait.ge [sflag:s14], $0x1400  }
0x47: {  	[sflag:s14] =	ssyncset.done $0x0  }
0x48: {  	[sflag:s14] =	ssyncadd.s32 $0xFFFFEC00  }
0x49: {  	[tilespmem:s13], [sflag:$0x1] =	stream.indirect.gather [hbm4b:s4+s16], $0x80, s3, s16, $0xb8;
	[tilespmem:$0x1E800] =	vst v63  }
0x4a: {  	_ =	swait.ge [sflag:s17], $0x4000  }
0x4b: {  	[sflag:s17] =	ssyncset.done $0x0  }
0x4c: {  	[sflag:s17] =	ssyncadd.s32 $0xFFFFC000  }
0x4d: {  	[spmem:s2] =	stream.indirect.scatter.add.f32 [tilespmem:s13], [sflag:$0x3], $0x80, s15, s16, $0xb8;
	[tilespmem:$0x1E800] =	vst v63  }
0x4e: {  	_ = 	snop  }
0x4f: {  	[tilespmem:s18], [sflag:$0x2] =	stream.indirect.gather [hbm4b:s4+s16], $0x80, s16, s16, $0xb8;
	[tilespmem:$0x1E800] =	vst v63  }
0x50: {  	_ =	swait.ge [sflag:s19], $0x4000  }
0x51: {  	[sflag:s19] =	ssyncset.done $0x0  }
0x52: {  	[sflag:s19] =	ssyncadd.s32 $0xFFFFC000  }
0x53: {  	[spmem:s2] =	stream.indirect.scatter.add.f32 [tilespmem:s18], [sflag:$0x4], $0x80, s20, s16, $0xb8;
	[tilespmem:$0x1E800] =	vst v63  }
0x54: {  	_ =	swait.ge [sflag:s21], $0x4000  }
0x55: {  	[sflag:s21] =	ssyncset.done $0x0  }
0x56: {  	s28 =	simm.s32 $0xFFFFB800;
	[sflag:s21] =	ssyncadd.s32 $0xFFFFC000  }
0x57: {  	[tilespmem:s13], [sflag:$0x1] =	stream.indirect.gather [hbm4b:s4+s16], $0x80, s22, s16, $0xb8;
	[tilespmem:$0x1E800] =	vst v63  }
.LBB2_4:
0x58: {  	_ =	swait.ge [sflag:s17], $0x4000  }
0x59: {  	s29 =	sshra.s32 s28, $0x2;
	[sflag:s17] =	ssyncset.done $0x0  }
0x5a: {  	s30 =	sadd.s32 $0x2700, s29;
	[sflag:s17] =	ssyncadd.s32 $0xFFFFC000  }
0x5b: {  	[spmem:s2] =	stream.indirect.scatter.add.f32 [tilespmem:s13], [sflag:$0x3], $0x80, s30, s16, $0xb8;
	[tilespmem:$0x1E800] =	vst v63  }
0x5c: {  	_ =	swait.ge [sflag:s24], $0x4000  }
0x5d: {  	[sflag:s24] =	ssyncset.done $0x0  }
0x5e: {  	s31 =	sadd.s32 $0x1380, s29;
	[sflag:s24] =	ssyncadd.s32 $0xFFFFC000  }
0x5f: {  	[tilespmem:s18], [sflag:$0x2] =	stream.indirect.gather [hbm4b:s4+s16], $0x80, s31, s16, $0xb8;
	[tilespmem:$0x1E800] =	vst v63  }
0x60: {  	_ =	swait.ge [sflag:s19], $0x4000  }
0x61: {  	p0 =	seq.s32 s28, $0x0;
	[sflag:s19] =	ssyncset.done $0x0  }
.Ltmp3:
0x62: {  	s31 =	sadd.s32 $0x2780, s29;
	[sflag:s19] =	ssyncadd.s32 $0xFFFFC000;
	(pc) =	sbr.rel @p0 .LBB2_6-.Ltmp3, $4  }
0x63: {  	[spmem:s2] =	stream.indirect.scatter.add.f32 [tilespmem:s18], [sflag:$0x4], $0x80, s31, s16, $0xb8;
	[tilespmem:$0x1E800] =	vst v63  }
0x64: {  	_ =	swait.ge [sflag:s21], $0x4000  }
0x65: {  	[sflag:s21] =	ssyncset.done $0x0  }
0x66: {  	[sflag:s21] =	ssyncadd.s32 $0xFFFFC000  }
.Ltmp4:
0x67: {  	(pc) =	sbr.rel .LBB2_4-.Ltmp4, $3  }
0x68: {  	_ =	sdelay $0x1  }
0x69: {  	s29 =	sadd.s32 $0x1400, s29;
	s28 =	sadd.s32 $0x400, s28  }
0x6a: {  	[tilespmem:s13], [sflag:$0x1] =	stream.indirect.gather [hbm4b:s4+s16], $0x80, s29, s16, $0xb8;
	[tilespmem:$0x1E800] =	vst v63  }
.LBB2_6:
0x6b: {  	_ =	swait.ge [sflag:s24], $0x4000  }
0x6c: {  	[sflag:s24] =	ssyncset.done $0x0  }
0x6d: {  	s28 =	sadd.s32 $0x280, s6;
	[sflag:s24] =	ssyncadd.s32 $0xFFFFC000  }
0x6e: {  	[tilespmem:s3], [sflag:$0x5] =	stream.linear.gather [hbm4b:s28+s3], $0x1400, $0x38;
	[tilespmem:$0x1E800] =	vst v63  }
0x6f: {  	_ =	swait.ge [sflag:s14], $0x1400  }
0x70: {  	[sflag:s14] =	ssyncset.done $0x0  }
0x71: {  	s28 =	sadd.s32 $0x280, s7;
	[sflag:s14] =	ssyncadd.s32 $0xFFFFEC00  }
0x72: {  	[tilespmem:s15], [sflag:$0x5] =	stream.linear.gather [hbm4b:s28+s3], $0x1400, $0x38;
	[tilespmem:$0x1E800] =	vst v63  }
0x73: {  	_ =	swait.ge [sflag:s14], $0x1400  }
0x74: {  	[sflag:s14] =	ssyncset.done $0x0  }
0x75: {  	[sflag:s14] =	ssyncadd.s32 $0xFFFFEC00  }
0x76: {  	[tilespmem:s13], [sflag:$0x1] =	stream.indirect.gather [hbm4b:s4+s16], $0x80, s3, s16, $0xb8;
	[tilespmem:$0x1E800] =	vst v63  }
0x77: {  	_ =	swait.ge [sflag:s17], $0x4000  }
0x78: {  	[sflag:s17] =	ssyncset.done $0x0  }
0x79: {  	[sflag:s17] =	ssyncadd.s32 $0xFFFFC000  }
0x7a: {  	[spmem:s2] =	stream.indirect.scatter.add.f32 [tilespmem:s13], [sflag:$0x3], $0x80, s15, s16, $0xb8;
	[tilespmem:$0x1E800] =	vst v63  }
0x7b: {  	_ = 	snop  }
0x7c: {  	[tilespmem:s18], [sflag:$0x2] =	stream.indirect.gather [hbm4b:s4+s16], $0x80, s16, s16, $0xb8;
	[tilespmem:$0x1E800] =	vst v63  }
0x7d: {  	_ =	swait.ge [sflag:s19], $0x4000  }
0x7e: {  	[sflag:s19] =	ssyncset.done $0x0  }
0x7f: {  	[sflag:s19] =	ssyncadd.s32 $0xFFFFC000  }
0x80: {  	[spmem:s2] =	stream.indirect.scatter.add.f32 [tilespmem:s18], [sflag:$0x4], $0x80, s20, s16, $0xb8;
	[tilespmem:$0x1E800] =	vst v63  }
0x81: {  	_ =	swait.ge [sflag:s21], $0x4000  }
0x82: {  	[sflag:s21] =	ssyncset.done $0x0  }
0x83: {  	s28 =	simm.s32 $0xFFFFB800;
	[sflag:s21] =	ssyncadd.s32 $0xFFFFC000  }
0x84: {  	[tilespmem:s13], [sflag:$0x1] =	stream.indirect.gather [hbm4b:s4+s16], $0x80, s22, s16, $0xb8;
	[tilespmem:$0x1E800] =	vst v63  }
.LBB2_7:
0x85: {  	_ =	swait.ge [sflag:s17], $0x4000  }
0x86: {  	s29 =	sshra.s32 s28, $0x2;
	[sflag:s17] =	ssyncset.done $0x0  }
0x87: {  	s30 =	sadd.s32 $0x2700, s29;
	[sflag:s17] =	ssyncadd.s32 $0xFFFFC000  }
0x88: {  	[spmem:s2] =	stream.indirect.scatter.add.f32 [tilespmem:s13], [sflag:$0x3], $0x80, s30, s16, $0xb8;
	[tilespmem:$0x1E800] =	vst v63  }
0x89: {  	_ =	swait.ge [sflag:s24], $0x4000  }
0x8a: {  	[sflag:s24] =	ssyncset.done $0x0  }
0x8b: {  	s31 =	sadd.s32 $0x1380, s29;
	[sflag:s24] =	ssyncadd.s32 $0xFFFFC000  }
0x8c: {  	[tilespmem:s18], [sflag:$0x2] =	stream.indirect.gather [hbm4b:s4+s16], $0x80, s31, s16, $0xb8;
	[tilespmem:$0x1E800] =	vst v63  }
0x8d: {  	_ =	swait.ge [sflag:s19], $0x4000  }
0x8e: {  	p0 =	seq.s32 s28, $0x0;
	[sflag:s19] =	ssyncset.done $0x0  }
.Ltmp5:
0x8f: {  	s31 =	sadd.s32 $0x2780, s29;
	[sflag:s19] =	ssyncadd.s32 $0xFFFFC000;
	(pc) =	sbr.rel @p0 .LBB2_9-.Ltmp5, $4  }
0x90: {  	[spmem:s2] =	stream.indirect.scatter.add.f32 [tilespmem:s18], [sflag:$0x4], $0x80, s31, s16, $0xb8;
	[tilespmem:$0x1E800] =	vst v63  }
0x91: {  	_ =	swait.ge [sflag:s21], $0x4000  }
0x92: {  	[sflag:s21] =	ssyncset.done $0x0  }
0x93: {  	[sflag:s21] =	ssyncadd.s32 $0xFFFFC000  }
.Ltmp6:
0x94: {  	(pc) =	sbr.rel .LBB2_7-.Ltmp6, $3  }
0x95: {  	_ =	sdelay $0x1  }
0x96: {  	s29 =	sadd.s32 $0x1400, s29;
	s28 =	sadd.s32 $0x400, s28  }
0x97: {  	[tilespmem:s13], [sflag:$0x1] =	stream.indirect.gather [hbm4b:s4+s16], $0x80, s29, s16, $0xb8;
	[tilespmem:$0x1E800] =	vst v63  }
.LBB2_10:
0x98: {  	_ =	sfence.sel $0x180000  }
0x99: {  	[bflag:$0x0] =	sbarrier.arrive $0xFFFF  }
0x9a: {  	p0 =	sne.s32 s0, $0x0;
	_ =	strace $0x9000004A  }
0x9b: {  	s0 =	sadd.s32 @!p0 $0x100000, s1;
	[bflag:$0x2] =	sbarrier.arrive $0xFFFF  }
0x9c: {  	[sflag:s0] =	ssyncadd.tile.s32 @!p0 $0x1;
	_ =	shalt  }
.Lfunc_end2:
_tile_overlayer_lowered:
.L_overlay_start_2:
0x9d: {  	(tag) =	ssettag $0x2  }
0x9e: {  	s0 =	rddreg [dreg:$0x0];
	s2 =	stileid.u32  }
0x9f: {  	s1 =	rddreg [dreg:$0x1];
	p0 =	sne.s32 s2, $0x0  }
0xa0: {  	s3 =	rddreg [dreg:$0x2];
	[bflag:$0x3] =	sbarrier.arrive $0xFFFF;
	s2 =	simm.s32 @!p0 $0x1C05  }
0xa1: {  	[timem:s3], [sflag:s2] =	dma.local @!p0 [hbm:s0], s1  }
0xa2: {  	s0 =	simm.s32 @!p0 $0x5  }
0xa3: {  	_ =	swait.ge @!p0 [sflag:s0], s1  }
0xa4: {  	s1 =	ssub.s32 @!p0 $0x0, s1;
	[sflag:s0] =	ssyncset.done @!p0 $0x0  }
0xa5: {  	[sflag:s0] =	ssyncadd.s32 @!p0 s1  }
0xa6: {  	[bflag:$0x3] =	sbarrier.arrive $0xFFFF  }
0xa7: {  	_ =	shalt  }

// kernel: kernel.14.cloned.1.call-start
scs
__scs_entry_jumppad:
0x0: {  	(pc) =	sbr.rel $0x88, $3  }
0x1: {  	(tag) =	ssettag $0x0;
	lr =	simm.s32 $0x1  }
0x2: {  	[smem:$0x3F9B] =	sst lr;
	_ =	strace $0xD0000000  }
0x3: {  	_ = 	snop  }
0x4: {  	_ = 	snop  }
0x5: {  	_ = 	snop  }
0x6: {  	_ = 	snop  }
0x7: {  	_ = 	snop  }
__scs_overlays_trampoline_lowered:
0x8: {  	[smem:$0x3FAA] =	sst s0  }
0x9: {  	[smem:$0x3FAB] =	sst s1  }
0xa: {  	[smem:$0x3FAC] =	sst s2  }
0xb: {  	[smem:$0x3FAD] =	sst s3  }
0xc: {  	[smem:$0x3FAE] =	sst s4  }
0xd: {  	[smem:$0x3FAF] =	sst s5  }
0xe: {  	[smem:$0x3FB0] =	sst s6  }
0xf: {  	[smem:$0x3FB1] =	sst s7  }
0x10: {  	[smem:$0x3FB2] =	sst s8  }
0x11: {  	[smem:$0x3FB3] =	sst s9;
	s0 =	simm.s32 @!p0 $0x0  }
0x12: {  	s1 =	sld [smem:$0x3F99];
	s0 =	simm.s32 @p0 $0x1  }
0x13: {  	[smem:$0x3FB4] =	sst s0;
	s0 =	simm.s32 @!p1 $0x0  }
0x14: {  	s2 =	sld [smem:$0x3F98];
	s0 =	simm.s32 @p1 $0x1  }
0x15: {  	[smem:$0x3FB5] =	sst s0;
	s0 =	simm.s32 @!p2 $0x0  }
0x16: {  	s3 =	sld [smem:$0x3FDB];
	s0 =	simm.s32 @p2 $0x1  }
0x17: {  	s4 =	simm.s32 $0x1BF5;
	[smem:$0x3FB7] =	sst s0  }
0x18: {  	s0 =	sld [smem:$0x3F9A];
	_ =	swait.ge [sflag:s4], $0x0  }
0x19: {  	s7 =	sld [smem:$0x3F9B]  }
0x1a: {  	s8 =	sadd.s32 $0xFFFFE003, lr  }
0x1b: {  	s9 =	sadd.s32 $0xFFFFFEF7, lr;
	s5 =	simm.s32 $0xFFFFFFFF;
	p2 =	slt.u32 s8, $0xFFFFF086  }
0x1c: {  	p1 =	slt.u32 s9, $0xF7A;
	s5 =	simm.s32 @!p2 $0x0  }
0x1d: {  	s5 =	simm.s32 @p1 $0x1;
	p0 =	seq.s32 s7, s2  }
0x1e: {  	s7 =	smul.u32 @!p0 $0xF7A, s2;
	p2 =	seq.s32 @!p0 s5, $0x0  }
0x1f: {  	s9 =	smul.u32 $0xF7A, s1;
	s8 =	simm.s32 @!p0 $0x1BF5;
	p2 =	por !p2, p0  }
0x20: {  	[sflag:s8] =	ssyncset.s32 @!p0 $0xFFFFF086;
	s6 =	sadd.s32 @!p0 s3, s7;
	s7 =	simm.s32 @!p0 $0x108  }
0x21: {  	s3 =	sadd.s32 s3, s9;
	s6 =	sadd.s32 @!p0 $0x88, s6;
	s7 =	simm.s32 @p2 $0x1082  }
0x22: {  	[simem:s7], [sflag:s8] =	dma.local @!p0 [hbm:s6], $0xF7A  }
0x23: {  	s9 =	sor.u32 $0xD0000000, s2;
	s6 =	simm.s32 $0x108;
	_ =	swait.ge @!p0 [sflag:s8], $0x0  }
0x24: {  	s3 =	sadd.s32 $0x88, s3;
	s6 =	simm.s32 @!p1 $0x1082;
	[sflag:s4] =	ssyncset.s32 $0xFFFFF086  }
0x25: {  	[simem:s6], [sflag:s4] =	dma.local [hbm:s3], $0xF7A  }
0x26: {  	[smem:$0x3F9B] =	sst s1;
	(tag) =	ssettag s2;
	_ =	strace s9  }
0x27: {  	s1 =	sld [smem:$0x3FAB]  }
0x28: {  	s2 =	sld [smem:$0x3FAC]  }
0x29: {  	s4 =	sld [smem:$0x3FAE]  }
0x2a: {  	p0 =	seq.s32 s5, $0x0;
	s5 =	sld [smem:$0x3FAF]  }
0x2b: {  	s6 =	sld [smem:$0x3FB0]  }
0x2c: {  	s7 =	sld [smem:$0x3FB1]  }
0x2d: {  	s3 =	simm.s32 $0x108;
	s8 =	sld [smem:$0x3FB2]  }
0x2e: {  	s3 =	simm.s32 @!p0 $0x1082;
	s9 =	sld [smem:$0x3FB3]  }
0x2f: {  	lr =	sadd.s32 s0, s3;
	s0 =	sld [smem:$0x3FAA]  }
0x30: {  	s3 =	sld [smem:$0x3FAD]  }
0x31: {  	[smem:$0x3FB6] =	sst s10  }
0x32: {  	s10 =	sld [smem:$0x3FB4];
	_ =	sdelay $0x3  }
0x33: {  	p0 =	seq.s32 s10, $0x1;
	s10 =	sld [smem:$0x3FB6];
	_ =	sdelay $0x3  }
0x34: {  	[smem:$0x3FB6] =	sst s10  }
0x35: {  	s10 =	sld [smem:$0x3FB5];
	_ =	sdelay $0x3  }
0x36: {  	p1 =	seq.s32 s10, $0x1;
	s10 =	sld [smem:$0x3FB6];
	_ =	sdelay $0x3  }
0x37: {  	[smem:$0x3FB6] =	sst s10  }
0x38: {  	s10 =	sld [smem:$0x3FB7]  }
0x39: {  	_ = 	snop;
	(pc) =	sbr.ind lr, $3  }
0x3a: {  	_ = 	snop  }
0x3b: {  	_ = 	snop  }
0x3c: {  	p2 =	seq.s32 s10, $0x1;
	s10 =	sld [smem:$0x3FB6]  }
0x3d: {  	_ =	shalt  }
0x3e: {  	_ =	shalt  }
0x3f: {  	_ =	shalt  }
0x40: {  	_ =	shalt  }
0x41: {  	_ =	shalt  }
0x42: {  	_ =	shalt  }
0x43: {  	_ =	shalt  }
0x44: {  	_ =	shalt  }
0x45: {  	_ =	shalt  }
0x46: {  	_ =	shalt  }
0x47: {  	_ =	shalt  }
0x48: {  	_ =	shalt  }
0x49: {  	_ =	shalt  }
0x4a: {  	_ =	shalt  }
0x4b: {  	_ =	shalt  }
0x4c: {  	_ =	shalt  }
0x4d: {  	_ =	shalt  }
0x4e: {  	_ =	shalt  }
0x4f: {  	_ =	shalt  }
0x50: {  	_ =	shalt  }
0x51: {  	_ =	shalt  }
0x52: {  	_ =	shalt  }
0x53: {  	_ =	shalt  }
0x54: {  	_ =	shalt  }
0x55: {  	_ =	shalt  }
0x56: {  	_ =	shalt  }
0x57: {  	_ =	shalt  }
0x58: {  	_ =	shalt  }
0x59: {  	_ =	shalt  }
0x5a: {  	_ =	shalt  }
0x5b: {  	_ =	shalt  }
0x5c: {  	_ =	shalt  }
0x5d: {  	_ =	shalt  }
0x5e: {  	_ =	shalt  }
0x5f: {  	_ =	shalt  }
0x60: {  	_ =	shalt  }
0x61: {  	_ =	shalt  }
0x62: {  	_ =	shalt  }
0x63: {  	_ =	shalt  }
0x64: {  	_ =	shalt  }
0x65: {  	_ =	shalt  }
0x66: {  	_ =	shalt  }
0x67: {  	_ =	shalt  }
0x68: {  	_ =	shalt  }
0x69: {  	_ =	shalt  }
0x6a: {  	_ =	shalt  }
0x6b: {  	_ =	shalt  }
0x6c: {  	_ =	shalt  }
0x6d: {  	_ =	shalt  }
0x6e: {  	_ =	shalt  }
0x6f: {  	_ =	shalt  }
0x70: {  	_ =	shalt  }
0x71: {  	_ =	shalt  }
0x72: {  	_ =	shalt  }
0x73: {  	_ =	shalt  }
0x74: {  	_ =	shalt  }
0x75: {  	_ =	shalt  }
0x76: {  	_ =	shalt  }
0x77: {  	_ =	shalt  }
0x78: {  	_ =	shalt  }
0x79: {  	_ =	shalt  }
0x7a: {  	_ =	shalt  }
0x7b: {  	_ =	shalt  }
0x7c: {  	_ =	shalt  }
0x7d: {  	_ =	shalt  }
0x7e: {  	_ =	shalt  }
0x7f: {  	_ =	shalt  }
0x80: {  	_ =	shalt  }
0x81: {  	_ =	shalt  }
0x82: {  	_ =	shalt  }
0x83: {  	_ =	shalt  }
0x84: {  	_ =	shalt  }
0x85: {  	_ =	shalt  }
0x86: {  	_ =	shalt  }
0x87: {  	_ =	shalt  }
.Lfunc_end0:
.L_simem_size_0:
called_computation.2_lowered:
.L_overlay_start_0:
0x88: {  	s2 =	sld [smem:$0x3FD9]  }
0x89: {  	s3 =	sld [smem:$0x3FFE];
	_ =	sdelay $0x1  }
0x8a: {  	s1 =	srdreg.scid  }
0x8b: {  	s0 =	sand.u32 $0x1, s1  }
0x8c: {  	s17 =	sshll.u32 s0, $0xA;
	s2 =	sadd.s32 s3, s2  }
0x8d: {  	s2 =	sadd.s32 s2, s17  }
0x8e: {  	[smem:$0x3FC2] =	sst s2  }
0x8f: {  	_ = 	snop  }
0x90: {  	s2 =	sld [smem:$0x3FD0];
	(tm) =	ssettm $0x1  }
0x91: {  	s18 =	sld [smem:$0x3FFB];
	_ =	sdelay $0x3  }
0x92: {  	_ =	strace s18  }
0x93: {  	s3 =	sld [smem:$0x3FFC];
	_ =	sdelay $0x3  }
0x94: {  	_ =	strace s3  }
0x95: {  	s3 =	sld [smem:$0x3FFD];
	_ =	sdelay $0x3  }
0x96: {  	_ =	strace s3  }
0x97: {  	_ =	strace $0x8FFFFFFF  }
0x98: {  	s19 =	sld [smem:$0x3FDB];
	_ =	sdelay $0x1  }
0x99: {  	s4 =	simm.s32 $_scs_section_size  }
0x9a: {  	s5 =	simm.s32 $_size__tile_overlayer_lowered;
	s6 =	simm.s32 $_tile_overlayer_lowered  }
0x9b: {  	s22 =	simm.s32 $0x1BFF;
	s21 =	sshll.u32 s6, $0x1;
	s3 =	sadd.s32 s4, s19  }
0x9c: {  	s7 =	simm.s32 $0x0;
	s20 =	sshll.u32 s5, $0x1;
	s5 =	sadd.s32 s21, s3  }
0x9d: {  	[timem:s7], [sflag:s22] =	dma.local [hbm:s5], s20  }
0x9e: {  	_ =	swait.ge [sflag:s22], s20  }
0x9f: {  	s4 =	ssub.s32 $0x0, s20;
	[sflag:s22] =	ssyncset.done $0x0  }
0xa0: {  	[sflag:s22] =	ssyncadd.s32 s4;
	_ =	sdelay $0x1  }
0xa1: {  	s23 =	simm.s32 $0x1B8B  }
0xa2: {  	_ =	swait.ge [sflag:s23], $0x1  }
0xa3: {  	[sflag:s23] =	ssyncset.done $0x0  }
0xa4: {  	s25 =	simm.s32 $0x1B8E;
	s24 =	sld [smem:$0x3FFE];
	[sflag:s23] =	ssyncadd.s32 $0xFFFFFFFF  }
0xa5: {  	s26 =	simm.s32 $execute0_lowered;
	[smem:$0x3FD2] =	sst s25  }
0xa6: {  	s5 =	sshll.u32 s26, $0x1;
	_ =	strace $0x8000004C;
	[dreg:$0x1] =	wrdreg $0xFFFFFFFF  }
0xa7: {  	s28 =	simm.s32 $_size_execute0_lowered;
	s3 =	sadd.s32 s3, s5;
	[dreg:$0x0] =	wrdreg $0x0  }
0xa8: {  	s5 =	sshll.u32 s28, $0x1;
	[dreg:$0x2] =	wrdreg s3  }
0xa9: {  	[dreg:$0x3] =	wrdreg s5  }
0xaa: {  	[dreg:$0x4] =	wrdreg $0xC0  }
0xab: {  	_ =	task [dreg:s7], $0x5FFFF  }
0xac: {  	[dreg:$0x1] =	wrdreg $0xFFFFFFFF  }
0xad: {  	[dreg:$0x0] =	wrdreg $0x60  }
0xae: {  	[dreg:$0x2] =	wrdreg s24  }
0xaf: {  	[dreg:$0x3] =	wrdreg s2  }
0xb0: {  	[dreg:$0x4] =	wrdreg $0x150000  }
0xb1: {  	[dreg:$0x5] =	wrdreg $0x9  }
0xb2: {  	_ =	task.clear_ibuf [dreg:s7], $0x6FFFF;
	_ =	strace $0x9000004C  }
0xb3: {  	s29 =	simm.s32 $0x9;
	_ =	strace $0x8000004E  }
0xb4: {  	_ =	swait.ge [sflag:s29], $0x1  }
0xb5: {  	[sflag:s29] =	ssyncadd.s32 $0xFFFFFFFF  }
0xb6: {  	_ =	strace $0x9000004E  }
0xb7: {  	_ =	sfence  }
0xb8: {  	s30 =	sld [smem:$0x0];
	_ =	sdelay $0x2  }
0xb9: {  	s31 =	sshll.u32 s1, $0xD;
	s1 =	sshrl.u32 s1, $0x2  }
0xba: {  	s3 =	sand.u32 $0x4000, s31;
	s1 =	sadd.s32 s1, s30  }
0xbb: {  	s0 =	sor.u32 s3, s0;
	s1 =	sshll.u32 s1, $0x11  }
0xbc: {  	s0 =	sor.u32 s1, s0  }
0xbd: {  	s0 =	sadd.s32 $0x8F2B, s0  }
0xbe: {  	[sflag:s0] =	ssyncadd.remote.s32 $0x1  }
0xbf: {  	_ =	sfence.sel $0xFFFF  }
0xc0: {  	[dreg:$0x0] =	wrdreg $0xFFFFFFFF;
	(pc) =	sbr.abs _section_cstart, $3  }
0xc1: {  	[dreg:$0x1] =	wrdreg $0xFFFFFFFF  }
0xc2: {  	_ =	task.clear_ibuf [dreg:s7], $0x2FFFF;
	_ =	strace $0x9FFFFFFF  }
0xc3: {  	(tm) =	ssettm $0x7FFFFFFF  }
tec
execute0_lowered:
.L_overlay_start_1:
0x0: {  	(tag) =	ssettag $0x1  }
0x1: {  	s1 =	rddreg [dreg:$0x0]  }
0x2: {  	s0 =	srdreg.scid;
	s6 =	rddreg [dreg:$0x1]  }
0x3: {  	s10 =	stileid.u32;
	s2 =	rddreg [dreg:$0x2]  }
0x4: {  	s13 =	simm.s32 $0x5000;
	s14 =	simm.s32 $0x11;
	s19 =	simm.s32 $0x9000  }
0x5: {  	s28 =	simm.s32 $0xF000;
	s29 =	simm.s32 $0x3;
	s30 =	simm.s32 $0x11000  }
0x6: {  	s31 =	simm.s32 $0x4;
	s0 =	sand.u32 $0x1, s0;
	s8 =	smul.u32 $0x28000, s10  }
0x7: {  	s11 =	simm.s32 $0x10;
	s17 =	smul.u32 $0xA000, s10;
	s3 =	sshll.u32 s0, $0x4  }
0x8: {  	s5 =	smul.u32 $0x14000, s0;
	s0 =	ssub.s32 $0x2, s0;
	s4 =	sor.u32 s10, s3  }
0x9: {  	s3 =	simm.s32 $0x0;
	s15 =	sshrl.u32 s0, $0x1;
	s8 =	sshrl.u32 s8, $0x2  }
0xa: {  	s18 =	sshrl.u32 s17, $0x3;
	s20 =	sadd.s32 s17, s2;
	s17 =	simm.s32 $0x7000  }
0xb: {  	s10 =	simm.s32 $0xF;
	s7 =	smul.u32 $0x500, s4;
	[smem:$0x7FF] =	sst s3  }
0xc: {  	s4 =	sadd.s32 $0x65A00, s1;
	s0 =	ssub.s32 s0, s15;
	s16 =	sadd.s32 s8, s2  }
0xd: {  	s26 =	sshrl.u32 s20, $0x3;
	_ =	strace $0x8000004D;
	[dreg:$0x4] =	wrdreg s16  }
0xe: {  	s15 =	simm.s32 $0x9;
	s0 =	smax.u32 s0, $0x1;
	[dreg:$0xd] =	wrdreg s26  }
0xf: {  	s20 =	simm.s32 $0xB;
	s21 =	sadd.s32 $0x2000, s16;
	[dreg:$0x7] =	wrdreg s0  }
0x10: {  	s22 =	sadd.s32 $0x4000, s16;
	s23 =	sadd.s32 $0x6000, s16;
	[dreg:$0x8] =	wrdreg s21  }
0x11: {  	s24 =	sadd.s32 $0x8000, s16;
	s16 =	simm.s32 $0x80;
	[dreg:$0x9] =	wrdreg s22  }
0x12: {  	s26 =	simm.s32 $0x2;
	s9 =	sadd.s32 s7, s1;
	[dreg:$0xa] =	wrdreg s23  }
0x13: {  	s1 =	sadd.s32 s5, s1;
	s6 =	sadd.s32 s6, s7;
	[dreg:$0xb] =	wrdreg s24  }
.Ltmp0:
0x14: {  	s21 =	simm.s32 $0xB000;
	s22 =	simm.s32 $0x1;
	(pc) =	sbr.rel .LBB2_1-.Ltmp0, $4  }
0x15: {  	s24 =	simm.s32 $0xD000;
	s0 =	simm.s32 $0x5;
	s7 =	simm.s32 $0xC  }
0x16: {  	s9 =	sadd.s32 $0xBA00, s9;
	[dreg:$0x6] =	wrdreg s6;
	s1 =	sadd.s32 $0x79A00, s1  }
0x17: {  	s6 =	simm.s32 $0x8;
	[dreg:$0x5] =	wrdreg s9;
	s25 =	sadd.s32 s18, s1  }
0x18: {  	v0 =	vimm.f32 $0.0e+00;
	s1 =	simm.s32 $0x13000;
	s18 =	simm.s32 $0x7;
	[dreg:$0xc] =	wrdreg s25  }
.LBB2_6:
0x19: {  	_ =	swait.ge [sflag:s6], $0x2000  }
0x1a: {  	[sflag:s6] =	ssyncset.done $0x0  }
0x1b: {  	[sflag:s6] =	ssyncadd.s32 $0xFFFFE000  }
0x1c: {  	[spmem:s2] =	stream.indirect.scatter.add.f32 [tilespmem:s1], [sflag:$0x10], $0x40, s25, s16, $0xb8;
	[tilespmem:$0x1F000] =	vst v63  }
0x1d: {  	_ =	swait.ge [sflag:s7], $0x2000  }
0x1e: {  	[sflag:s7] =	ssyncset.done $0x0  }
0x1f: {  	s5 =	simm.s32 $0xD;
	[sflag:s7] =	ssyncadd.s32 $0xFFFFE000  }
0x20: {  	_ =	swait.ge [sflag:s5], $0x2000  }
0x21: {  	[sflag:s5] =	ssyncset.done $0x0  }
0x22: {  	s12 =	simm.s32 $0xE;
	[sflag:s5] =	ssyncadd.s32 $0xFFFFE000  }
0x23: {  	_ =	swait.ge [sflag:s12], $0x2000  }
0x24: {  	[sflag:s12] =	ssyncset.done $0x0  }
0x25: {  	[sflag:s12] =	ssyncadd.s32 $0xFFFFE000  }
0x26: {  	_ =	swait.ge [sflag:s10], $0x2000  }
0x27: {  	[sflag:s10] =	ssyncset.done $0x0  }
0x28: {  	[sflag:s10] =	ssyncadd.s32 $0xFFFFE000  }
0x29: {  	_ =	swait.ge [sflag:s11], $0x2000  }
0x2a: {  	[sflag:s11] =	ssyncset.done $0x0  }
0x2b: {  	[sflag:s11] =	ssyncadd.s32 $0xFFFFE000  }
0x2c: {  	s23 =	stileid.u32;
	[bflag:$0x0] =	sbarrier.arrive $0xFFFF  }
0x2d: {  	s5 =	sshll.u32 s23, $0x6;
	s8 =	rddreg [dreg:$0xc]  }
0x2e: {  	s5 =	sor.u32 $0x1C11, s5;
	s9 =	rddreg [dreg:$0xd]  }
0x2f: {  	[hbm:s8], [sflag:s5] =	dma.local [spmem:s9], $0x1400  }
0x30: {  	_ =	swait.ge [sflag:s14], $0x1400  }
0x31: {  	s3 =	sadd.s32 $0x1, s3;
	s25 =	rddreg [dreg:$0x7]  }
0x32: {  	p0 =	sne.s32 s3, s25  }
.Ltmp1:
0x33: {  	_ = 	snop;
	(pc) =	sbr.rel @!p0 .LBB2_7-.Ltmp1, $3  }
0x34: {  	_ =	sdelay $0x1  }
0x35: {  	[sflag:s14] =	ssyncset.done $0x0  }
0x36: {  	[sflag:s14] =	ssyncadd.s32 $0xFFFFEC00  }
.LBB2_1:
0x37: {  	s23 =	simm.s32 $0x100;
	s12 =	simm.s32 $0x0  }
.LBB2_2:
0x38: {  	p0 =	sne.s32 s23, $0x7F00;
	[tilespmem:s12+$0x5030] =	vst v0;
	s25 =	smov.u32 s23;
	s23 =	sadd.s32 $0x100, s23  }
.Ltmp2:
0x39: {  	[tilespmem:s12+$0x5020] =	vst v0;
	(pc) =	sbr.rel @p0 .LBB2_2-.Ltmp2, $3  }
0x3a: {  	[tilespmem:s12+$0x5000] =	vst v0  }
0x3b: {  	[tilespmem:s12+$0x5010] =	vst v0;
	_ =	sdelay $0x1  }
0x3c: {  	s12 =	sshra.s32 s25, $0x2  }
0x3d: {  	[tilespmem:s12+$0x5030] =	vst v0  }
0x3e: {  	[tilespmem:s12+$0x5020] =	vst v0  }
0x3f: {  	[tilespmem:s12+$0x5000] =	vst v0  }
0x40: {  	[tilespmem:s12+$0x5010] =	vst v0;
	s5 =	rddreg [dreg:$0x4]  }
0x41: {  	[spmem:s5] =	stream.linear.scatter [tilespmem:s13], [sflag:$0x11], $0x2000, $0x38;
	[tilespmem:$0x1F000] =	vst v63  }
0x42: {  	_ =	swait.ge [sflag:s14], $0x2000  }
0x43: {  	[sflag:s14] =	ssyncset.done $0x0  }
0x44: {  	s9 =	rddreg [dreg:$0x8];
	[sflag:s14] =	ssyncadd.s32 $0xFFFFE000  }
0x45: {  	[spmem:s9] =	stream.linear.scatter [tilespmem:s13], [sflag:$0x11], $0x2000, $0x38;
	[tilespmem:$0x1F000] =	vst v63  }
0x46: {  	_ =	swait.ge [sflag:s14], $0x2000  }
0x47: {  	[sflag:s14] =	ssyncset.done $0x0  }
0x48: {  	s12 =	rddreg [dreg:$0x9];
	[sflag:s14] =	ssyncadd.s32 $0xFFFFE000  }
0x49: {  	[spmem:s12] =	stream.linear.scatter [tilespmem:s13], [sflag:$0x11], $0x2000, $0x38;
	[tilespmem:$0x1F000] =	vst v63  }
0x4a: {  	_ =	swait.ge [sflag:s14], $0x2000  }
0x4b: {  	[sflag:s14] =	ssyncset.done $0x0  }
0x4c: {  	s23 =	rddreg [dreg:$0xa];
	[sflag:s14] =	ssyncadd.s32 $0xFFFFE000  }
0x4d: {  	[spmem:s23] =	stream.linear.scatter [tilespmem:s13], [sflag:$0x11], $0x2000, $0x38;
	[tilespmem:$0x1F000] =	vst v63  }
0x4e: {  	_ =	swait.ge [sflag:s14], $0x2000  }
0x4f: {  	[sflag:s14] =	ssyncset.done $0x0  }
0x50: {  	s25 =	rddreg [dreg:$0xb];
	[sflag:s14] =	ssyncadd.s32 $0xFFFFE000  }
0x51: {  	[spmem:s25] =	stream.linear.scatter [tilespmem:s13], [sflag:$0x11], $0x2000, $0x38;
	[tilespmem:$0x1F000] =	vst v63  }
0x52: {  	_ =	swait.ge [sflag:s14], $0x2000  }
0x53: {  	[sflag:s14] =	ssyncset.done $0x0  }
0x54: {  	[sflag:s14] =	ssyncadd.s32 $0xFFFFE000  }
0x55: {  	[bflag:$0x0] =	sbarrier.arrive $0xFFFF  }
0x56: {  	s12 =	simm.s32 $0x0;
	s8 =	rddreg [dreg:$0x5]  }
0x57: {  	[tilespmem:s12], [sflag:$0x11] =	stream.linear.gather [hbm4b:s8+s12], $0x2800, $0x38;
	[tilespmem:$0x1F000] =	vst v63  }
0x58: {  	_ =	swait.ge [sflag:s14], $0x2800  }
0x59: {  	[sflag:s14] =	ssyncset.done $0x0  }
0x5a: {  	s8 =	simm.s32 $0x2800;
	s9 =	rddreg [dreg:$0x6];
	[sflag:s14] =	ssyncadd.s32 $0xFFFFD800  }
0x5b: {  	[tilespmem:s8], [sflag:$0x11] =	stream.linear.gather [hbm4b:s9+s12], $0x2800, $0x38;
	[tilespmem:$0x1F000] =	vst v63  }
0x5c: {  	_ =	swait.ge [sflag:s14], $0x2800  }
0x5d: {  	[sflag:s14] =	ssyncset.done $0x0  }
0x5e: {  	[sflag:s14] =	ssyncadd.s32 $0xFFFFD800  }
0x5f: {  	[tilespmem:s13], [sflag:$0x1] =	stream.indirect.gather [hbm4b:s4+s16], $0x40, s12, s16, $0xb8;
	[tilespmem:$0x1F000] =	vst v63  }
0x60: {  	_ = 	snop  }
0x61: {  	[tilespmem:s17], [sflag:$0x2] =	stream.indirect.gather [hbm4b:s4+s16], $0x40, s16, s16, $0xb8;
	[tilespmem:$0x1F000] =	vst v63  }
0x62: {  	s23 =	simm.s32 $0x100  }
0x63: {  	[tilespmem:s19], [sflag:$0x3] =	stream.indirect.gather [hbm4b:s4+s16], $0x40, s23, s16, $0xb8;
	[tilespmem:$0x1F000] =	vst v63  }
0x64: {  	s25 =	simm.s32 $0x180  }
0x65: {  	[tilespmem:s21], [sflag:$0x4] =	stream.indirect.gather [hbm4b:s4+s16], $0x40, s25, s16, $0xb8;
	[tilespmem:$0x1F000] =	vst v63  }
.LBB2_4:
0x66: {  	_ =	swait.ge [sflag:s22], $0x2000  }
0x67: {  	s23 =	sshra.s32 s12, $0x2;
	[sflag:s22] =	ssyncset.done $0x0  }
0x68: {  	p0 =	seq.s32 s12, $0x0;
	s25 =	sadd.s32 $0x2800, s23;
	[sflag:s22] =	ssyncadd.s32 $0xFFFFE000  }
0x69: {  	[spmem:s2] =	stream.indirect.scatter.add.f32 [tilespmem:s13], [sflag:$0x9], $0x40, s25, s16, $0xb8;
	[tilespmem:$0x1F000] =	vst v63  }
0x6a: {  	s25 =	simm.s32 @!p0 $0xD  }
0x6b: {  	_ =	swait.ge @!p0 [sflag:s25], $0x2000  }
0x6c: {  	[sflag:s25] =	ssyncset.done @!p0 $0x0  }
0x6d: {  	s8 =	sadd.s32 $0x200, s23;
	[sflag:s25] =	ssyncadd.s32 @!p0 $0xFFFFE000  }
0x6e: {  	[tilespmem:s24], [sflag:$0x5] =	stream.indirect.gather [hbm4b:s4+s16], $0x40, s8, s16, $0xb8;
	[tilespmem:$0x1F000] =	vst v63  }
0x6f: {  	_ =	swait.ge [sflag:s26], $0x2000  }
0x70: {  	[sflag:s26] =	ssyncset.done $0x0  }
0x71: {  	s9 =	sadd.s32 $0x2880, s23;
	s25 =	simm.s32 @!p0 $0xE;
	[sflag:s26] =	ssyncadd.s32 $0xFFFFE000  }
0x72: {  	[spmem:s2] =	stream.indirect.scatter.add.f32 [tilespmem:s17], [sflag:$0xA], $0x40, s9, s16, $0xb8;
	[tilespmem:$0x1F000] =	vst v63  }
0x73: {  	_ =	swait.ge @!p0 [sflag:s25], $0x2000  }
0x74: {  	[sflag:s25] =	ssyncset.done @!p0 $0x0  }
0x75: {  	s5 =	sadd.s32 $0x280, s23;
	[sflag:s25] =	ssyncadd.s32 @!p0 $0xFFFFE000  }
0x76: {  	[tilespmem:s28], [sflag:$0x6] =	stream.indirect.gather [hbm4b:s4+s16], $0x40, s5, s16, $0xb8;
	[tilespmem:$0x1F000] =	vst v63  }
0x77: {  	_ =	swait.ge [sflag:s29], $0x2000  }
0x78: {  	[sflag:s29] =	ssyncset.done $0x0  }
0x79: {  	s8 =	sadd.s32 $0x2900, s23;
	s25 =	simm.s32 @!p0 $0xF;
	[sflag:s29] =	ssyncadd.s32 $0xFFFFE000  }
0x7a: {  	[spmem:s2] =	stream.indirect.scatter.add.f32 [tilespmem:s19], [sflag:$0xB], $0x40, s8, s16, $0xb8;
	[tilespmem:$0x1F000] =	vst v63  }
0x7b: {  	_ =	swait.ge @!p0 [sflag:s25], $0x2000  }
0x7c: {  	[sflag:s25] =	ssyncset.done @!p0 $0x0  }
0x7d: {  	s9 =	sadd.s32 $0x300, s23;
	[sflag:s25] =	ssyncadd.s32 @!p0 $0xFFFFE000  }
0x7e: {  	[tilespmem:s30], [sflag:$0x7] =	stream.indirect.gather [hbm4b:s4+s16], $0x40, s9, s16, $0xb8;
	[tilespmem:$0x1F000] =	vst v63  }
0x7f: {  	_ =	swait.ge [sflag:s31], $0x2000  }
0x80: {  	[sflag:s31] =	ssyncset.done $0x0  }
0x81: {  	s5 =	sadd.s32 $0x2980, s23;
	s25 =	simm.s32 @!p0 $0x10;
	[sflag:s31] =	ssyncadd.s32 $0xFFFFE000  }
0x82: {  	[spmem:s2] =	stream.indirect.scatter.add.f32 [tilespmem:s21], [sflag:$0xC], $0x40, s5, s16, $0xb8;
	[tilespmem:$0x1F000] =	vst v63  }
0x83: {  	_ =	swait.ge @!p0 [sflag:s25], $0x2000  }
0x84: {  	[sflag:s25] =	ssyncset.done @!p0 $0x0  }
0x85: {  	s8 =	sadd.s32 $0x380, s23;
	[sflag:s25] =	ssyncadd.s32 @!p0 $0xFFFFE000  }
0x86: {  	[tilespmem:s1], [sflag:$0x8] =	stream.indirect.gather [hbm4b:s4+s16], $0x40, s8, s16, $0xb8;
	[tilespmem:$0x1F000] =	vst v63  }
0x87: {  	_ =	swait.ge [sflag:s0], $0x2000  }
0x88: {  	[sflag:s0] =	ssyncset.done $0x0  }
0x89: {  	s9 =	sadd.s32 $0x2A00, s23;
	[sflag:s0] =	ssyncadd.s32 $0xFFFFE000  }
0x8a: {  	[spmem:s2] =	stream.indirect.scatter.add.f32 [tilespmem:s24], [sflag:$0xD], $0x40, s9, s16, $0xb8;
	[tilespmem:$0x1F000] =	vst v63  }
0x8b: {  	_ =	swait.ge [sflag:s15], $0x2000  }
0x8c: {  	p0 =	seq.s32 s12, $0x9000;
	[sflag:s15] =	ssyncset.done $0x0  }
0x8d: {  	s25 =	simm.s32 @p0 $0x6;
	[sflag:s15] =	ssyncadd.s32 $0xFFFFE000  }
0x8e: {  	_ =	swait.ge @p0 [sflag:s25], $0x2000  }
0x8f: {  	[sflag:s25] =	ssyncset.done @p0 $0x0  }
0x90: {  	[sflag:s25] =	ssyncadd.s32 @p0 $0xFFFFE000;
	s25 =	sshra.s32 @p0 s12, $0x2  }
0x91: {  	s5 =	simm.s32 @p0 $0x80;
	s8 =	simm.s32 @p0 $0xF000;
	s25 =	sadd.s32 @p0 $0x2A80, s25  }
0x92: {  	[spmem:s2] =	stream.indirect.scatter.add.f32 @p0 [tilespmem:s8], [sflag:$0xE], $0x40, s25, s5, $0xb8;
	[tilespmem:$0x1F000] =	vst v63  }
0x93: {  	s5 =	simm.s32 @p0 $0xA  }
0x94: {  	_ =	swait.ge @p0 [sflag:s5], $0x2000  }
0x95: {  	[sflag:s5] =	ssyncset.done @p0 $0x0  }
0x96: {  	[sflag:s5] =	ssyncadd.s32 @p0 $0xFFFFE000;
	s5 =	sshra.s32 @!p0 s12, $0x2  }
0x97: {  	s9 =	simm.s32 @!p0 $0x5000;
	s25 =	simm.s32 @!p0 $0x80;
	s8 =	sadd.s32 @!p0 $0x400, s5  }
0x98: {  	[tilespmem:s9], [sflag:$0x1] =	stream.indirect.gather @!p0 [hbm4b:s4+s25], $0x40, s8, s25, $0xb8;
	[tilespmem:$0x1F000] =	vst v63  }
0x99: {  	s8 =	simm.s32 @!p0 $0x6  }
0x9a: {  	_ =	swait.ge @!p0 [sflag:s8], $0x2000  }
0x9b: {  	[sflag:s8] =	ssyncset.done @!p0 $0x0  }
0x9c: {  	s9 =	simm.s32 @!p0 $0xF000;
	[sflag:s8] =	ssyncadd.s32 @!p0 $0xFFFFE000;
	s8 =	sadd.s32 @!p0 $0x2A80, s5  }
0x9d: {  	[spmem:s2] =	stream.indirect.scatter.add.f32 @!p0 [tilespmem:s9], [sflag:$0xE], $0x40, s8, s25, $0xb8;
	[tilespmem:$0x1F000] =	vst v63  }
0x9e: {  	s8 =	simm.s32 @!p0 $0xA  }
0x9f: {  	_ =	swait.ge @!p0 [sflag:s8], $0x2000  }
0xa0: {  	[sflag:s8] =	ssyncset.done @!p0 $0x0  }
0xa1: {  	s5 =	sadd.s32 @!p0 $0x480, s5;
	[sflag:s8] =	ssyncadd.s32 @!p0 $0xFFFFE000;
	s8 =	simm.s32 @!p0 $0x7000  }
0xa2: {  	[tilespmem:s8], [sflag:$0x2] =	stream.indirect.gather @!p0 [hbm4b:s4+s25], $0x40, s5, s25, $0xb8;
	[tilespmem:$0x1F000] =	vst v63  }
0xa3: {  	_ =	swait.ge [sflag:s18], $0x2000  }
0xa4: {  	[sflag:s18] =	ssyncset.done $0x0  }
.Ltmp3:
0xa5: {  	s25 =	sadd.s32 $0x2B00, s23;
	[sflag:s18] =	ssyncadd.s32 $0xFFFFE000;
	(pc) =	sbr.rel @p0 .LBB2_6-.Ltmp3, $4  }
0xa6: {  	[spmem:s2] =	stream.indirect.scatter.add.f32 [tilespmem:s30], [sflag:$0xF], $0x40, s25, s16, $0xb8;
	[tilespmem:$0x1F000] =	vst v63  }
0xa7: {  	_ =	swait.ge [sflag:s20], $0x2000  }
0xa8: {  	[sflag:s20] =	ssyncset.done $0x0  }
0xa9: {  	s25 =	sadd.s32 $0x2B80, s23;
	[sflag:s20] =	ssyncadd.s32 $0xFFFFE000  }
0xaa: {  	s5 =	sadd.s32 $0x500, s23  }
0xab: {  	[tilespmem:s19], [sflag:$0x3] =	stream.indirect.gather [hbm4b:s4+s16], $0x40, s5, s16, $0xb8;
	[tilespmem:$0x1F000] =	vst v63  }
0xac: {  	_ =	swait.ge [sflag:s6], $0x2000  }
0xad: {  	[sflag:s6] =	ssyncset.done $0x0  }
0xae: {  	[sflag:s6] =	ssyncadd.s32 $0xFFFFE000  }
0xaf: {  	[spmem:s2] =	stream.indirect.scatter.add.f32 [tilespmem:s1], [sflag:$0x10], $0x40, s25, s16, $0xb8;
	[tilespmem:$0x1F000] =	vst v63  }
.Ltmp4:
0xb0: {  	_ = 	snop;
	(pc) =	sbr.rel .LBB2_4-.Ltmp4, $4  }
0xb1: {  	_ =	swait.ge [sflag:s7], $0x2000  }
0xb2: {  	[sflag:s7] =	ssyncset.done $0x0  }
0xb3: {  	s12 =	sadd.s32 $0x1000, s12;
	s25 =	sadd.s32 $0x580, s23;
	[sflag:s7] =	ssyncadd.s32 $0xFFFFE000  }
0xb4: {  	[tilespmem:s21], [sflag:$0x4] =	stream.indirect.gather [hbm4b:s4+s16], $0x40, s25, s16, $0xb8;
	[tilespmem:$0x1F000] =	vst v63  }
.LBB2_7:
0xb5: {  	_ =	sfence.sel $0x180000  }
0xb6: {  	[bflag:$0x0] =	sbarrier.arrive $0xFFFF  }
0xb7: {  	_ =	strace $0x9000004D  }
0xb8: {  	s0 =	stileid.u32;
	[bflag:$0x2] =	sbarrier.arrive $0xFFFF  }
0xb9: {  	p0 =	sne.s32 s0, $0x0;
	s0 =	rddreg [dreg:$0x3]  }
0xba: {  	s0 =	sadd.s32 @!p0 $0x100000, s0  }
0xbb: {  	[sflag:s0] =	ssyncadd.tile.s32 @!p0 $0x1;
	_ =	shalt  }
.Lfunc_end2:
_tile_overlayer_lowered:
.L_overlay_start_2:
0xbc: {  	(tag) =	ssettag $0x2  }
0xbd: {  	s0 =	rddreg [dreg:$0x0];
	s2 =	stileid.u32  }
0xbe: {  	s1 =	rddreg [dreg:$0x1];
	p0 =	sne.s32 s2, $0x0  }
0xbf: {  	s3 =	rddreg [dreg:$0x2];
	[bflag:$0x3] =	sbarrier.arrive $0xFFFF;
	s2 =	simm.s32 @!p0 $0x1C11  }
0xc0: {  	[timem:s3], [sflag:s2] =	dma.local @!p0 [hbm:s0], s1  }
0xc1: {  	s0 =	simm.s32 @!p0 $0x11  }
0xc2: {  	_ =	swait.ge @!p0 [sflag:s0], s1  }
0xc3: {  	s1 =	ssub.s32 @!p0 $0x0, s1;
	[sflag:s0] =	ssyncset.done @!p0 $0x0  }
0xc4: {  	[sflag:s0] =	ssyncadd.s32 @!p0 s1  }
0xc5: {  	[bflag:$0x3] =	sbarrier.arrive $0xFFFF  }
0xc6: {  	_ =	shalt  }

// kernel: kernel.8.cloned.1.call-start
scs
__scs_entry_jumppad:
0x0: {  	(pc) =	sbr.rel $0x88, $3  }
0x1: {  	(tag) =	ssettag $0x0;
	lr =	simm.s32 $0x1  }
0x2: {  	[smem:$0x3F9B] =	sst lr;
	_ =	strace $0xD0000000  }
0x3: {  	_ = 	snop  }
0x4: {  	_ = 	snop  }
0x5: {  	_ = 	snop  }
0x6: {  	_ = 	snop  }
0x7: {  	_ = 	snop  }
__scs_overlays_trampoline_lowered:
0x8: {  	[smem:$0x3FAA] =	sst s0  }
0x9: {  	[smem:$0x3FAB] =	sst s1  }
0xa: {  	[smem:$0x3FAC] =	sst s2  }
0xb: {  	[smem:$0x3FAD] =	sst s3  }
0xc: {  	[smem:$0x3FAE] =	sst s4  }
0xd: {  	[smem:$0x3FAF] =	sst s5  }
0xe: {  	[smem:$0x3FB0] =	sst s6  }
0xf: {  	[smem:$0x3FB1] =	sst s7  }
0x10: {  	[smem:$0x3FB2] =	sst s8  }
0x11: {  	[smem:$0x3FB3] =	sst s9;
	s0 =	simm.s32 @!p0 $0x0  }
0x12: {  	s1 =	sld [smem:$0x3F99];
	s0 =	simm.s32 @p0 $0x1  }
0x13: {  	[smem:$0x3FB4] =	sst s0;
	s0 =	simm.s32 @!p1 $0x0  }
0x14: {  	s2 =	sld [smem:$0x3F98];
	s0 =	simm.s32 @p1 $0x1  }
0x15: {  	[smem:$0x3FB5] =	sst s0;
	s0 =	simm.s32 @!p2 $0x0  }
0x16: {  	s3 =	sld [smem:$0x3FDB];
	s0 =	simm.s32 @p2 $0x1  }
0x17: {  	s4 =	simm.s32 $0x1BF5;
	[smem:$0x3FB7] =	sst s0  }
0x18: {  	s0 =	sld [smem:$0x3F9A];
	_ =	swait.ge [sflag:s4], $0x0  }
0x19: {  	s7 =	sld [smem:$0x3F9B]  }
0x1a: {  	s8 =	sadd.s32 $0xFFFFE003, lr  }
0x1b: {  	s9 =	sadd.s32 $0xFFFFFEF7, lr;
	s5 =	simm.s32 $0xFFFFFFFF;
	p2 =	slt.u32 s8, $0xFFFFF086  }
0x1c: {  	p1 =	slt.u32 s9, $0xF7A;
	s5 =	simm.s32 @!p2 $0x0  }
0x1d: {  	s5 =	simm.s32 @p1 $0x1;
	p0 =	seq.s32 s7, s2  }
0x1e: {  	s7 =	smul.u32 @!p0 $0xF7A, s2;
	p2 =	seq.s32 @!p0 s5, $0x0  }
0x1f: {  	s9 =	smul.u32 $0xF7A, s1;
	s8 =	simm.s32 @!p0 $0x1BF5;
	p2 =	por !p2, p0  }
0x20: {  	[sflag:s8] =	ssyncset.s32 @!p0 $0xFFFFF086;
	s6 =	sadd.s32 @!p0 s3, s7;
	s7 =	simm.s32 @!p0 $0x108  }
0x21: {  	s3 =	sadd.s32 s3, s9;
	s6 =	sadd.s32 @!p0 $0x88, s6;
	s7 =	simm.s32 @p2 $0x1082  }
0x22: {  	[simem:s7], [sflag:s8] =	dma.local @!p0 [hbm:s6], $0xF7A  }
0x23: {  	s9 =	sor.u32 $0xD0000000, s2;
	s6 =	simm.s32 $0x108;
	_ =	swait.ge @!p0 [sflag:s8], $0x0  }
0x24: {  	s3 =	sadd.s32 $0x88, s3;
	s6 =	simm.s32 @!p1 $0x1082;
	[sflag:s4] =	ssyncset.s32 $0xFFFFF086  }
0x25: {  	[simem:s6], [sflag:s4] =	dma.local [hbm:s3], $0xF7A  }
0x26: {  	[smem:$0x3F9B] =	sst s1;
	(tag) =	ssettag s2;
	_ =	strace s9  }
0x27: {  	s1 =	sld [smem:$0x3FAB]  }
0x28: {  	s2 =	sld [smem:$0x3FAC]  }
0x29: {  	s4 =	sld [smem:$0x3FAE]  }
0x2a: {  	p0 =	seq.s32 s5, $0x0;
	s5 =	sld [smem:$0x3FAF]  }
0x2b: {  	s6 =	sld [smem:$0x3FB0]  }
0x2c: {  	s7 =	sld [smem:$0x3FB1]  }
0x2d: {  	s3 =	simm.s32 $0x108;
	s8 =	sld [smem:$0x3FB2]  }
0x2e: {  	s3 =	simm.s32 @!p0 $0x1082;
	s9 =	sld [smem:$0x3FB3]  }
0x2f: {  	lr =	sadd.s32 s0, s3;
	s0 =	sld [smem:$0x3FAA]  }
0x30: {  	s3 =	sld [smem:$0x3FAD]  }
0x31: {  	[smem:$0x3FB6] =	sst s10  }
0x32: {  	s10 =	sld [smem:$0x3FB4];
	_ =	sdelay $0x3  }
0x33: {  	p0 =	seq.s32 s10, $0x1;
	s10 =	sld [smem:$0x3FB6];
	_ =	sdelay $0x3  }
0x34: {  	[smem:$0x3FB6] =	sst s10  }
0x35: {  	s10 =	sld [smem:$0x3FB5];
	_ =	sdelay $0x3  }
0x36: {  	p1 =	seq.s32 s10, $0x1;
	s10 =	sld [smem:$0x3FB6];
	_ =	sdelay $0x3  }
0x37: {  	[smem:$0x3FB6] =	sst s10  }
0x38: {  	s10 =	sld [smem:$0x3FB7]  }
0x39: {  	_ = 	snop;
	(pc) =	sbr.ind lr, $3  }
0x3a: {  	_ = 	snop  }
0x3b: {  	_ = 	snop  }
0x3c: {  	p2 =	seq.s32 s10, $0x1;
	s10 =	sld [smem:$0x3FB6]  }
0x3d: {  	_ =	shalt  }
0x3e: {  	_ =	shalt  }
0x3f: {  	_ =	shalt  }
0x40: {  	_ =	shalt  }
0x41: {  	_ =	shalt  }
0x42: {  	_ =	shalt  }
0x43: {  	_ =	shalt  }
0x44: {  	_ =	shalt  }
0x45: {  	_ =	shalt  }
0x46: {  	_ =	shalt  }
0x47: {  	_ =	shalt  }
0x48: {  	_ =	shalt  }
0x49: {  	_ =	shalt  }
0x4a: {  	_ =	shalt  }
0x4b: {  	_ =	shalt  }
0x4c: {  	_ =	shalt  }
0x4d: {  	_ =	shalt  }
0x4e: {  	_ =	shalt  }
0x4f: {  	_ =	shalt  }
0x50: {  	_ =	shalt  }
0x51: {  	_ =	shalt  }
0x52: {  	_ =	shalt  }
0x53: {  	_ =	shalt  }
0x54: {  	_ =	shalt  }
0x55: {  	_ =	shalt  }
0x56: {  	_ =	shalt  }
0x57: {  	_ =	shalt  }
0x58: {  	_ =	shalt  }
0x59: {  	_ =	shalt  }
0x5a: {  	_ =	shalt  }
0x5b: {  	_ =	shalt  }
0x5c: {  	_ =	shalt  }
0x5d: {  	_ =	shalt  }
0x5e: {  	_ =	shalt  }
0x5f: {  	_ =	shalt  }
0x60: {  	_ =	shalt  }
0x61: {  	_ =	shalt  }
0x62: {  	_ =	shalt  }
0x63: {  	_ =	shalt  }
0x64: {  	_ =	shalt  }
0x65: {  	_ =	shalt  }
0x66: {  	_ =	shalt  }
0x67: {  	_ =	shalt  }
0x68: {  	_ =	shalt  }
0x69: {  	_ =	shalt  }
0x6a: {  	_ =	shalt  }
0x6b: {  	_ =	shalt  }
0x6c: {  	_ =	shalt  }
0x6d: {  	_ =	shalt  }
0x6e: {  	_ =	shalt  }
0x6f: {  	_ =	shalt  }
0x70: {  	_ =	shalt  }
0x71: {  	_ =	shalt  }
0x72: {  	_ =	shalt  }
0x73: {  	_ =	shalt  }
0x74: {  	_ =	shalt  }
0x75: {  	_ =	shalt  }
0x76: {  	_ =	shalt  }
0x77: {  	_ =	shalt  }
0x78: {  	_ =	shalt  }
0x79: {  	_ =	shalt  }
0x7a: {  	_ =	shalt  }
0x7b: {  	_ =	shalt  }
0x7c: {  	_ =	shalt  }
0x7d: {  	_ =	shalt  }
0x7e: {  	_ =	shalt  }
0x7f: {  	_ =	shalt  }
0x80: {  	_ =	shalt  }
0x81: {  	_ =	shalt  }
0x82: {  	_ =	shalt  }
0x83: {  	_ =	shalt  }
0x84: {  	_ =	shalt  }
0x85: {  	_ =	shalt  }
0x86: {  	_ =	shalt  }
0x87: {  	_ =	shalt  }
.Lfunc_end0:
.L_simem_size_0:
called_computation_lowered:
.L_overlay_start_0:
0x88: {  	s2 =	sld [smem:$0x3FD9]  }
0x89: {  	s3 =	sld [smem:$0x3FFE];
	_ =	sdelay $0x1  }
0x8a: {  	s1 =	srdreg.scid  }
0x8b: {  	s0 =	sand.u32 $0x1, s1  }
0x8c: {  	s17 =	sshll.u32 s0, $0xA;
	s2 =	sadd.s32 s3, s2  }
0x8d: {  	s2 =	sadd.s32 s2, s17  }
0x8e: {  	[smem:$0x3FC2] =	sst s2  }
0x8f: {  	_ = 	snop  }
0x90: {  	s2 =	sld [smem:$0x3FD0];
	(tm) =	ssettm $0x1  }
0x91: {  	s18 =	sld [smem:$0x3FFB];
	_ =	sdelay $0x3  }
0x92: {  	_ =	strace s18  }
0x93: {  	s3 =	sld [smem:$0x3FFC];
	_ =	sdelay $0x3  }
0x94: {  	_ =	strace s3  }
0x95: {  	s3 =	sld [smem:$0x3FFD];
	_ =	sdelay $0x3  }
0x96: {  	_ =	strace s3  }
0x97: {  	_ =	strace $0x8FFFFFFF  }
0x98: {  	s19 =	sld [smem:$0x3FDB];
	_ =	sdelay $0x1  }
0x99: {  	s4 =	simm.s32 $_scs_section_size  }
0x9a: {  	s5 =	simm.s32 $_size__tile_overlayer_lowered;
	s6 =	simm.s32 $_tile_overlayer_lowered  }
0x9b: {  	s22 =	simm.s32 $0x1BFF;
	s21 =	sshll.u32 s6, $0x1;
	s3 =	sadd.s32 s4, s19  }
0x9c: {  	s7 =	simm.s32 $0x0;
	s20 =	sshll.u32 s5, $0x1;
	s5 =	sadd.s32 s21, s3  }
0x9d: {  	[timem:s7], [sflag:s22] =	dma.local [hbm:s5], s20  }
0x9e: {  	_ =	swait.ge [sflag:s22], s20  }
0x9f: {  	s4 =	ssub.s32 $0x0, s20;
	[sflag:s22] =	ssyncset.done $0x0  }
0xa0: {  	[sflag:s22] =	ssyncadd.s32 s4;
	_ =	sdelay $0x1  }
0xa1: {  	s23 =	simm.s32 $0x1B8B  }
0xa2: {  	_ =	swait.ge [sflag:s23], $0x1  }
0xa3: {  	[sflag:s23] =	ssyncset.done $0x0  }
0xa4: {  	s25 =	simm.s32 $0x1B8E;
	s24 =	sld [smem:$0x3FFE];
	[sflag:s23] =	ssyncadd.s32 $0xFFFFFFFF  }
0xa5: {  	s26 =	simm.s32 $execute0_lowered;
	[smem:$0x3FD2] =	sst s25  }
0xa6: {  	s5 =	sshll.u32 s26, $0x1;
	_ =	strace $0x80000046;
	[dreg:$0x1] =	wrdreg $0xFFFFFFFF  }
0xa7: {  	s28 =	simm.s32 $_size_execute0_lowered;
	s3 =	sadd.s32 s3, s5;
	[dreg:$0x0] =	wrdreg $0x0  }
0xa8: {  	s5 =	sshll.u32 s28, $0x1;
	[dreg:$0x2] =	wrdreg s3  }
0xa9: {  	[dreg:$0x3] =	wrdreg s5  }
0xaa: {  	[dreg:$0x4] =	wrdreg $0xC0  }
0xab: {  	_ =	task [dreg:s7], $0x5FFFF  }
0xac: {  	[dreg:$0x1] =	wrdreg $0xFFFFFFFF  }
0xad: {  	[dreg:$0x0] =	wrdreg $0x60  }
0xae: {  	[dreg:$0x2] =	wrdreg s2  }
0xaf: {  	[dreg:$0x3] =	wrdreg s24  }
0xb0: {  	[dreg:$0x4] =	wrdreg $0x30000  }
0xb1: {  	[dreg:$0x5] =	wrdreg $0x9  }
0xb2: {  	_ =	task.clear_ibuf [dreg:s7], $0x6FFFF;
	_ =	strace $0x90000046  }
0xb3: {  	s29 =	simm.s32 $0x9;
	_ =	strace $0x80000048  }
0xb4: {  	_ =	swait.ge [sflag:s29], $0x1  }
0xb5: {  	[sflag:s29] =	ssyncadd.s32 $0xFFFFFFFF  }
0xb6: {  	_ =	strace $0x90000048  }
0xb7: {  	_ =	sfence  }
0xb8: {  	s30 =	sld [smem:$0x0];
	_ =	sdelay $0x2  }
0xb9: {  	s31 =	sshll.u32 s1, $0xD;
	s1 =	sshrl.u32 s1, $0x2  }
0xba: {  	s3 =	sand.u32 $0x4000, s31;
	s1 =	sadd.s32 s1, s30  }
0xbb: {  	s0 =	sor.u32 s3, s0;
	s1 =	sshll.u32 s1, $0x11  }
0xbc: {  	s0 =	sor.u32 s1, s0  }
0xbd: {  	s0 =	sadd.s32 $0x8F2B, s0  }
0xbe: {  	[sflag:s0] =	ssyncadd.remote.s32 $0x1  }
0xbf: {  	_ =	sfence.sel $0xFFFF  }
0xc0: {  	[dreg:$0x0] =	wrdreg $0xFFFFFFFF;
	(pc) =	sbr.abs _section_cstart, $3  }
0xc1: {  	[dreg:$0x1] =	wrdreg $0xFFFFFFFF  }
0xc2: {  	_ =	task.clear_ibuf [dreg:s7], $0x2FFFF;
	_ =	strace $0x9FFFFFFF  }
0xc3: {  	(tm) =	ssettm $0x7FFFFFFF  }
tec
execute0_lowered:
.L_overlay_start_1:
0x0: {  	(tag) =	ssettag $0x1  }
0x1: {  	s4 =	rddreg [dreg:$0x0]  }
0x2: {  	s5 =	rddreg [dreg:$0x1]  }
0x3: {  	s2 =	rddreg [dreg:$0x2];
	s3 =	srdreg.scid  }
0x4: {  	s1 =	stileid.u32;
	s0 =	rddreg [dreg:$0x3];
	s11 =	simm.s32 $0x2  }
0x5: {  	s12 =	simm.s32 $0x2800;
	s13 =	simm.s32 $0x80;
	s14 =	simm.s32 $0x1  }
0x6: {  	s18 =	simm.s32 $0x0;
	s6 =	sand.u32 $0x1, s3;
	s9 =	smul.u32 $0xA000, s1  }
0x7: {  	s7 =	sshll.u32 s1, $0x1;
	s3 =	simm.s32 $0x0;
	s10 =	smul.u32 $0x2800, s1  }
0x8: {  	s31 =	sshll.u32 s1, $0x6;
	s8 =	smul.u32 $0x5000, s6;
	s7 =	sor.u32 s6, s7  }
0x9: {  	[smem:$0x7FF] =	sst s3;
	s6 =	ssub.s32 $0x2, s6;
	s7 =	smul.u32 $0x500, s7  }
0xa: {  	_ =	strace $0x80000047;
	s29 =	sshrl.u32 s6, $0x1;
	s30 =	sshrl.u32 s9, $0x2  }
0xb: {  	s16 =	sshrl.u32 s10, $0x3;
	s17 =	sadd.s32 s10, s2;
	s8 =	sadd.s32 s8, s5  }
0xc: {  	s6 =	ssub.s32 s6, s29;
	s5 =	sadd.s32 s30, s2;
	s17 =	sshrl.u32 s17, $0x3  }
0xd: {  	s4 =	sadd.s32 s4, s7;
	s15 =	sadd.s32 $0x1A00, s8;
	s6 =	smax.u32 s6, $0x1  }
0xe: {  	s7 =	sadd.s32 $0x800, s5;
	s8 =	sadd.s32 $0x1000, s5;
	s9 =	sadd.s32 $0x1800, s5  }
0xf: {  	v0 =	vimm.f32 $0.0e+00;
	v1 =	vimm.f32 $1.000000000e+00;
	s10 =	sadd.s32 $0x2000, s5;
	s15 =	sadd.s32 s16, s15;
	s16 =	sor.u32 $0x1C02, s31  }
.LBB2_1:
0x10: {  	[tilespmem:s3], [sflag:$0x2] =	stream.linear.gather [hbm4b:s4+s3], $0x2800, $0x38;
	[tilespmem:$0x5800] =	vst v63  }
0x11: {  	_ =	swait.ge [sflag:s11], $0x2800  }
0x12: {  	[sflag:s11] =	ssyncset.done $0x0  }
0x13: {  	s19 =	simm.s32 $0x40;
	s20 =	simm.s32 $0x0;
	[sflag:s11] =	ssyncadd.s32 $0xFFFFD800  }
.LBB2_2:
0x14: {  	p0 =	sne.s32 s19, $0x1FC0;
	[tilespmem:s20+$0x2800] =	vst v0;
	s20 =	smov.u32 s19;
	s19 =	sadd.s32 $0x40, s19  }
.Ltmp0:
0x15: {  	(pc) =	sbr.rel @p0 .LBB2_2-.Ltmp0, $2  }
0x16: {  	_ =	sdelay $0x2  }
0x17: {  	s20 =	sshra.s32 s20, $0x2  }
0x18: {  	[tilespmem:s20+$0x2800] =	vst v0  }
0x19: {  	[spmem:s5] =	stream.linear.scatter [tilespmem:s12], [sflag:$0x2], $0x800, $0x38;
	[tilespmem:$0x5800] =	vst v63  }
0x1a: {  	_ =	swait.ge [sflag:s11], $0x800  }
0x1b: {  	[sflag:s11] =	ssyncset.done $0x0  }
0x1c: {  	[sflag:s11] =	ssyncadd.s32 $0xFFFFF800  }
0x1d: {  	[spmem:s7] =	stream.linear.scatter [tilespmem:s12], [sflag:$0x2], $0x800, $0x38;
	[tilespmem:$0x5800] =	vst v63  }
0x1e: {  	_ =	swait.ge [sflag:s11], $0x800  }
0x1f: {  	[sflag:s11] =	ssyncset.done $0x0  }
0x20: {  	[sflag:s11] =	ssyncadd.s32 $0xFFFFF800  }
0x21: {  	[spmem:s8] =	stream.linear.scatter [tilespmem:s12], [sflag:$0x2], $0x800, $0x38;
	[tilespmem:$0x5800] =	vst v63  }
0x22: {  	_ =	swait.ge [sflag:s11], $0x800  }
0x23: {  	[sflag:s11] =	ssyncset.done $0x0  }
0x24: {  	[sflag:s11] =	ssyncadd.s32 $0xFFFFF800  }
0x25: {  	[spmem:s9] =	stream.linear.scatter [tilespmem:s12], [sflag:$0x2], $0x800, $0x38;
	[tilespmem:$0x5800] =	vst v63  }
0x26: {  	_ =	swait.ge [sflag:s11], $0x800  }
0x27: {  	[sflag:s11] =	ssyncset.done $0x0  }
0x28: {  	[sflag:s11] =	ssyncadd.s32 $0xFFFFF800  }
0x29: {  	[spmem:s10] =	stream.linear.scatter [tilespmem:s12], [sflag:$0x2], $0x800, $0x38;
	[tilespmem:$0x5800] =	vst v63  }
0x2a: {  	_ =	swait.ge [sflag:s11], $0x800  }
0x2b: {  	[sflag:s11] =	ssyncset.done $0x0  }
0x2c: {  	s19 =	simm.s32 $0x0;
	[sflag:s11] =	ssyncadd.s32 $0xFFFFF800  }
0x2d: {  	s20 =	simm.s32 $0x40;
	s21 =	simm.s32 $0x0;
	[bflag:$0x0] =	sbarrier.arrive $0xFFFF  }
.LBB2_4:
0x2e: {  	p0 =	sne.s32 s20, $0x1FC0;
	[tilespmem:s21+$0x2800] =	vst v1;
	s21 =	smov.u32 s20;
	s20 =	sadd.s32 $0x40, s20  }
.Ltmp1:
0x2f: {  	(pc) =	sbr.rel @p0 .LBB2_4-.Ltmp1, $2  }
0x30: {  	_ =	sdelay $0x2  }
0x31: {  	s21 =	sshra.s32 s21, $0x2  }
0x32: {  	[tilespmem:s21+$0x2800] =	vst v1;
	p0 =	por $0x1, $0x1  }
0x33: {  	[spmem:s2] =	stream.indirect.scatter.add.f32 [tilespmem:s12], [sflag:$0x1], $0x10, s19, s13, $0xb8;
	[tilespmem:$0x5800] =	vst v63  }
0x34: {  	s21 =	simm.s32 @!p0 $0x1  }
0x35: {  	_ =	swait.ge @!p0 [sflag:s21], $0x800  }
0x36: {  	s20 =	simm.s32 $0x1;
	[sflag:s21] =	ssyncset.done @!p0 $0x0  }
.LBB2_6:
0x37: {  	[sflag:s21] =	ssyncadd.s32 @!p0 $0xFFFFF800  }
0x38: {  	s19 =	sadd.s32 $0x80, s19;
	s21 =	smov.u32 s20;
	s20 =	sadd.s32 $0x1, s20  }
0x39: {  	p1 =	sne.s32 s20, $0x50  }
0x3a: {  	[spmem:s2] =	stream.indirect.scatter.add.f32 [tilespmem:s12], [sflag:$0x1], $0x10, s19, s13, $0xb8;
	[tilespmem:$0x5800] =	vst v63  }
.Ltmp2:
0x3b: {  	_ = 	snop;
	(pc) =	sbr.rel @p1 .LBB2_6-.Ltmp2, $4  }
0x3c: {  	p0 =	slt.u32 s21, $0x8  }
0x3d: {  	s21 =	simm.s32 @!p0 $0x1  }
0x3e: {  	_ =	swait.ge @!p0 [sflag:s21], $0x800  }
0x3f: {  	[sflag:s21] =	ssyncset.done @!p0 $0x0  }
0x40: {  	[sflag:s21] =	ssyncadd.s32 @!p0 $0xFFFFF800  }
0x41: {  	_ =	swait.ge [sflag:s14], $0x800  }
0x42: {  	[sflag:s14] =	ssyncset.done $0x0  }
0x43: {  	[sflag:s14] =	ssyncadd.s32 $0xFFFFF800  }
0x44: {  	_ =	swait.ge [sflag:s14], $0x800  }
0x45: {  	[sflag:s14] =	ssyncset.done $0x0  }
0x46: {  	[sflag:s14] =	ssyncadd.s32 $0xFFFFF800  }
0x47: {  	_ =	swait.ge [sflag:s14], $0x800  }
0x48: {  	[sflag:s14] =	ssyncset.done $0x0  }
0x49: {  	[sflag:s14] =	ssyncadd.s32 $0xFFFFF800  }
0x4a: {  	_ =	swait.ge [sflag:s14], $0x800  }
0x4b: {  	[sflag:s14] =	ssyncset.done $0x0  }
0x4c: {  	[sflag:s14] =	ssyncadd.s32 $0xFFFFF800  }
0x4d: {  	_ =	swait.ge [sflag:s14], $0x800  }
0x4e: {  	[sflag:s14] =	ssyncset.done $0x0  }
0x4f: {  	[sflag:s14] =	ssyncadd.s32 $0xFFFFF800  }
0x50: {  	_ =	swait.ge [sflag:s14], $0x800  }
0x51: {  	[sflag:s14] =	ssyncset.done $0x0  }
0x52: {  	[sflag:s14] =	ssyncadd.s32 $0xFFFFF800  }
0x53: {  	_ =	swait.ge [sflag:s14], $0x800  }
0x54: {  	[sflag:s14] =	ssyncset.done $0x0  }
0x55: {  	[sflag:s14] =	ssyncadd.s32 $0xFFFFF800  }
0x56: {  	_ =	swait.ge [sflag:s14], $0x800  }
0x57: {  	s18 =	sadd.s32 $0x1, s18;
	[sflag:s14] =	ssyncset.done $0x0  }
0x58: {  	p0 =	sne.s32 s18, s6;
	[sflag:s14] =	ssyncadd.s32 $0xFFFFF800  }
.Ltmp3:
0x59: {  	[bflag:$0x0] =	sbarrier.arrive $0xFFFF;
	(pc) =	sbr.rel @p0 .LBB2_1-.Ltmp3, $4  }
0x5a: {  	[hbm:s15], [sflag:s16] =	dma.local [spmem:s17], $0x500  }
0x5b: {  	_ =	swait.ge [sflag:s11], $0x500  }
0x5c: {  	[sflag:s11] =	ssyncset.done $0x0  }
0x5d: {  	[sflag:s11] =	ssyncadd.s32 $0xFFFFFB00  }
0x5e: {  	_ =	sfence.sel $0x180000  }
0x5f: {  	[bflag:$0x0] =	sbarrier.arrive $0xFFFF  }
0x60: {  	p0 =	sne.s32 s1, $0x0;
	_ =	strace $0x90000047  }
0x61: {  	s0 =	sadd.s32 @!p0 $0x100000, s0;
	[bflag:$0x2] =	sbarrier.arrive $0xFFFF  }
0x62: {  	[sflag:s0] =	ssyncadd.tile.s32 @!p0 $0x1;
	_ =	shalt  }
.Lfunc_end2:
_tile_overlayer_lowered:
.L_overlay_start_2:
0x63: {  	(tag) =	ssettag $0x2  }
0x64: {  	s0 =	rddreg [dreg:$0x0];
	s2 =	stileid.u32  }
0x65: {  	s1 =	rddreg [dreg:$0x1];
	p0 =	sne.s32 s2, $0x0  }
0x66: {  	s3 =	rddreg [dreg:$0x2];
	[bflag:$0x3] =	sbarrier.arrive $0xFFFF;
	s2 =	simm.s32 @!p0 $0x1C02  }
0x67: {  	[timem:s3], [sflag:s2] =	dma.local @!p0 [hbm:s0], s1  }
0x68: {  	s0 =	simm.s32 @!p0 $0x2  }
0x69: {  	_ =	swait.ge @!p0 [sflag:s0], s1  }
0x6a: {  	s1 =	ssub.s32 @!p0 $0x0, s1;
	[sflag:s0] =	ssyncset.done @!p0 $0x0  }
0x6b: {  	[sflag:s0] =	ssyncadd.s32 @!p0 s1  }
0x6c: {  	[bflag:$0x3] =	sbarrier.arrive $0xFFFF  }
0x6d: {  	_ =	shalt  }

</sc_bundles>
